<compile_context>
chip_gen: v7x
topology: tpu7x:2x2x1
jax: 0.10.2.dev20260603
libtpu: 0.0.44.dev20260713+nightly
codegen_flags: <defaults>
</compile_context>

<pallas_src>
import functools

import jax
import jax.numpy as jnp
from jax import lax
from jax.experimental import pallas as pl
from jax.experimental.pallas import tpu as pltpu
from jax.experimental.pallas import tpu_sc as plsc

N = 10000
H = 128
B = 64
E = 320000
NC = 2
NS = 16
NW = NC * NS
CH = 128
NCHUNK = 80
EPAD = NW * NCHUNK * CH
NB = 2
NACC = 10240
ZR = 80
ROWS_T = 624
CPR = 104
TAIL0 = NS * ROWS_T
TAILR = N - TAIL0

def _sc_agg_body(x_hbm, src_hbm, dst_hbm, out_hbm, src_v, d0, d1,
                 b0, b1, acc_sh, g0, g1, s0, s1, e0, e1):
    bufs = (b0, b1)
    dring = (d0, d1)
    gsem = (g0, g1)
    ssem = (s0, s1)
    dsem = (e0, e1)
    c = lax.axis_index("c")
    s = lax.axis_index("s")
    wid = s * NC + c

    pltpu.sync_copy(src_hbm.at[wid], src_v)

    rows_v = bufs[0]

    def _zrow(i, _):
        def _zcol(j, __):
            rows_v[i, pl.ds(j * 16, 16)] = jnp.zeros((16,), jnp.float32)
            return 0
        return lax.fori_loop(0, H // 16, _zcol, 0)
    lax.fori_loop(0, ZR, _zrow, 0)
    nz = NACC // NS // ZR
    for z in range(nz):
        pltpu.sync_copy(rows_v.at[pl.ds(0, ZR)],
                        acc_sh.at[pl.ds(s * (nz * ZR) + z * ZR, ZR)])
    plsc.subcore_barrier()

    def _gather(j, b):
        pltpu.async_copy(x_hbm.at[src_v.at[j]], bufs[b], gsem[b])

    for b in range(NB):
        pltpu.async_copy(dst_hbm.at[wid, b], dring[b], dsem[b])
        _gather(b, b)

    def _outer(t, _):
        j0 = t * NB
        for b in range(NB):
            pltpu.make_async_copy(x_hbm.at[src_v.at[j0 + b]], bufs[b], gsem[b]).wait()
            pltpu.make_async_copy(dst_hbm.at[wid, j0 + b], dring[b], dsem[b]).wait()
            pltpu.async_copy(bufs[b], acc_sh.at[dring[b]], ssem[b], add=True)
        for b in range(NB):
            pltpu.make_async_copy(bufs[b], acc_sh.at[dring[b]], ssem[b]).wait()

            @pl.when(j0 + NB + b < NCHUNK)
            def _():
                pltpu.async_copy(dst_hbm.at[wid, j0 + NB + b], dring[b], dsem[b])
                _gather(j0 + NB + b, b)
        return 0
    lax.fori_loop(0, NCHUNK // NB, _outer, 0)
    plsc.subcore_barrier()

    nk = ROWS_T // CPR
    for k in range(nk):
        bk = bufs[k % 2]
        r0 = s * ROWS_T + k * CPR
        if k >= 2:
            rp = s * ROWS_T + (k - 2) * CPR
            pltpu.make_async_copy(bk.at[pl.ds(0, CPR)],
                                  out_hbm.at[c, pl.ds(rp, CPR)], ssem[k % 2]).wait()
        pltpu.sync_copy(acc_sh.at[pl.ds(r0, CPR)], bk.at[pl.ds(0, CPR)])
        pltpu.async_copy(bk.at[pl.ds(0, CPR)], out_hbm.at[c, pl.ds(r0, CPR)], ssem[k % 2])
    for k in range(nk - 2, nk):
        bk = bufs[k % 2]
        r0 = s * ROWS_T + k * CPR
        pltpu.make_async_copy(bk.at[pl.ds(0, CPR)],
                              out_hbm.at[c, pl.ds(r0, CPR)], ssem[k % 2]).wait()

    @pl.when(s == 0)
    def _tail():
        pltpu.sync_copy(acc_sh.at[pl.ds(TAIL0, TAILR)], b0.at[pl.ds(0, TAILR)])
        pltpu.sync_copy(b0.at[pl.ds(0, TAILR)], out_hbm.at[c, pl.ds(TAIL0, TAILR)])


@functools.lru_cache(maxsize=None)
def _make_sc_agg():
    mesh = plsc.VectorSubcoreMesh(core_axis_name="c", subcore_axis_name="s")
    return pl.kernel(
        _sc_agg_body,
        mesh=mesh,
        out_type=jax.ShapeDtypeStruct((NC, N, H), jnp.float32),
        scratch_types=(
            [pltpu.VMEM((NCHUNK, CH), jnp.int32)]
            + [pltpu.VMEM((CH,), jnp.int32)] * NB
            + [pltpu.VMEM((CH, H), jnp.float32)] * NB
            + [pltpu.VMEM_SHARED((NACC, H), jnp.float32)]
            + [pltpu.SemaphoreType.DMA] * (3 * NB)
        ),
    )


def _dense1_body(x_ref, agg_ref, Wa_ref, ba_ref, g_ref, be_ref, Wb_ref, bb_ref, out_ref):
    h = x_ref[...] + agg_ref[0] + agg_ref[1]
    h = jnp.dot(h, Wa_ref[...], preferred_element_type=jnp.float32) + ba_ref[...]
    m = jnp.mean(h, axis=0, keepdims=True)
    cc = h - m
    v = jnp.mean(cc * cc, axis=0, keepdims=True)
    h = g_ref[...] * cc / jnp.sqrt(v + 1e-5) + be_ref[...]
    h = jnp.maximum(h, 0.0)
    h = jnp.dot(h, Wb_ref[...], preferred_element_type=jnp.float32) + bb_ref[...]
    out_ref[...] = jnp.maximum(h, 0.0)


_dense1 = pl.pallas_call(
    _dense1_body,
    out_shape=jax.ShapeDtypeStruct((N, H), jnp.float32),
)


def _pool_head_body(h1_ref, h2_ref, batch_ref, Wl1_ref, bl1_ref, Wl2_ref, bl2_ref,
                    sig_ref, lin_ref):
    h1 = h1_ref[...]
    h2 = h2_ref[...]
    bvec = batch_ref[...]
    seg = lax.broadcasted_iota(jnp.int32, (1, B), 1)
    onehot = (bvec == seg).astype(jnp.float32)
    dn = (((0,), (0,)), ((), ()))
    h1_sum = lax.dot_general(onehot, h1, dn, preferred_element_type=jnp.float32,
                             precision=lax.Precision.HIGHEST)
    h2_sum = lax.dot_general(onehot, h2, dn, preferred_element_type=jnp.float32,
                             precision=lax.Precision.HIGHEST)

    neg = jnp.float32(-jnp.inf)
    rowid = lax.broadcasted_iota(jnp.int32, (B, 1), 0)

    def _seg_max(b, carry):
        m1acc, m2acc = carry
        mask = bvec == b
        m1 = jnp.max(jnp.where(mask, h1, neg), axis=0, keepdims=True)
        m2 = jnp.max(jnp.where(mask, h2, neg), axis=0, keepdims=True)
        rowsel = rowid == b
        return (jnp.where(rowsel, m1, m1acc), jnp.where(rowsel, m2, m2acc))

    h1_max, h2_max = lax.fori_loop(
        0, B, _seg_max,
        (jnp.full((B, H), neg), jnp.full((B, H), neg)))

    hp = jnp.concatenate((h1_sum, h2_sum, h1_max, h2_max), axis=1)
    hh = jnp.dot(hp, Wl1_ref[...], preferred_element_type=jnp.float32) + bl1_ref[...]
    hh = jnp.maximum(hh, 0.0)
    hh = jnp.dot(hh, Wl2_ref[...], preferred_element_type=jnp.float32) + bl2_ref[...]
    lin_ref[...] = hh
    sig_ref[...] = jax.nn.sigmoid(hh)


_pool_head = pl.pallas_call(
    _pool_head_body,
    out_shape=(jax.ShapeDtypeStruct((B, 1), jnp.float32),
               jax.ShapeDtypeStruct((B, 1), jnp.float32)),
)


def kernel(x, edge_index, batch, W1a, b1a, g1, be1, W1b, b1b, W2a, b2a, g2, be2,
           W2b, b2b, Wl1, bl1, Wl2, bl2):
    src = edge_index[0]
    dst = edge_index[1]
    pad = EPAD - E
    src3 = jnp.concatenate([src, jnp.zeros((pad,), jnp.int32)]).reshape(NW, NCHUNK, CH)
    dst3 = jnp.concatenate([dst, jnp.full((pad,), N, jnp.int32)]).reshape(NW, NCHUNK, CH)

    _sc_agg = _make_sc_agg()
    agg1 = _sc_agg(x, src3, dst3)
    h1 = _dense1(x, agg1, W1a, b1a.reshape(1, H), g1.reshape(1, H),
                 be1.reshape(1, H), W1b, b1b.reshape(1, H))
    agg2 = _sc_agg(h1, src3, dst3)
    h2 = _dense1(h1, agg2, W2a, b2a.reshape(1, H), g2.reshape(1, H),
                 be2.reshape(1, H), W2b, b2b.reshape(1, H))
    return _pool_head(h1, h2, batch.reshape(N, 1),
                      Wl1, bl1.reshape(1, 4 * H), Wl2, bl2.reshape(1, 1))

# --- scband reference (transcript-rebuilt; emitter-appended) ---
"""Pipeline reference for scband-gin-78606491452619 (READ-ONLY COPY).

The authoritative reference and input builder live on the scoring server;
editing this copy changes nothing except your own understanding.
"""

import jax, jax.numpy as jnp
import numpy as np

N = 10000
E = 320000
F_IN = 128
H = 128
B = 64

def _glorot(key, shape):
    fan_in = shape[0]
    return jax.random.normal(key, shape, jnp.float32) * (1.0 / np.sqrt(fan_in))

def setup_inputs(seed: int = 0):
    key = jax.random.key(seed)
    ks = jax.random.split(key, 12)
    inp = {}
    inp['x'] = jax.random.normal(ks[0], (N, F_IN), jnp.float32)
    inp['edge_index'] = jax.random.randint(ks[1], (2, E), 0, N, dtype=jnp.int32)
    inp['batch'] = jnp.sort(jax.random.randint(ks[2], (N,), 0, B, dtype=jnp.int32))
    inp['W1a'] = _glorot(ks[3], (F_IN, H)); inp['b1a'] = jnp.zeros((H,), jnp.float32)
    inp['g1'] = jnp.ones((H,), jnp.float32); inp['be1'] = jnp.zeros((H,), jnp.float32)
    inp['W1b'] = _glorot(ks[4], (H, H)); inp['b1b'] = jnp.zeros((H,), jnp.float32)
    inp['W2a'] = _glorot(ks[5], (H, H)); inp['b2a'] = jnp.zeros((H,), jnp.float32)
    inp['g2'] = jnp.ones((H,), jnp.float32); inp['be2'] = jnp.zeros((H,), jnp.float32)
    inp['W2b'] = _glorot(ks[6], (H, H)); inp['b2b'] = jnp.zeros((H,), jnp.float32)
    inp['Wl1'] = _glorot(ks[7], (4 * H, 4 * H)); inp['bl1'] = jnp.zeros((4 * H,), jnp.float32)
    inp['Wl2'] = _glorot(ks[8], (4 * H, 1)); inp['bl2'] = jnp.zeros((1,), jnp.float32)
    return inp

def _bn(h, g, b):
    # BatchNorm1d in training mode: batch statistics
    m = h.mean(axis=0)
    v = h.var(axis=0)
    return g * (h - m) / jnp.sqrt(v + 1e-5) + b

def _gin_conv(x, src, dst, Wa, ba, g, be, Wb, bb):
    # GINConv: MLP((1 + eps) * x + sum_{j in N(i)} x_j), eps = 0
    agg = jax.ops.segment_sum(x[src], dst, num_segments=N)
    h = x + agg
    h = h @ Wa + ba
    h = _bn(h, g, be)
    h = jax.nn.relu(h)
    h = h @ Wb + bb
    return jax.nn.relu(h)

def reference(x, edge_index, batch, W1a, b1a, g1, be1, W1b, b1b, W2a, b2a, g2, be2, W2b, b2b, Wl1, bl1, Wl2, bl2):
    src, dst = edge_index[0], edge_index[1]
    h1 = _gin_conv(x, src, dst, W1a, b1a, g1, be1, W1b, b1b)
    h2 = _gin_conv(h1, src, dst, W2a, b2a, g2, be2, W2b, b2b)
    h1_sum = jax.ops.segment_sum(h1, batch, num_segments=B, indices_are_sorted=True)
    h1_max = jax.ops.segment_max(h1, batch, num_segments=B, indices_are_sorted=True)
    h2_sum = jax.ops.segment_sum(h2, batch, num_segments=B, indices_are_sorted=True)
    h2_max = jax.ops.segment_max(h2, batch, num_segments=B, indices_are_sorted=True)
    h = jnp.concatenate((h1_sum, h2_sum, h1_max, h2_max), axis=1)
    h = h @ Wl1 + bl1
    h = jax.nn.relu(h)
    h = h @ Wl2 + bl2
    return (jax.nn.sigmoid(h), h)

if __name__ == "__main__":
    import jax
    _d = setup_inputs()
    print(jax.jit(kernel)(*tuple(_d.values())))

</pallas_src>

<mosaic_0001>
#map = affine_map<(d0, d1) -> (0, 0)>
#map1 = affine_map<(d0, d1) -> (0, 0, 0)>
module attributes {stable_mosaic.version = 14 : i64} {
  func.func @_sc_agg_body(%arg0: i32, %arg1: i32, %arg2: memref<10000x128xf32, #tpu.memory_space<hbm>>, %arg3: memref<32x80x128xi32, #tpu.memory_space<hbm>>, %arg4: memref<32x80x128xi32, #tpu.memory_space<hbm>>, %arg5: memref<2x10000x128xf32, #tpu.memory_space<hbm>>, %arg6: memref<80x128xi32, #tpu.memory_space<vmem>>, %arg7: memref<128xi32, #tpu.memory_space<vmem>>, %arg8: memref<128xi32, #tpu.memory_space<vmem>>, %arg9: memref<128x128xf32, #tpu.memory_space<vmem>>, %arg10: memref<128x128xf32, #tpu.memory_space<vmem>>, %arg11: memref<10240x128xf32, #tpu.memory_space<vmem_shared>>, %arg12: memref<!tpu.dma_semaphore, #tpu.memory_space<semaphore_mem>>, %arg13: memref<!tpu.dma_semaphore, #tpu.memory_space<semaphore_mem>>, %arg14: memref<!tpu.dma_semaphore, #tpu.memory_space<semaphore_mem>>, %arg15: memref<!tpu.dma_semaphore, #tpu.memory_space<semaphore_mem>>, %arg16: memref<!tpu.dma_semaphore, #tpu.memory_space<semaphore_mem>>, %arg17: memref<!tpu.dma_semaphore, #tpu.memory_space<semaphore_mem>>) attributes {dimension_semantics = [#tpu.dimension_semantics<core_parallel>, #tpu.dimension_semantics<subcore_parallel>], iteration_bounds = array<i64: 2, 16>, scalar_prefetch = 0 : i64, scratch_operands = 12 : i64, tpu.core_type = #tpu.core_type<sc_vector_subcore>, window_params = [{transform_indices = #map}, {transform_indices = #map1}, {transform_indices = #map1}, {transform_indices = #map1}]} {
    %mul3A = arith.constant 2 : i32
    %mul3A_0 = arith.muli %arg1, %mul3A : i32
    %add3A = arith.addi %mul3A_0, %arg0 : i32
    "tpu.region"() ({
      %run_scoped3A = tpu.sem_alloc : memref<!tpu.dma_semaphore, #tpu.memory_space<semaphore_mem>>
      %dma_start3A_267 = arith.constant 0 : i32
      %dma_start3A_268 = arith.constant 0 : i32
      %dma_start3A_269 = tpu.memref_slice %arg3[%add3A, %dma_start3A_267, %dma_start3A_268] : memref<32x80x128xi32, #tpu.memory_space<hbm>> -> memref<1x80x128xi32, #tpu.memory_space<hbm>>
      %dma_start3A_270 = tpu.memref_squeeze %dma_start3A_269 : memref<1x80x128xi32, #tpu.memory_space<hbm>> -> memref<80x128xi32, #tpu.memory_space<hbm>>
      %dma_start3A_271 = arith.constant 0 : i32
      %dma_start3A_272 = arith.constant 0 : i32
      %dma_start3A_273 = tpu.memref_slice %arg3[%add3A, %dma_start3A_271, %dma_start3A_272] : memref<32x80x128xi32, #tpu.memory_space<hbm>> -> memref<1x80x128xi32, #tpu.memory_space<hbm>>
      %dma_start3A_274 = tpu.memref_squeeze %dma_start3A_273 : memref<1x80x128xi32, #tpu.memory_space<hbm>> -> memref<80x128xi32, #tpu.memory_space<hbm>>
      tpu.enqueue_dma source(%dma_start3A_274 : memref<80x128xi32, #tpu.memory_space<hbm>>) target(%arg6 : memref<80x128xi32, #tpu.memory_space<vmem>>) target_semaphore(%run_scoped3A : memref<!tpu.dma_semaphore, #tpu.memory_space<semaphore_mem>>)
      %dma_wait3A_275 = arith.constant 0 : i32
      %dma_wait3A_276 = arith.constant 0 : i32
      %dma_wait3A_277 = tpu.memref_slice %arg3[%add3A, %dma_wait3A_275, %dma_wait3A_276] : memref<32x80x128xi32, #tpu.memory_space<hbm>> -> memref<1x80x128xi32, #tpu.memory_space<hbm>>
      %dma_wait3A_278 = tpu.memref_squeeze %dma_wait3A_277 : memref<1x80x128xi32, #tpu.memory_space<hbm>> -> memref<80x128xi32, #tpu.memory_space<hbm>>
      %dma_wait3A_279 = arith.constant 0 : i32
      %dma_wait3A_280 = arith.constant 0 : i32
      %dma_wait3A_281 = tpu.memref_slice %arg3[%add3A, %dma_wait3A_279, %dma_wait3A_280] : memref<32x80x128xi32, #tpu.memory_space<hbm>> -> memref<1x80x128xi32, #tpu.memory_space<hbm>>
      %dma_wait3A_282 = tpu.memref_squeeze %dma_wait3A_281 : memref<1x80x128xi32, #tpu.memory_space<hbm>> -> memref<80x128xi32, #tpu.memory_space<hbm>>
      tpu.wait_dma2 semaphore(%run_scoped3A : memref<!tpu.dma_semaphore, #tpu.memory_space<semaphore_mem>>) src(%dma_wait3A_282 : memref<80x128xi32, #tpu.memory_space<hbm>>) dst(%arg6 : memref<80x128xi32, #tpu.memory_space<vmem>>)
      tpu.yield
    }) : () -> ()
    %scan3A = arith.constant 0 : i32
    %scan3A_1 = arith.constant 0 : i32
    %scan3A_2 = arith.constant 80 : i32
    %scan3A_3 = arith.addi %scan3A_1, %scan3A_2 : i32
    %scan3A_4 = arith.constant 1 : i32
    %scan3A_5 = scf.for %scan3A_267 = %scan3A_1 to %scan3A_3 step %scan3A_4 iter_args(%scan3A_268 = %scan3A) -> (i32)  : i32 {
      %scan3A_269 = arith.constant 0 : i32
      %scan3A_270 = arith.constant 0 : i32
      %scan3A_271 = arith.constant 8 : i32
      %scan3A_272 = arith.addi %scan3A_270, %scan3A_271 : i32
      %scan3A_273 = arith.constant 1 : i32
      %scan3A_274 = scf.for %scan3A_276 = %scan3A_270 to %scan3A_272 step %scan3A_273 iter_args(%scan3A_277 = %scan3A_269) -> (i32)  : i32 {
        %broadcast_in_dim3A = arith.constant 0.000000e+00 : f32
        %broadcast_in_dim3A_278 = vector.broadcast %broadcast_in_dim3A : f32 to vector<16xf32>
        %mul3A_279 = arith.constant 16 : i32
        %mul3A_280 = arith.muli %scan3A_276, %mul3A_279 : i32
        %swap3A = arith.index_cast %scan3A_267 : i32 to index
        %swap3A_281 = arith.index_cast %mul3A_280 : i32 to index
        %swap3A_282 = tpu.vector_load %arg9[%swap3A, %swap3A_281] {strides = array<i32>} : memref<128x128xf32, #tpu.memory_space<vmem>>, vector<1x16xf32>,
        %swap3A_283 = vector.shape_cast %swap3A_282 : vector<1x16xf32> to vector<16xf32>
        %swap3A_284 = vector.shape_cast %broadcast_in_dim3A_278 : vector<16xf32> to vector<1x16xf32>
        tpu.vector_store %arg9[%swap3A, %swap3A_281], %swap3A_284 {strides = array<i32>} : memref<128x128xf32, #tpu.memory_space<vmem>>, vector<1x16xf32>,
        %scan3A_285 = arith.constant 0 : i32
        scf.yield %scan3A_285 : i32
      }
      %scan3A_275 = arith.constant 8 : i32
      scf.yield %scan3A_274 : i32
    }
    %scan3A_6 = arith.constant 80 : i32
    %mul3A_7 = arith.constant 640 : i32
    %mul3A_8 = arith.muli %arg1, %mul3A_7 : i32
    %add3A_9 = arith.constant 0 : i32
    %add3A_10 = arith.addi %mul3A_8, %add3A_9 : i32
    "tpu.region"() ({
      %run_scoped3A = tpu.sem_alloc : memref<!tpu.dma_semaphore, #tpu.memory_space<semaphore_mem>>
      %dma_start3A_267 = arith.constant 0 : i32
      %dma_start3A_268 = arith.constant 0 : i32
      %dma_start3A_269 = tpu.memref_slice %arg9[%dma_start3A_267, %dma_start3A_268] : memref<128x128xf32, #tpu.memory_space<vmem>> -> memref<80x128xf32, #tpu.memory_space<vmem>>
      %dma_start3A_270 = arith.constant 0 : i32
      %dma_start3A_271 = tpu.memref_slice %arg11[%add3A_10, %dma_start3A_270] : memref<10240x128xf32, #tpu.memory_space<vmem_shared>> -> memref<80x128xf32, #tpu.memory_space<vmem_shared>>
      %dma_start3A_272 = arith.constant 0 : i32
      %dma_start3A_273 = tpu.memref_slice %arg11[%add3A_10, %dma_start3A_272] : memref<10240x128xf32, #tpu.memory_space<vmem_shared>> -> memref<80x128xf32, #tpu.memory_space<vmem_shared>>
      %dma_start3A_274 = arith.constant 0 : i32
      %dma_start3A_275 = arith.constant 0 : i32
      %dma_start3A_276 = tpu.memref_slice %arg9[%dma_start3A_274, %dma_start3A_275] : memref<128x128xf32, #tpu.memory_space<vmem>> -> memref<80x128xf32, #tpu.memory_space<vmem>>
      tpu.enqueue_dma source(%dma_start3A_276 : memref<80x128xf32, #tpu.memory_space<vmem>>) target(%dma_start3A_273 : memref<80x128xf32, #tpu.memory_space<vmem_shared>>) target_semaphore(%run_scoped3A : memref<!tpu.dma_semaphore, #tpu.memory_space<semaphore_mem>>)
      %dma_wait3A_277 = arith.constant 0 : i32
      %dma_wait3A_278 = arith.constant 0 : i32
      %dma_wait3A_279 = tpu.memref_slice %arg9[%dma_wait3A_277, %dma_wait3A_278] : memref<128x128xf32, #tpu.memory_space<vmem>> -> memref<80x128xf32, #tpu.memory_space<vmem>>
      %dma_wait3A_280 = arith.constant 0 : i32
      %dma_wait3A_281 = tpu.memref_slice %arg11[%add3A_10, %dma_wait3A_280] : memref<10240x128xf32, #tpu.memory_space<vmem_shared>> -> memref<80x128xf32, #tpu.memory_space<vmem_shared>>
      %dma_wait3A_282 = arith.constant 0 : i32
      %dma_wait3A_283 = tpu.memref_slice %arg11[%add3A_10, %dma_wait3A_282] : memref<10240x128xf32, #tpu.memory_space<vmem_shared>> -> memref<80x128xf32, #tpu.memory_space<vmem_shared>>
      %dma_wait3A_284 = arith.constant 0 : i32
      %dma_wait3A_285 = arith.constant 0 : i32
      %dma_wait3A_286 = tpu.memref_slice %arg9[%dma_wait3A_284, %dma_wait3A_285] : memref<128x128xf32, #tpu.memory_space<vmem>> -> memref<80x128xf32, #tpu.memory_space<vmem>>
      tpu.wait_dma2 semaphore(%run_scoped3A : memref<!tpu.dma_semaphore, #tpu.memory_space<semaphore_mem>>) src(%dma_wait3A_286 : memref<80x128xf32, #tpu.memory_space<vmem>>) dst(%dma_wait3A_283 : memref<80x128xf32, #tpu.memory_space<vmem_shared>>)
      tpu.yield
    }) : () -> ()
    %mul3A_11 = arith.constant 640 : i32
    %mul3A_12 = arith.muli %arg1, %mul3A_11 : i32
    %add3A_13 = arith.constant 80 : i32
    %add3A_14 = arith.addi %mul3A_12, %add3A_13 : i32
    "tpu.region"() ({
      %run_scoped3A = tpu.sem_alloc : memref<!tpu.dma_semaphore, #tpu.memory_space<semaphore_mem>>
      %dma_start3A_267 = arith.constant 0 : i32
      %dma_start3A_268 = arith.constant 0 : i32
      %dma_start3A_269 = tpu.memref_slice %arg9[%dma_start3A_267, %dma_start3A_268] : memref<128x128xf32, #tpu.memory_space<vmem>> -> memref<80x128xf32, #tpu.memory_space<vmem>>
      %dma_start3A_270 = arith.constant 0 : i32
      %dma_start3A_271 = tpu.memref_slice %arg11[%add3A_14, %dma_start3A_270] : memref<10240x128xf32, #tpu.memory_space<vmem_shared>> -> memref<80x128xf32, #tpu.memory_space<vmem_shared>>
      %dma_start3A_272 = arith.constant 0 : i32
      %dma_start3A_273 = tpu.memref_slice %arg11[%add3A_14, %dma_start3A_272] : memref<10240x128xf32, #tpu.memory_space<vmem_shared>> -> memref<80x128xf32, #tpu.memory_space<vmem_shared>>
      %dma_start3A_274 = arith.constant 0 : i32
      %dma_start3A_275 = arith.constant 0 : i32
      %dma_start3A_276 = tpu.memref_slice %arg9[%dma_start3A_274, %dma_start3A_275] : memref<128x128xf32, #tpu.memory_space<vmem>> -> memref<80x128xf32, #tpu.memory_space<vmem>>
      tpu.enqueue_dma source(%dma_start3A_276 : memref<80x128xf32, #tpu.memory_space<vmem>>) target(%dma_start3A_273 : memref<80x128xf32, #tpu.memory_space<vmem_shared>>) target_semaphore(%run_scoped3A : memref<!tpu.dma_semaphore, #tpu.memory_space<semaphore_mem>>)
      %dma_wait3A_277 = arith.constant 0 : i32
      %dma_wait3A_278 = arith.constant 0 : i32
      %dma_wait3A_279 = tpu.memref_slice %arg9[%dma_wait3A_277, %dma_wait3A_278] : memref<128x128xf32, #tpu.memory_space<vmem>> -> memref<80x128xf32, #tpu.memory_space<vmem>>
      %dma_wait3A_280 = arith.constant 0 : i32
      %dma_wait3A_281 = tpu.memref_slice %arg11[%add3A_14, %dma_wait3A_280] : memref<10240x128xf32, #tpu.memory_space<vmem_shared>> -> memref<80x128xf32, #tpu.memory_space<vmem_shared>>
      %dma_wait3A_282 = arith.constant 0 : i32
      %dma_wait3A_283 = tpu.memref_slice %arg11[%add3A_14, %dma_wait3A_282] : memref<10240x128xf32, #tpu.memory_space<vmem_shared>> -> memref<80x128xf32, #tpu.memory_space<vmem_shared>>
      %dma_wait3A_284 = arith.constant 0 : i32
      %dma_wait3A_285 = arith.constant 0 : i32
      %dma_wait3A_286 = tpu.memref_slice %arg9[%dma_wait3A_284, %dma_wait3A_285] : memref<128x128xf32, #tpu.memory_space<vmem>> -> memref<80x128xf32, #tpu.memory_space<vmem>>
      tpu.wait_dma2 semaphore(%run_scoped3A : memref<!tpu.dma_semaphore, #tpu.memory_space<semaphore_mem>>) src(%dma_wait3A_286 : memref<80x128xf32, #tpu.memory_space<vmem>>) dst(%dma_wait3A_283 : memref<80x128xf32, #tpu.memory_space<vmem_shared>>)
      tpu.yield
    }) : () -> ()
    %mul3A_15 = arith.constant 640 : i32
    %mul3A_16 = arith.muli %arg1, %mul3A_15 : i32
    %add3A_17 = arith.constant 160 : i32
    %add3A_18 = arith.addi %mul3A_16, %add3A_17 : i32
    "tpu.region"() ({
      %run_scoped3A = tpu.sem_alloc : memref<!tpu.dma_semaphore, #tpu.memory_space<semaphore_mem>>
      %dma_start3A_267 = arith.constant 0 : i32
      %dma_start3A_268 = arith.constant 0 : i32
      %dma_start3A_269 = tpu.memref_slice %arg9[%dma_start3A_267, %dma_start3A_268] : memref<128x128xf32, #tpu.memory_space<vmem>> -> memref<80x128xf32, #tpu.memory_space<vmem>>
      %dma_start3A_270 = arith.constant 0 : i32
      %dma_start3A_271 = tpu.memref_slice %arg11[%add3A_18, %dma_start3A_270] : memref<10240x128xf32, #tpu.memory_space<vmem_shared>> -> memref<80x128xf32, #tpu.memory_space<vmem_shared>>
      %dma_start3A_272 = arith.constant 0 : i32
      %dma_start3A_273 = tpu.memref_slice %arg11[%add3A_18, %dma_start3A_272] : memref<10240x128xf32, #tpu.memory_space<vmem_shared>> -> memref<80x128xf32, #tpu.memory_space<vmem_shared>>
      %dma_start3A_274 = arith.constant 0 : i32
      %dma_start3A_275 = arith.constant 0 : i32
      %dma_start3A_276 = tpu.memref_slice %arg9[%dma_start3A_274, %dma_start3A_275] : memref<128x128xf32, #tpu.memory_space<vmem>> -> memref<80x128xf32, #tpu.memory_space<vmem>>
      tpu.enqueue_dma source(%dma_start3A_276 : memref<80x128xf32, #tpu.memory_space<vmem>>) target(%dma_start3A_273 : memref<80x128xf32, #tpu.memory_space<vmem_shared>>) target_semaphore(%run_scoped3A : memref<!tpu.dma_semaphore, #tpu.memory_space<semaphore_mem>>)
      %dma_wait3A_277 = arith.constant 0 : i32
      %dma_wait3A_278 = arith.constant 0 : i32
      %dma_wait3A_279 = tpu.memref_slice %arg9[%dma_wait3A_277, %dma_wait3A_278] : memref<128x128xf32, #tpu.memory_space<vmem>> -> memref<80x128xf32, #tpu.memory_space<vmem>>
      %dma_wait3A_280 = arith.constant 0 : i32
      %dma_wait3A_281 = tpu.memref_slice %arg11[%add3A_18, %dma_wait3A_280] : memref<10240x128xf32, #tpu.memory_space<vmem_shared>> -> memref<80x128xf32, #tpu.memory_space<vmem_shared>>
      %dma_wait3A_282 = arith.constant 0 : i32
      %dma_wait3A_283 = tpu.memref_slice %arg11[%add3A_18, %dma_wait3A_282] : memref<10240x128xf32, #tpu.memory_space<vmem_shared>> -> memref<80x128xf32, #tpu.memory_space<vmem_shared>>
      %dma_wait3A_284 = arith.constant 0 : i32
      %dma_wait3A_285 = arith.constant 0 : i32
      %dma_wait3A_286 = tpu.memref_slice %arg9[%dma_wait3A_284, %dma_wait3A_285] : memref<128x128xf32, #tpu.memory_space<vmem>> -> memref<80x128xf32, #tpu.memory_space<vmem>>
      tpu.wait_dma2 semaphore(%run_scoped3A : memref<!tpu.dma_semaphore, #tpu.memory_space<semaphore_mem>>) src(%dma_wait3A_286 : memref<80x128xf32, #tpu.memory_space<vmem>>) dst(%dma_wait3A_283 : memref<80x128xf32, #tpu.memory_space<vmem_shared>>)
      tpu.yield
    }) : () -> ()
    %mul3A_19 = arith.constant 640 : i32
    %mul3A_20 = arith.muli %arg1, %mul3A_19 : i32
    %add3A_21 = arith.constant 240 : i32
    %add3A_22 = arith.addi %mul3A_20, %add3A_21 : i32
    "tpu.region"() ({
      %run_scoped3A = tpu.sem_alloc : memref<!tpu.dma_semaphore, #tpu.memory_space<semaphore_mem>>
      %dma_start3A_267 = arith.constant 0 : i32
      %dma_start3A_268 = arith.constant 0 : i32
      %dma_start3A_269 = tpu.memref_slice %arg9[%dma_start3A_267, %dma_start3A_268] : memref<128x128xf32, #tpu.memory_space<vmem>> -> memref<80x128xf32, #tpu.memory_space<vmem>>
      %dma_start3A_270 = arith.constant 0 : i32
      %dma_start3A_271 = tpu.memref_slice %arg11[%add3A_22, %dma_start3A_270] : memref<10240x128xf32, #tpu.memory_space<vmem_shared>> -> memref<80x128xf32, #tpu.memory_space<vmem_shared>>
      %dma_start3A_272 = arith.constant 0 : i32
      %dma_start3A_273 = tpu.memref_slice %arg11[%add3A_22, %dma_start3A_272] : memref<10240x128xf32, #tpu.memory_space<vmem_shared>> -> memref<80x128xf32, #tpu.memory_space<vmem_shared>>
      %dma_start3A_274 = arith.constant 0 : i32
      %dma_start3A_275 = arith.constant 0 : i32
      %dma_start3A_276 = tpu.memref_slice %arg9[%dma_start3A_274, %dma_start3A_275] : memref<128x128xf32, #tpu.memory_space<vmem>> -> memref<80x128xf32, #tpu.memory_space<vmem>>
      tpu.enqueue_dma source(%dma_start3A_276 : memref<80x128xf32, #tpu.memory_space<vmem>>) target(%dma_start3A_273 : memref<80x128xf32, #tpu.memory_space<vmem_shared>>) target_semaphore(%run_scoped3A : memref<!tpu.dma_semaphore, #tpu.memory_space<semaphore_mem>>)
      %dma_wait3A_277 = arith.constant 0 : i32
      %dma_wait3A_278 = arith.constant 0 : i32
      %dma_wait3A_279 = tpu.memref_slice %arg9[%dma_wait3A_277, %dma_wait3A_278] : memref<128x128xf32, #tpu.memory_space<vmem>> -> memref<80x128xf32, #tpu.memory_space<vmem>>
      %dma_wait3A_280 = arith.constant 0 : i32
      %dma_wait3A_281 = tpu.memref_slice %arg11[%add3A_22, %dma_wait3A_280] : memref<10240x128xf32, #tpu.memory_space<vmem_shared>> -> memref<80x128xf32, #tpu.memory_space<vmem_shared>>
      %dma_wait3A_282 = arith.constant 0 : i32
      %dma_wait3A_283 = tpu.memref_slice %arg11[%add3A_22, %dma_wait3A_282] : memref<10240x128xf32, #tpu.memory_space<vmem_shared>> -> memref<80x128xf32, #tpu.memory_space<vmem_shared>>
      %dma_wait3A_284 = arith.constant 0 : i32
      %dma_wait3A_285 = arith.constant 0 : i32
      %dma_wait3A_286 = tpu.memref_slice %arg9[%dma_wait3A_284, %dma_wait3A_285] : memref<128x128xf32, #tpu.memory_space<vmem>> -> memref<80x128xf32, #tpu.memory_space<vmem>>
      tpu.wait_dma2 semaphore(%run_scoped3A : memref<!tpu.dma_semaphore, #tpu.memory_space<semaphore_mem>>) src(%dma_wait3A_286 : memref<80x128xf32, #tpu.memory_space<vmem>>) dst(%dma_wait3A_283 : memref<80x128xf32, #tpu.memory_space<vmem_shared>>)
      tpu.yield
    }) : () -> ()
    %mul3A_23 = arith.constant 640 : i32
    %mul3A_24 = arith.muli %arg1, %mul3A_23 : i32
    %add3A_25 = arith.constant 320 : i32
    %add3A_26 = arith.addi %mul3A_24, %add3A_25 : i32
    "tpu.region"() ({
      %run_scoped3A = tpu.sem_alloc : memref<!tpu.dma_semaphore, #tpu.memory_space<semaphore_mem>>
      %dma_start3A_267 = arith.constant 0 : i32
      %dma_start3A_268 = arith.constant 0 : i32
      %dma_start3A_269 = tpu.memref_slice %arg9[%dma_start3A_267, %dma_start3A_268] : memref<128x128xf32, #tpu.memory_space<vmem>> -> memref<80x128xf32, #tpu.memory_space<vmem>>
      %dma_start3A_270 = arith.constant 0 : i32
      %dma_start3A_271 = tpu.memref_slice %arg11[%add3A_26, %dma_start3A_270] : memref<10240x128xf32, #tpu.memory_space<vmem_shared>> -> memref<80x128xf32, #tpu.memory_space<vmem_shared>>
      %dma_start3A_272 = arith.constant 0 : i32
      %dma_start3A_273 = tpu.memref_slice %arg11[%add3A_26, %dma_start3A_272] : memref<10240x128xf32, #tpu.memory_space<vmem_shared>> -> memref<80x128xf32, #tpu.memory_space<vmem_shared>>
      %dma_start3A_274 = arith.constant 0 : i32
      %dma_start3A_275 = arith.constant 0 : i32
      %dma_start3A_276 = tpu.memref_slice %arg9[%dma_start3A_274, %dma_start3A_275] : memref<128x128xf32, #tpu.memory_space<vmem>> -> memref<80x128xf32, #tpu.memory_space<vmem>>
      tpu.enqueue_dma source(%dma_start3A_276 : memref<80x128xf32, #tpu.memory_space<vmem>>) target(%dma_start3A_273 : memref<80x128xf32, #tpu.memory_space<vmem_shared>>) target_semaphore(%run_scoped3A : memref<!tpu.dma_semaphore, #tpu.memory_space<semaphore_mem>>)
      %dma_wait3A_277 = arith.constant 0 : i32
      %dma_wait3A_278 = arith.constant 0 : i32
      %dma_wait3A_279 = tpu.memref_slice %arg9[%dma_wait3A_277, %dma_wait3A_278] : memref<128x128xf32, #tpu.memory_space<vmem>> -> memref<80x128xf32, #tpu.memory_space<vmem>>
      %dma_wait3A_280 = arith.constant 0 : i32
      %dma_wait3A_281 = tpu.memref_slice %arg11[%add3A_26, %dma_wait3A_280] : memref<10240x128xf32, #tpu.memory_space<vmem_shared>> -> memref<80x128xf32, #tpu.memory_space<vmem_shared>>
      %dma_wait3A_282 = arith.constant 0 : i32
      %dma_wait3A_283 = tpu.memref_slice %arg11[%add3A_26, %dma_wait3A_282] : memref<10240x128xf32, #tpu.memory_space<vmem_shared>> -> memref<80x128xf32, #tpu.memory_space<vmem_shared>>
      %dma_wait3A_284 = arith.constant 0 : i32
      %dma_wait3A_285 = arith.constant 0 : i32
      %dma_wait3A_286 = tpu.memref_slice %arg9[%dma_wait3A_284, %dma_wait3A_285] : memref<128x128xf32, #tpu.memory_space<vmem>> -> memref<80x128xf32, #tpu.memory_space<vmem>>
      tpu.wait_dma2 semaphore(%run_scoped3A : memref<!tpu.dma_semaphore, #tpu.memory_space<semaphore_mem>>) src(%dma_wait3A_286 : memref<80x128xf32, #tpu.memory_space<vmem>>) dst(%dma_wait3A_283 : memref<80x128xf32, #tpu.memory_space<vmem_shared>>)
      tpu.yield
    }) : () -> ()
    %mul3A_27 = arith.constant 640 : i32
    %mul3A_28 = arith.muli %arg1, %mul3A_27 : i32
    %add3A_29 = arith.constant 400 : i32
    %add3A_30 = arith.addi %mul3A_28, %add3A_29 : i32
    "tpu.region"() ({
      %run_scoped3A = tpu.sem_alloc : memref<!tpu.dma_semaphore, #tpu.memory_space<semaphore_mem>>
      %dma_start3A_267 = arith.constant 0 : i32
      %dma_start3A_268 = arith.constant 0 : i32
      %dma_start3A_269 = tpu.memref_slice %arg9[%dma_start3A_267, %dma_start3A_268] : memref<128x128xf32, #tpu.memory_space<vmem>> -> memref<80x128xf32, #tpu.memory_space<vmem>>
      %dma_start3A_270 = arith.constant 0 : i32
      %dma_start3A_271 = tpu.memref_slice %arg11[%add3A_30, %dma_start3A_270] : memref<10240x128xf32, #tpu.memory_space<vmem_shared>> -> memref<80x128xf32, #tpu.memory_space<vmem_shared>>
      %dma_start3A_272 = arith.constant 0 : i32
      %dma_start3A_273 = tpu.memref_slice %arg11[%add3A_30, %dma_start3A_272] : memref<10240x128xf32, #tpu.memory_space<vmem_shared>> -> memref<80x128xf32, #tpu.memory_space<vmem_shared>>
      %dma_start3A_274 = arith.constant 0 : i32
      %dma_start3A_275 = arith.constant 0 : i32
      %dma_start3A_276 = tpu.memref_slice %arg9[%dma_start3A_274, %dma_start3A_275] : memref<128x128xf32, #tpu.memory_space<vmem>> -> memref<80x128xf32, #tpu.memory_space<vmem>>
      tpu.enqueue_dma source(%dma_start3A_276 : memref<80x128xf32, #tpu.memory_space<vmem>>) target(%dma_start3A_273 : memref<80x128xf32, #tpu.memory_space<vmem_shared>>) target_semaphore(%run_scoped3A : memref<!tpu.dma_semaphore, #tpu.memory_space<semaphore_mem>>)
      %dma_wait3A_277 = arith.constant 0 : i32
      %dma_wait3A_278 = arith.constant 0 : i32
      %dma_wait3A_279 = tpu.memref_slice %arg9[%dma_wait3A_277, %dma_wait3A_278] : memref<128x128xf32, #tpu.memory_space<vmem>> -> memref<80x128xf32, #tpu.memory_space<vmem>>
      %dma_wait3A_280 = arith.constant 0 : i32
      %dma_wait3A_281 = tpu.memref_slice %arg11[%add3A_30, %dma_wait3A_280] : memref<10240x128xf32, #tpu.memory_space<vmem_shared>> -> memref<80x128xf32, #tpu.memory_space<vmem_shared>>
      %dma_wait3A_282 = arith.constant 0 : i32
      %dma_wait3A_283 = tpu.memref_slice %arg11[%add3A_30, %dma_wait3A_282] : memref<10240x128xf32, #tpu.memory_space<vmem_shared>> -> memref<80x128xf32, #tpu.memory_space<vmem_shared>>
      %dma_wait3A_284 = arith.constant 0 : i32
      %dma_wait3A_285 = arith.constant 0 : i32
      %dma_wait3A_286 = tpu.memref_slice %arg9[%dma_wait3A_284, %dma_wait3A_285] : memref<128x128xf32, #tpu.memory_space<vmem>> -> memref<80x128xf32, #tpu.memory_space<vmem>>
      tpu.wait_dma2 semaphore(%run_scoped3A : memref<!tpu.dma_semaphore, #tpu.memory_space<semaphore_mem>>) src(%dma_wait3A_286 : memref<80x128xf32, #tpu.memory_space<vmem>>) dst(%dma_wait3A_283 : memref<80x128xf32, #tpu.memory_space<vmem_shared>>)
      tpu.yield
    }) : () -> ()
    %mul3A_31 = arith.constant 640 : i32
    %mul3A_32 = arith.muli %arg1, %mul3A_31 : i32
    %add3A_33 = arith.constant 480 : i32
    %add3A_34 = arith.addi %mul3A_32, %add3A_33 : i32
    "tpu.region"() ({
      %run_scoped3A = tpu.sem_alloc : memref<!tpu.dma_semaphore, #tpu.memory_space<semaphore_mem>>
      %dma_start3A_267 = arith.constant 0 : i32
      %dma_start3A_268 = arith.constant 0 : i32
      %dma_start3A_269 = tpu.memref_slice %arg9[%dma_start3A_267, %dma_start3A_268] : memref<128x128xf32, #tpu.memory_space<vmem>> -> memref<80x128xf32, #tpu.memory_space<vmem>>
      %dma_start3A_270 = arith.constant 0 : i32
      %dma_start3A_271 = tpu.memref_slice %arg11[%add3A_34, %dma_start3A_270] : memref<10240x128xf32, #tpu.memory_space<vmem_shared>> -> memref<80x128xf32, #tpu.memory_space<vmem_shared>>
      %dma_start3A_272 = arith.constant 0 : i32
      %dma_start3A_273 = tpu.memref_slice %arg11[%add3A_34, %dma_start3A_272] : memref<10240x128xf32, #tpu.memory_space<vmem_shared>> -> memref<80x128xf32, #tpu.memory_space<vmem_shared>>
      %dma_start3A_274 = arith.constant 0 : i32
      %dma_start3A_275 = arith.constant 0 : i32
      %dma_start3A_276 = tpu.memref_slice %arg9[%dma_start3A_274, %dma_start3A_275] : memref<128x128xf32, #tpu.memory_space<vmem>> -> memref<80x128xf32, #tpu.memory_space<vmem>>
      tpu.enqueue_dma source(%dma_start3A_276 : memref<80x128xf32, #tpu.memory_space<vmem>>) target(%dma_start3A_273 : memref<80x128xf32, #tpu.memory_space<vmem_shared>>) target_semaphore(%run_scoped3A : memref<!tpu.dma_semaphore, #tpu.memory_space<semaphore_mem>>)
      %dma_wait3A_277 = arith.constant 0 : i32
      %dma_wait3A_278 = arith.constant 0 : i32
      %dma_wait3A_279 = tpu.memref_slice %arg9[%dma_wait3A_277, %dma_wait3A_278] : memref<128x128xf32, #tpu.memory_space<vmem>> -> memref<80x128xf32, #tpu.memory_space<vmem>>
      %dma_wait3A_280 = arith.constant 0 : i32
      %dma_wait3A_281 = tpu.memref_slice %arg11[%add3A_34, %dma_wait3A_280] : memref<10240x128xf32, #tpu.memory_space<vmem_shared>> -> memref<80x128xf32, #tpu.memory_space<vmem_shared>>
      %dma_wait3A_282 = arith.constant 0 : i32
      %dma_wait3A_283 = tpu.memref_slice %arg11[%add3A_34, %dma_wait3A_282] : memref<10240x128xf32, #tpu.memory_space<vmem_shared>> -> memref<80x128xf32, #tpu.memory_space<vmem_shared>>
      %dma_wait3A_284 = arith.constant 0 : i32
      %dma_wait3A_285 = arith.constant 0 : i32
      %dma_wait3A_286 = tpu.memref_slice %arg9[%dma_wait3A_284, %dma_wait3A_285] : memref<128x128xf32, #tpu.memory_space<vmem>> -> memref<80x128xf32, #tpu.memory_space<vmem>>
      tpu.wait_dma2 semaphore(%run_scoped3A : memref<!tpu.dma_semaphore, #tpu.memory_space<semaphore_mem>>) src(%dma_wait3A_286 : memref<80x128xf32, #tpu.memory_space<vmem>>) dst(%dma_wait3A_283 : memref<80x128xf32, #tpu.memory_space<vmem_shared>>)
      tpu.yield
    }) : () -> ()
    %mul3A_35 = arith.constant 640 : i32
    %mul3A_36 = arith.muli %arg1, %mul3A_35 : i32
    %add3A_37 = arith.constant 560 : i32
    %add3A_38 = arith.addi %mul3A_36, %add3A_37 : i32
    "tpu.region"() ({
      %run_scoped3A = tpu.sem_alloc : memref<!tpu.dma_semaphore, #tpu.memory_space<semaphore_mem>>
      %dma_start3A_267 = arith.constant 0 : i32
      %dma_start3A_268 = arith.constant 0 : i32
      %dma_start3A_269 = tpu.memref_slice %arg9[%dma_start3A_267, %dma_start3A_268] : memref<128x128xf32, #tpu.memory_space<vmem>> -> memref<80x128xf32, #tpu.memory_space<vmem>>
      %dma_start3A_270 = arith.constant 0 : i32
      %dma_start3A_271 = tpu.memref_slice %arg11[%add3A_38, %dma_start3A_270] : memref<10240x128xf32, #tpu.memory_space<vmem_shared>> -> memref<80x128xf32, #tpu.memory_space<vmem_shared>>
      %dma_start3A_272 = arith.constant 0 : i32
      %dma_start3A_273 = tpu.memref_slice %arg11[%add3A_38, %dma_start3A_272] : memref<10240x128xf32, #tpu.memory_space<vmem_shared>> -> memref<80x128xf32, #tpu.memory_space<vmem_shared>>
      %dma_start3A_274 = arith.constant 0 : i32
      %dma_start3A_275 = arith.constant 0 : i32
      %dma_start3A_276 = tpu.memref_slice %arg9[%dma_start3A_274, %dma_start3A_275] : memref<128x128xf32, #tpu.memory_space<vmem>> -> memref<80x128xf32, #tpu.memory_space<vmem>>
      tpu.enqueue_dma source(%dma_start3A_276 : memref<80x128xf32, #tpu.memory_space<vmem>>) target(%dma_start3A_273 : memref<80x128xf32, #tpu.memory_space<vmem_shared>>) target_semaphore(%run_scoped3A : memref<!tpu.dma_semaphore, #tpu.memory_space<semaphore_mem>>)
      %dma_wait3A_277 = arith.constant 0 : i32
      %dma_wait3A_278 = arith.constant 0 : i32
      %dma_wait3A_279 = tpu.memref_slice %arg9[%dma_wait3A_277, %dma_wait3A_278] : memref<128x128xf32, #tpu.memory_space<vmem>> -> memref<80x128xf32, #tpu.memory_space<vmem>>
      %dma_wait3A_280 = arith.constant 0 : i32
      %dma_wait3A_281 = tpu.memref_slice %arg11[%add3A_38, %dma_wait3A_280] : memref<10240x128xf32, #tpu.memory_space<vmem_shared>> -> memref<80x128xf32, #tpu.memory_space<vmem_shared>>
      %dma_wait3A_282 = arith.constant 0 : i32
      %dma_wait3A_283 = tpu.memref_slice %arg11[%add3A_38, %dma_wait3A_282] : memref<10240x128xf32, #tpu.memory_space<vmem_shared>> -> memref<80x128xf32, #tpu.memory_space<vmem_shared>>
      %dma_wait3A_284 = arith.constant 0 : i32
      %dma_wait3A_285 = arith.constant 0 : i32
      %dma_wait3A_286 = tpu.memref_slice %arg9[%dma_wait3A_284, %dma_wait3A_285] : memref<128x128xf32, #tpu.memory_space<vmem>> -> memref<80x128xf32, #tpu.memory_space<vmem>>
      tpu.wait_dma2 semaphore(%run_scoped3A : memref<!tpu.dma_semaphore, #tpu.memory_space<semaphore_mem>>) src(%dma_wait3A_286 : memref<80x128xf32, #tpu.memory_space<vmem>>) dst(%dma_wait3A_283 : memref<80x128xf32, #tpu.memory_space<vmem_shared>>)
      tpu.yield
    }) : () -> ()
    %barrier3A = arith.constant 0 : index
    tpu.barrier barrier_id(%barrier3A)
    %dma_start3A = arith.constant 0 : i32
    %dma_start3A_39 = arith.constant 0 : i32
    %dma_start3A_40 = tpu.memref_slice %arg4[%add3A, %dma_start3A, %dma_start3A_39] : memref<32x80x128xi32, #tpu.memory_space<hbm>> -> memref<1x1x128xi32, #tpu.memory_space<hbm>>
    %dma_start3A_41 = tpu.memref_squeeze %dma_start3A_40 : memref<1x1x128xi32, #tpu.memory_space<hbm>> -> memref<128xi32, #tpu.memory_space<hbm>>
    %dma_start3A_42 = arith.constant 0 : i32
    %dma_start3A_43 = tpu.memref_slice %arg4[%add3A, %dma_start3A, %dma_start3A_42] : memref<32x80x128xi32, #tpu.memory_space<hbm>> -> memref<1x1x128xi32, #tpu.memory_space<hbm>>
    %dma_start3A_44 = tpu.memref_squeeze %dma_start3A_43 : memref<1x1x128xi32, #tpu.memory_space<hbm>> -> memref<128xi32, #tpu.memory_space<hbm>>
    tpu.enqueue_dma source(%dma_start3A_44 : memref<128xi32, #tpu.memory_space<hbm>>) target(%arg7 : memref<128xi32, #tpu.memory_space<vmem>>) target_semaphore(%arg16 : memref<!tpu.dma_semaphore, #tpu.memory_space<semaphore_mem>>)
    %dma_start3A_45 = arith.constant 0 : i32
    %dma_start3A_46 = arith.constant 0 : i32
    %dma_start3A_47 = tpu.memref_slice %arg6[%dma_start3A_45, %dma_start3A_46] : memref<80x128xi32, #tpu.memory_space<vmem>> -> memref<1x128xi32, #tpu.memory_space<vmem>>
    %dma_start3A_48 = tpu.memref_squeeze %dma_start3A_47 : memref<1x128xi32, #tpu.memory_space<vmem>> -> memref<128xi32, #tpu.memory_space<vmem>>
    %dma_start3A_49 = arith.constant 0 : i32
    %dma_start3A_50 = arith.constant 0 : i32
    %dma_start3A_51 = tpu.memref_slice %arg2[%dma_start3A_49, %dma_start3A_50] : memref<10000x128xf32, #tpu.memory_space<hbm>> -> memref<10000x128xf32, #tpu.memory_space<hbm>>
    tpu.enqueue_indirect_dma source(%dma_start3A_51 : memref<10000x128xf32, #tpu.memory_space<hbm>>) target(%arg9 : memref<128x128xf32, #tpu.memory_space<vmem>>) offsets(%dma_start3A_48 : memref<128xi32, #tpu.memory_space<vmem>>) semaphore(%arg12 : memref<!tpu.dma_semaphore, #tpu.memory_space<semaphore_mem>>)
    %dma_start3A_52 = arith.constant 1 : i32
    %dma_start3A_53 = arith.constant 0 : i32
    %dma_start3A_54 = tpu.memref_slice %arg4[%add3A, %dma_start3A_52, %dma_start3A_53] : memref<32x80x128xi32, #tpu.memory_space<hbm>> -> memref<1x1x128xi32, #tpu.memory_space<hbm>>
    %dma_start3A_55 = tpu.memref_squeeze %dma_start3A_54 : memref<1x1x128xi32, #tpu.memory_space<hbm>> -> memref<128xi32, #tpu.memory_space<hbm>>
    %dma_start3A_56 = arith.constant 0 : i32
    %dma_start3A_57 = tpu.memref_slice %arg4[%add3A, %dma_start3A_52, %dma_start3A_56] : memref<32x80x128xi32, #tpu.memory_space<hbm>> -> memref<1x1x128xi32, #tpu.memory_space<hbm>>
    %dma_start3A_58 = tpu.memref_squeeze %dma_start3A_57 : memref<1x1x128xi32, #tpu.memory_space<hbm>> -> memref<128xi32, #tpu.memory_space<hbm>>
    tpu.enqueue_dma source(%dma_start3A_58 : memref<128xi32, #tpu.memory_space<hbm>>) target(%arg8 : memref<128xi32, #tpu.memory_space<vmem>>) target_semaphore(%arg17 : memref<!tpu.dma_semaphore, #tpu.memory_space<semaphore_mem>>)
    %dma_start3A_59 = arith.constant 1 : i32
    %dma_start3A_60 = arith.constant 0 : i32
    %dma_start3A_61 = tpu.memref_slice %arg6[%dma_start3A_59, %dma_start3A_60] : memref<80x128xi32, #tpu.memory_space<vmem>> -> memref<1x128xi32, #tpu.memory_space<vmem>>
    %dma_start3A_62 = tpu.memref_squeeze %dma_start3A_61 : memref<1x128xi32, #tpu.memory_space<vmem>> -> memref<128xi32, #tpu.memory_space<vmem>>
    %dma_start3A_63 = arith.constant 0 : i32
    %dma_start3A_64 = arith.constant 0 : i32
    %dma_start3A_65 = tpu.memref_slice %arg2[%dma_start3A_63, %dma_start3A_64] : memref<10000x128xf32, #tpu.memory_space<hbm>> -> memref<10000x128xf32, #tpu.memory_space<hbm>>
    tpu.enqueue_indirect_dma source(%dma_start3A_65 : memref<10000x128xf32, #tpu.memory_space<hbm>>) target(%arg10 : memref<128x128xf32, #tpu.memory_space<vmem>>) offsets(%dma_start3A_62 : memref<128xi32, #tpu.memory_space<vmem>>) semaphore(%arg13 : memref<!tpu.dma_semaphore, #tpu.memory_space<semaphore_mem>>)
    %scan3A_66 = arith.constant 0 : i32
    %scan3A_67 = arith.constant 0 : i32
    %scan3A_68 = arith.constant 40 : i32
    %scan3A_69 = arith.addi %scan3A_67, %scan3A_68 : i32
    %scan3A_70 = arith.constant 1 : i32
    %scan3A_71 = scf.for %scan3A_267 = %scan3A_67 to %scan3A_69 step %scan3A_70 iter_args(%scan3A_268 = %scan3A_66) -> (i32)  : i32 {
      %mul3A_269 = arith.constant 2 : i32
      %mul3A_270 = arith.muli %scan3A_267, %mul3A_269 : i32
      %add3A_271 = arith.constant 0 : i32
      %add3A_272 = arith.addi %mul3A_270, %add3A_271 : i32
      %dma_wait3A_273 = arith.constant 0 : i32
      %dma_wait3A_274 = tpu.memref_slice %arg6[%add3A_272, %dma_wait3A_273] : memref<80x128xi32, #tpu.memory_space<vmem>> -> memref<1x128xi32, #tpu.memory_space<vmem>>
      %dma_wait3A_275 = tpu.memref_squeeze %dma_wait3A_274 : memref<1x128xi32, #tpu.memory_space<vmem>> -> memref<128xi32, #tpu.memory_space<vmem>>
      %dma_wait3A_276 = arith.constant 0 : i32
      %dma_wait3A_277 = arith.constant 0 : i32
      %dma_wait3A_278 = tpu.memref_slice %arg2[%dma_wait3A_276, %dma_wait3A_277] : memref<10000x128xf32, #tpu.memory_space<hbm>> -> memref<10000x128xf32, #tpu.memory_space<hbm>>
      tpu.wait_indirect_dma semaphore(%arg12 : memref<!tpu.dma_semaphore, #tpu.memory_space<semaphore_mem>>) src(%dma_wait3A_278 : memref<10000x128xf32, #tpu.memory_space<hbm>>) dst(%arg9 : memref<128x128xf32, #tpu.memory_space<vmem>>)
      %add3A_279 = arith.constant 0 : i32
      %add3A_280 = arith.addi %mul3A_270, %add3A_279 : i32
      %dma_wait3A_281 = arith.constant 0 : i32
      %dma_wait3A_282 = tpu.memref_slice %arg4[%add3A, %add3A_280, %dma_wait3A_281] : memref<32x80x128xi32, #tpu.memory_space<hbm>> -> memref<1x1x128xi32, #tpu.memory_space<hbm>>
      %dma_wait3A_283 = tpu.memref_squeeze %dma_wait3A_282 : memref<1x1x128xi32, #tpu.memory_space<hbm>> -> memref<128xi32, #tpu.memory_space<hbm>>
      %dma_wait3A_284 = arith.constant 0 : i32
      %dma_wait3A_285 = tpu.memref_slice %arg4[%add3A, %add3A_280, %dma_wait3A_284] : memref<32x80x128xi32, #tpu.memory_space<hbm>> -> memref<1x1x128xi32, #tpu.memory_space<hbm>>
      %dma_wait3A_286 = tpu.memref_squeeze %dma_wait3A_285 : memref<1x1x128xi32, #tpu.memory_space<hbm>> -> memref<128xi32, #tpu.memory_space<hbm>>
      tpu.wait_dma2 semaphore(%arg16 : memref<!tpu.dma_semaphore, #tpu.memory_space<semaphore_mem>>) src(%dma_wait3A_286 : memref<128xi32, #tpu.memory_space<hbm>>) dst(%arg7 : memref<128xi32, #tpu.memory_space<vmem>>)
      %dma_start3A_287 = arith.constant 0 : i32
      %dma_start3A_288 = arith.constant 0 : i32
      %dma_start3A_289 = tpu.memref_slice %arg11[%dma_start3A_287, %dma_start3A_288] : memref<10240x128xf32, #tpu.memory_space<vmem_shared>> -> memref<10240x128xf32, #tpu.memory_space<vmem_shared>>
      tpu.enqueue_indirect_dma source(%arg9 : memref<128x128xf32, #tpu.memory_space<vmem>>) target(%dma_start3A_289 : memref<10240x128xf32, #tpu.memory_space<vmem_shared>>) offsets(%arg7 : memref<128xi32, #tpu.memory_space<vmem>>) semaphore(%arg14 : memref<!tpu.dma_semaphore, #tpu.memory_space<semaphore_mem>>) {add = true}
      %add3A_290 = arith.constant 1 : i32
      %add3A_291 = arith.addi %mul3A_270, %add3A_290 : i32
      %dma_wait3A_292 = arith.constant 0 : i32
      %dma_wait3A_293 = tpu.memref_slice %arg6[%add3A_291, %dma_wait3A_292] : memref<80x128xi32, #tpu.memory_space<vmem>> -> memref<1x128xi32, #tpu.memory_space<vmem>>
      %dma_wait3A_294 = tpu.memref_squeeze %dma_wait3A_293 : memref<1x128xi32, #tpu.memory_space<vmem>> -> memref<128xi32, #tpu.memory_space<vmem>>
      %dma_wait3A_295 = arith.constant 0 : i32
      %dma_wait3A_296 = arith.constant 0 : i32
      %dma_wait3A_297 = tpu.memref_slice %arg2[%dma_wait3A_295, %dma_wait3A_296] : memref<10000x128xf32, #tpu.memory_space<hbm>> -> memref<10000x128xf32, #tpu.memory_space<hbm>>
      tpu.wait_indirect_dma semaphore(%arg13 : memref<!tpu.dma_semaphore, #tpu.memory_space<semaphore_mem>>) src(%dma_wait3A_297 : memref<10000x128xf32, #tpu.memory_space<hbm>>) dst(%arg10 : memref<128x128xf32, #tpu.memory_space<vmem>>)
      %add3A_298 = arith.constant 1 : i32
      %add3A_299 = arith.addi %mul3A_270, %add3A_298 : i32
      %dma_wait3A_300 = arith.constant 0 : i32
      %dma_wait3A_301 = tpu.memref_slice %arg4[%add3A, %add3A_299, %dma_wait3A_300] : memref<32x80x128xi32, #tpu.memory_space<hbm>> -> memref<1x1x128xi32, #tpu.memory_space<hbm>>
      %dma_wait3A_302 = tpu.memref_squeeze %dma_wait3A_301 : memref<1x1x128xi32, #tpu.memory_space<hbm>> -> memref<128xi32, #tpu.memory_space<hbm>>
      %dma_wait3A_303 = arith.constant 0 : i32
      %dma_wait3A_304 = tpu.memref_slice %arg4[%add3A, %add3A_299, %dma_wait3A_303] : memref<32x80x128xi32, #tpu.memory_space<hbm>> -> memref<1x1x128xi32, #tpu.memory_space<hbm>>
      %dma_wait3A_305 = tpu.memref_squeeze %dma_wait3A_304 : memref<1x1x128xi32, #tpu.memory_space<hbm>> -> memref<128xi32, #tpu.memory_space<hbm>>
      tpu.wait_dma2 semaphore(%arg17 : memref<!tpu.dma_semaphore, #tpu.memory_space<semaphore_mem>>) src(%dma_wait3A_305 : memref<128xi32, #tpu.memory_space<hbm>>) dst(%arg8 : memref<128xi32, #tpu.memory_space<vmem>>)
      %dma_start3A_306 = arith.constant 0 : i32
      %dma_start3A_307 = arith.constant 0 : i32
      %dma_start3A_308 = tpu.memref_slice %arg11[%dma_start3A_306, %dma_start3A_307] : memref<10240x128xf32, #tpu.memory_space<vmem_shared>> -> memref<10240x128xf32, #tpu.memory_space<vmem_shared>>
      tpu.enqueue_indirect_dma source(%arg10 : memref<128x128xf32, #tpu.memory_space<vmem>>) target(%dma_start3A_308 : memref<10240x128xf32, #tpu.memory_space<vmem_shared>>) offsets(%arg8 : memref<128xi32, #tpu.memory_space<vmem>>) semaphore(%arg15 : memref<!tpu.dma_semaphore, #tpu.memory_space<semaphore_mem>>) {add = true}
      %dma_wait3A_309 = arith.constant 0 : i32
      %dma_wait3A_310 = arith.constant 0 : i32
      %dma_wait3A_311 = tpu.memref_slice %arg11[%dma_wait3A_309, %dma_wait3A_310] : memref<10240x128xf32, #tpu.memory_space<vmem_shared>> -> memref<10240x128xf32, #tpu.memory_space<vmem_shared>>
      tpu.wait_indirect_dma semaphore(%arg14 : memref<!tpu.dma_semaphore, #tpu.memory_space<semaphore_mem>>) src(%arg9 : memref<128x128xf32, #tpu.memory_space<vmem>>) dst(%dma_wait3A_311 : memref<10240x128xf32, #tpu.memory_space<vmem_shared>>)
      %add3A_312 = arith.constant 2 : i32
      %add3A_313 = arith.addi %mul3A_270, %add3A_312 : i32
      %add3A_314 = arith.constant 0 : i32
      %add3A_315 = arith.addi %add3A_313, %add3A_314 : i32
      %lt3A = arith.constant 80 : i32
      %lt3A_316 = arith.cmpi slt, %add3A_315, %lt3A : i32
      %convert_element_type3A_317 = arith.extui %lt3A_316 : i1 to i32
      %cond3A_318 = arith.constant 0 : i32
      %cond3A_319 = arith.cmpi ne, %convert_element_type3A_317, %cond3A_318 : i32
      scf.if %cond3A_319 {
        %add3A_333 = arith.constant 2 : i32
        %add3A_334 = arith.addi %mul3A_270, %add3A_333 : i32
        %add3A_335 = arith.constant 0 : i32
        %add3A_336 = arith.addi %add3A_334, %add3A_335 : i32
        %dma_start3A_337 = arith.constant 0 : i32
        %dma_start3A_338 = tpu.memref_slice %arg4[%add3A, %add3A_336, %dma_start3A_337] : memref<32x80x128xi32, #tpu.memory_space<hbm>> -> memref<1x1x128xi32, #tpu.memory_space<hbm>>
        %dma_start3A_339 = tpu.memref_squeeze %dma_start3A_338 : memref<1x1x128xi32, #tpu.memory_space<hbm>> -> memref<128xi32, #tpu.memory_space<hbm>>
        %dma_start3A_340 = arith.constant 0 : i32
        %dma_start3A_341 = tpu.memref_slice %arg4[%add3A, %add3A_336, %dma_start3A_340] : memref<32x80x128xi32, #tpu.memory_space<hbm>> -> memref<1x1x128xi32, #tpu.memory_space<hbm>>
        %dma_start3A_342 = tpu.memref_squeeze %dma_start3A_341 : memref<1x1x128xi32, #tpu.memory_space<hbm>> -> memref<128xi32, #tpu.memory_space<hbm>>
        tpu.enqueue_dma source(%dma_start3A_342 : memref<128xi32, #tpu.memory_space<hbm>>) target(%arg7 : memref<128xi32, #tpu.memory_space<vmem>>) target_semaphore(%arg16 : memref<!tpu.dma_semaphore, #tpu.memory_space<semaphore_mem>>)
        %add3A_343 = arith.constant 2 : i32
        %add3A_344 = arith.addi %mul3A_270, %add3A_343 : i32
        %add3A_345 = arith.constant 0 : i32
        %add3A_346 = arith.addi %add3A_344, %add3A_345 : i32
        %dma_start3A_347 = arith.constant 0 : i32
        %dma_start3A_348 = tpu.memref_slice %arg6[%add3A_346, %dma_start3A_347] : memref<80x128xi32, #tpu.memory_space<vmem>> -> memref<1x128xi32, #tpu.memory_space<vmem>>
        %dma_start3A_349 = tpu.memref_squeeze %dma_start3A_348 : memref<1x128xi32, #tpu.memory_space<vmem>> -> memref<128xi32, #tpu.memory_space<vmem>>
        %dma_start3A_350 = arith.constant 0 : i32
        %dma_start3A_351 = arith.constant 0 : i32
        %dma_start3A_352 = tpu.memref_slice %arg2[%dma_start3A_350, %dma_start3A_351] : memref<10000x128xf32, #tpu.memory_space<hbm>> -> memref<10000x128xf32, #tpu.memory_space<hbm>>
        tpu.enqueue_indirect_dma source(%dma_start3A_352 : memref<10000x128xf32, #tpu.memory_space<hbm>>) target(%arg9 : memref<128x128xf32, #tpu.memory_space<vmem>>) offsets(%dma_start3A_349 : memref<128xi32, #tpu.memory_space<vmem>>) semaphore(%arg12 : memref<!tpu.dma_semaphore, #tpu.memory_space<semaphore_mem>>)
      } else {
      }
      %dma_wait3A_320 = arith.constant 0 : i32
      %dma_wait3A_321 = arith.constant 0 : i32
      %dma_wait3A_322 = tpu.memref_slice %arg11[%dma_wait3A_320, %dma_wait3A_321] : memref<10240x128xf32, #tpu.memory_space<vmem_shared>> -> memref<10240x128xf32, #tpu.memory_space<vmem_shared>>
      tpu.wait_indirect_dma semaphore(%arg15 : memref<!tpu.dma_semaphore, #tpu.memory_space<semaphore_mem>>) src(%arg10 : memref<128x128xf32, #tpu.memory_space<vmem>>) dst(%dma_wait3A_322 : memref<10240x128xf32, #tpu.memory_space<vmem_shared>>)
      %add3A_323 = arith.constant 2 : i32
      %add3A_324 = arith.addi %mul3A_270, %add3A_323 : i32
      %add3A_325 = arith.constant 1 : i32
      %add3A_326 = arith.addi %add3A_324, %add3A_325 : i32
      %lt3A_327 = arith.constant 80 : i32
      %lt3A_328 = arith.cmpi slt, %add3A_326, %lt3A_327 : i32
      %convert_element_type3A_329 = arith.extui %lt3A_328 : i1 to i32
      %cond3A_330 = arith.constant 0 : i32
      %cond3A_331 = arith.cmpi ne, %convert_element_type3A_329, %cond3A_330 : i32
      scf.if %cond3A_331 {
        %add3A_333 = arith.constant 2 : i32
        %add3A_334 = arith.addi %mul3A_270, %add3A_333 : i32
        %add3A_335 = arith.constant 1 : i32
        %add3A_336 = arith.addi %add3A_334, %add3A_335 : i32
        %dma_start3A_337 = arith.constant 0 : i32
        %dma_start3A_338 = tpu.memref_slice %arg4[%add3A, %add3A_336, %dma_start3A_337] : memref<32x80x128xi32, #tpu.memory_space<hbm>> -> memref<1x1x128xi32, #tpu.memory_space<hbm>>
        %dma_start3A_339 = tpu.memref_squeeze %dma_start3A_338 : memref<1x1x128xi32, #tpu.memory_space<hbm>> -> memref<128xi32, #tpu.memory_space<hbm>>
        %dma_start3A_340 = arith.constant 0 : i32
        %dma_start3A_341 = tpu.memref_slice %arg4[%add3A, %add3A_336, %dma_start3A_340] : memref<32x80x128xi32, #tpu.memory_space<hbm>> -> memref<1x1x128xi32, #tpu.memory_space<hbm>>
        %dma_start3A_342 = tpu.memref_squeeze %dma_start3A_341 : memref<1x1x128xi32, #tpu.memory_space<hbm>> -> memref<128xi32, #tpu.memory_space<hbm>>
        tpu.enqueue_dma source(%dma_start3A_342 : memref<128xi32, #tpu.memory_space<hbm>>) target(%arg8 : memref<128xi32, #tpu.memory_space<vmem>>) target_semaphore(%arg17 : memref<!tpu.dma_semaphore, #tpu.memory_space<semaphore_mem>>)
        %add3A_343 = arith.constant 2 : i32
        %add3A_344 = arith.addi %mul3A_270, %add3A_343 : i32
        %add3A_345 = arith.constant 1 : i32
        %add3A_346 = arith.addi %add3A_344, %add3A_345 : i32
        %dma_start3A_347 = arith.constant 0 : i32
        %dma_start3A_348 = tpu.memref_slice %arg6[%add3A_346, %dma_start3A_347] : memref<80x128xi32, #tpu.memory_space<vmem>> -> memref<1x128xi32, #tpu.memory_space<vmem>>
        %dma_start3A_349 = tpu.memref_squeeze %dma_start3A_348 : memref<1x128xi32, #tpu.memory_space<vmem>> -> memref<128xi32, #tpu.memory_space<vmem>>
        %dma_start3A_350 = arith.constant 0 : i32
        %dma_start3A_351 = arith.constant 0 : i32
        %dma_start3A_352 = tpu.memref_slice %arg2[%dma_start3A_350, %dma_start3A_351] : memref<10000x128xf32, #tpu.memory_space<hbm>> -> memref<10000x128xf32, #tpu.memory_space<hbm>>
        tpu.enqueue_indirect_dma source(%dma_start3A_352 : memref<10000x128xf32, #tpu.memory_space<hbm>>) target(%arg10 : memref<128x128xf32, #tpu.memory_space<vmem>>) offsets(%dma_start3A_349 : memref<128xi32, #tpu.memory_space<vmem>>) semaphore(%arg13 : memref<!tpu.dma_semaphore, #tpu.memory_space<semaphore_mem>>)
      } else {
      }
      %scan3A_332 = arith.constant 0 : i32
      scf.yield %scan3A_332 : i32
    }
    %scan3A_72 = arith.constant 40 : i32
    %barrier3A_73 = arith.constant 0 : index
    tpu.barrier barrier_id(%barrier3A_73)
    %mul3A_74 = arith.constant 624 : i32
    %mul3A_75 = arith.muli %arg1, %mul3A_74 : i32
    %add3A_76 = arith.constant 0 : i32
    %add3A_77 = arith.addi %mul3A_75, %add3A_76 : i32
    "tpu.region"() ({
      %run_scoped3A = tpu.sem_alloc : memref<!tpu.dma_semaphore, #tpu.memory_space<semaphore_mem>>
      %dma_start3A_267 = arith.constant 0 : i32
      %dma_start3A_268 = arith.constant 0 : i32
      %dma_start3A_269 = tpu.memref_slice %arg9[%dma_start3A_267, %dma_start3A_268] : memref<128x128xf32, #tpu.memory_space<vmem>> -> memref<104x128xf32, #tpu.memory_space<vmem>>
      %dma_start3A_270 = arith.constant 0 : i32
      %dma_start3A_271 = tpu.memref_slice %arg11[%add3A_77, %dma_start3A_270] : memref<10240x128xf32, #tpu.memory_space<vmem_shared>> -> memref<104x128xf32, #tpu.memory_space<vmem_shared>>
      %dma_start3A_272 = arith.constant 0 : i32
      %dma_start3A_273 = arith.constant 0 : i32
      %dma_start3A_274 = tpu.memref_slice %arg9[%dma_start3A_272, %dma_start3A_273] : memref<128x128xf32, #tpu.memory_space<vmem>> -> memref<104x128xf32, #tpu.memory_space<vmem>>
      %dma_start3A_275 = arith.constant 0 : i32
      %dma_start3A_276 = tpu.memref_slice %arg11[%add3A_77, %dma_start3A_275] : memref<10240x128xf32, #tpu.memory_space<vmem_shared>> -> memref<104x128xf32, #tpu.memory_space<vmem_shared>>
      tpu.enqueue_dma source(%dma_start3A_276 : memref<104x128xf32, #tpu.memory_space<vmem_shared>>) target(%dma_start3A_274 : memref<104x128xf32, #tpu.memory_space<vmem>>) target_semaphore(%run_scoped3A : memref<!tpu.dma_semaphore, #tpu.memory_space<semaphore_mem>>)
      %dma_wait3A_277 = arith.constant 0 : i32
      %dma_wait3A_278 = arith.constant 0 : i32
      %dma_wait3A_279 = tpu.memref_slice %arg9[%dma_wait3A_277, %dma_wait3A_278] : memref<128x128xf32, #tpu.memory_space<vmem>> -> memref<104x128xf32, #tpu.memory_space<vmem>>
      %dma_wait3A_280 = arith.constant 0 : i32
      %dma_wait3A_281 = tpu.memref_slice %arg11[%add3A_77, %dma_wait3A_280] : memref<10240x128xf32, #tpu.memory_space<vmem_shared>> -> memref<104x128xf32, #tpu.memory_space<vmem_shared>>
      %dma_wait3A_282 = arith.constant 0 : i32
      %dma_wait3A_283 = arith.constant 0 : i32
      %dma_wait3A_284 = tpu.memref_slice %arg9[%dma_wait3A_282, %dma_wait3A_283] : memref<128x128xf32, #tpu.memory_space<vmem>> -> memref<104x128xf32, #tpu.memory_space<vmem>>
      %dma_wait3A_285 = arith.constant 0 : i32
      %dma_wait3A_286 = tpu.memref_slice %arg11[%add3A_77, %dma_wait3A_285] : memref<10240x128xf32, #tpu.memory_space<vmem_shared>> -> memref<104x128xf32, #tpu.memory_space<vmem_shared>>
      tpu.wait_dma2 semaphore(%run_scoped3A : memref<!tpu.dma_semaphore, #tpu.memory_space<semaphore_mem>>) src(%dma_wait3A_286 : memref<104x128xf32, #tpu.memory_space<vmem_shared>>) dst(%dma_wait3A_284 : memref<104x128xf32, #tpu.memory_space<vmem>>)
      tpu.yield
    }) : () -> ()
    %dma_start3A_78 = arith.constant 0 : i32
    %dma_start3A_79 = arith.constant 0 : i32
    %dma_start3A_80 = tpu.memref_slice %arg9[%dma_start3A_78, %dma_start3A_79] : memref<128x128xf32, #tpu.memory_space<vmem>> -> memref<104x128xf32, #tpu.memory_space<vmem>>
    %dma_start3A_81 = arith.constant 0 : i32
    %dma_start3A_82 = tpu.memref_slice %arg5[%arg0, %add3A_77, %dma_start3A_81] : memref<2x10000x128xf32, #tpu.memory_space<hbm>> -> memref<1x104x128xf32, #tpu.memory_space<hbm>>
    %dma_start3A_83 = tpu.memref_squeeze %dma_start3A_82 : memref<1x104x128xf32, #tpu.memory_space<hbm>> -> memref<104x128xf32, #tpu.memory_space<hbm>>
    %dma_start3A_84 = arith.constant 0 : i32
    %dma_start3A_85 = tpu.memref_slice %arg5[%arg0, %add3A_77, %dma_start3A_84] : memref<2x10000x128xf32, #tpu.memory_space<hbm>> -> memref<1x104x128xf32, #tpu.memory_space<hbm>>
    %dma_start3A_86 = tpu.memref_squeeze %dma_start3A_85 : memref<1x104x128xf32, #tpu.memory_space<hbm>> -> memref<104x128xf32, #tpu.memory_space<hbm>>
    %dma_start3A_87 = arith.constant 0 : i32
    %dma_start3A_88 = arith.constant 0 : i32
    %dma_start3A_89 = tpu.memref_slice %arg9[%dma_start3A_87, %dma_start3A_88] : memref<128x128xf32, #tpu.memory_space<vmem>> -> memref<104x128xf32, #tpu.memory_space<vmem>>
    tpu.enqueue_dma source(%dma_start3A_89 : memref<104x128xf32, #tpu.memory_space<vmem>>) target(%dma_start3A_86 : memref<104x128xf32, #tpu.memory_space<hbm>>) target_semaphore(%arg14 : memref<!tpu.dma_semaphore, #tpu.memory_space<semaphore_mem>>)
    %mul3A_90 = arith.constant 624 : i32
    %mul3A_91 = arith.muli %arg1, %mul3A_90 : i32
    %add3A_92 = arith.constant 104 : i32
    %add3A_93 = arith.addi %mul3A_91, %add3A_92 : i32
    "tpu.region"() ({
      %run_scoped3A = tpu.sem_alloc : memref<!tpu.dma_semaphore, #tpu.memory_space<semaphore_mem>>
      %dma_start3A_267 = arith.constant 0 : i32
      %dma_start3A_268 = arith.constant 0 : i32
      %dma_start3A_269 = tpu.memref_slice %arg10[%dma_start3A_267, %dma_start3A_268] : memref<128x128xf32, #tpu.memory_space<vmem>> -> memref<104x128xf32, #tpu.memory_space<vmem>>
      %dma_start3A_270 = arith.constant 0 : i32
      %dma_start3A_271 = tpu.memref_slice %arg11[%add3A_93, %dma_start3A_270] : memref<10240x128xf32, #tpu.memory_space<vmem_shared>> -> memref<104x128xf32, #tpu.memory_space<vmem_shared>>
      %dma_start3A_272 = arith.constant 0 : i32
      %dma_start3A_273 = arith.constant 0 : i32
      %dma_start3A_274 = tpu.memref_slice %arg10[%dma_start3A_272, %dma_start3A_273] : memref<128x128xf32, #tpu.memory_space<vmem>> -> memref<104x128xf32, #tpu.memory_space<vmem>>
      %dma_start3A_275 = arith.constant 0 : i32
      %dma_start3A_276 = tpu.memref_slice %arg11[%add3A_93, %dma_start3A_275] : memref<10240x128xf32, #tpu.memory_space<vmem_shared>> -> memref<104x128xf32, #tpu.memory_space<vmem_shared>>
      tpu.enqueue_dma source(%dma_start3A_276 : memref<104x128xf32, #tpu.memory_space<vmem_shared>>) target(%dma_start3A_274 : memref<104x128xf32, #tpu.memory_space<vmem>>) target_semaphore(%run_scoped3A : memref<!tpu.dma_semaphore, #tpu.memory_space<semaphore_mem>>)
      %dma_wait3A_277 = arith.constant 0 : i32
      %dma_wait3A_278 = arith.constant 0 : i32
      %dma_wait3A_279 = tpu.memref_slice %arg10[%dma_wait3A_277, %dma_wait3A_278] : memref<128x128xf32, #tpu.memory_space<vmem>> -> memref<104x128xf32, #tpu.memory_space<vmem>>
      %dma_wait3A_280 = arith.constant 0 : i32
      %dma_wait3A_281 = tpu.memref_slice %arg11[%add3A_93, %dma_wait3A_280] : memref<10240x128xf32, #tpu.memory_space<vmem_shared>> -> memref<104x128xf32, #tpu.memory_space<vmem_shared>>
      %dma_wait3A_282 = arith.constant 0 : i32
      %dma_wait3A_283 = arith.constant 0 : i32
      %dma_wait3A_284 = tpu.memref_slice %arg10[%dma_wait3A_282, %dma_wait3A_283] : memref<128x128xf32, #tpu.memory_space<vmem>> -> memref<104x128xf32, #tpu.memory_space<vmem>>
      %dma_wait3A_285 = arith.constant 0 : i32
      %dma_wait3A_286 = tpu.memref_slice %arg11[%add3A_93, %dma_wait3A_285] : memref<10240x128xf32, #tpu.memory_space<vmem_shared>> -> memref<104x128xf32, #tpu.memory_space<vmem_shared>>
      tpu.wait_dma2 semaphore(%run_scoped3A : memref<!tpu.dma_semaphore, #tpu.memory_space<semaphore_mem>>) src(%dma_wait3A_286 : memref<104x128xf32, #tpu.memory_space<vmem_shared>>) dst(%dma_wait3A_284 : memref<104x128xf32, #tpu.memory_space<vmem>>)
      tpu.yield
    }) : () -> ()
    %dma_start3A_94 = arith.constant 0 : i32
    %dma_start3A_95 = arith.constant 0 : i32
    %dma_start3A_96 = tpu.memref_slice %arg10[%dma_start3A_94, %dma_start3A_95] : memref<128x128xf32, #tpu.memory_space<vmem>> -> memref<104x128xf32, #tpu.memory_space<vmem>>
    %dma_start3A_97 = arith.constant 0 : i32
    %dma_start3A_98 = tpu.memref_slice %arg5[%arg0, %add3A_93, %dma_start3A_97] : memref<2x10000x128xf32, #tpu.memory_space<hbm>> -> memref<1x104x128xf32, #tpu.memory_space<hbm>>
    %dma_start3A_99 = tpu.memref_squeeze %dma_start3A_98 : memref<1x104x128xf32, #tpu.memory_space<hbm>> -> memref<104x128xf32, #tpu.memory_space<hbm>>
    %dma_start3A_100 = arith.constant 0 : i32
    %dma_start3A_101 = tpu.memref_slice %arg5[%arg0, %add3A_93, %dma_start3A_100] : memref<2x10000x128xf32, #tpu.memory_space<hbm>> -> memref<1x104x128xf32, #tpu.memory_space<hbm>>
    %dma_start3A_102 = tpu.memref_squeeze %dma_start3A_101 : memref<1x104x128xf32, #tpu.memory_space<hbm>> -> memref<104x128xf32, #tpu.memory_space<hbm>>
    %dma_start3A_103 = arith.constant 0 : i32
    %dma_start3A_104 = arith.constant 0 : i32
    %dma_start3A_105 = tpu.memref_slice %arg10[%dma_start3A_103, %dma_start3A_104] : memref<128x128xf32, #tpu.memory_space<vmem>> -> memref<104x128xf32, #tpu.memory_space<vmem>>
    tpu.enqueue_dma source(%dma_start3A_105 : memref<104x128xf32, #tpu.memory_space<vmem>>) target(%dma_start3A_102 : memref<104x128xf32, #tpu.memory_space<hbm>>) target_semaphore(%arg15 : memref<!tpu.dma_semaphore, #tpu.memory_space<semaphore_mem>>)
    %mul3A_106 = arith.constant 624 : i32
    %mul3A_107 = arith.muli %arg1, %mul3A_106 : i32
    %add3A_108 = arith.constant 208 : i32
    %add3A_109 = arith.addi %mul3A_107, %add3A_108 : i32
    %mul3A_110 = arith.constant 624 : i32
    %mul3A_111 = arith.muli %arg1, %mul3A_110 : i32
    %add3A_112 = arith.constant 0 : i32
    %add3A_113 = arith.addi %mul3A_111, %add3A_112 : i32
    %dma_wait3A = arith.constant 0 : i32
    %dma_wait3A_114 = arith.constant 0 : i32
    %dma_wait3A_115 = tpu.memref_slice %arg9[%dma_wait3A, %dma_wait3A_114] : memref<128x128xf32, #tpu.memory_space<vmem>> -> memref<104x128xf32, #tpu.memory_space<vmem>>
    %dma_wait3A_116 = arith.constant 0 : i32
    %dma_wait3A_117 = tpu.memref_slice %arg5[%arg0, %add3A_113, %dma_wait3A_116] : memref<2x10000x128xf32, #tpu.memory_space<hbm>> -> memref<1x104x128xf32, #tpu.memory_space<hbm>>
    %dma_wait3A_118 = tpu.memref_squeeze %dma_wait3A_117 : memref<1x104x128xf32, #tpu.memory_space<hbm>> -> memref<104x128xf32, #tpu.memory_space<hbm>>
    %dma_wait3A_119 = arith.constant 0 : i32
    %dma_wait3A_120 = tpu.memref_slice %arg5[%arg0, %add3A_113, %dma_wait3A_119] : memref<2x10000x128xf32, #tpu.memory_space<hbm>> -> memref<1x104x128xf32, #tpu.memory_space<hbm>>
    %dma_wait3A_121 = tpu.memref_squeeze %dma_wait3A_120 : memref<1x104x128xf32, #tpu.memory_space<hbm>> -> memref<104x128xf32, #tpu.memory_space<hbm>>
    %dma_wait3A_122 = arith.constant 0 : i32
    %dma_wait3A_123 = arith.constant 0 : i32
    %dma_wait3A_124 = tpu.memref_slice %arg9[%dma_wait3A_122, %dma_wait3A_123] : memref<128x128xf32, #tpu.memory_space<vmem>> -> memref<104x128xf32, #tpu.memory_space<vmem>>
    tpu.wait_dma2 semaphore(%arg14 : memref<!tpu.dma_semaphore, #tpu.memory_space<semaphore_mem>>) src(%dma_wait3A_124 : memref<104x128xf32, #tpu.memory_space<vmem>>) dst(%dma_wait3A_121 : memref<104x128xf32, #tpu.memory_space<hbm>>)
    "tpu.region"() ({
      %run_scoped3A = tpu.sem_alloc : memref<!tpu.dma_semaphore, #tpu.memory_space<semaphore_mem>>
      %dma_start3A_267 = arith.constant 0 : i32
      %dma_start3A_268 = arith.constant 0 : i32
      %dma_start3A_269 = tpu.memref_slice %arg9[%dma_start3A_267, %dma_start3A_268] : memref<128x128xf32, #tpu.memory_space<vmem>> -> memref<104x128xf32, #tpu.memory_space<vmem>>
      %dma_start3A_270 = arith.constant 0 : i32
      %dma_start3A_271 = tpu.memref_slice %arg11[%add3A_109, %dma_start3A_270] : memref<10240x128xf32, #tpu.memory_space<vmem_shared>> -> memref<104x128xf32, #tpu.memory_space<vmem_shared>>
      %dma_start3A_272 = arith.constant 0 : i32
      %dma_start3A_273 = arith.constant 0 : i32
      %dma_start3A_274 = tpu.memref_slice %arg9[%dma_start3A_272, %dma_start3A_273] : memref<128x128xf32, #tpu.memory_space<vmem>> -> memref<104x128xf32, #tpu.memory_space<vmem>>
      %dma_start3A_275 = arith.constant 0 : i32
      %dma_start3A_276 = tpu.memref_slice %arg11[%add3A_109, %dma_start3A_275] : memref<10240x128xf32, #tpu.memory_space<vmem_shared>> -> memref<104x128xf32, #tpu.memory_space<vmem_shared>>
      tpu.enqueue_dma source(%dma_start3A_276 : memref<104x128xf32, #tpu.memory_space<vmem_shared>>) target(%dma_start3A_274 : memref<104x128xf32, #tpu.memory_space<vmem>>) target_semaphore(%run_scoped3A : memref<!tpu.dma_semaphore, #tpu.memory_space<semaphore_mem>>)
      %dma_wait3A_277 = arith.constant 0 : i32
      %dma_wait3A_278 = arith.constant 0 : i32
      %dma_wait3A_279 = tpu.memref_slice %arg9[%dma_wait3A_277, %dma_wait3A_278] : memref<128x128xf32, #tpu.memory_space<vmem>> -> memref<104x128xf32, #tpu.memory_space<vmem>>
      %dma_wait3A_280 = arith.constant 0 : i32
      %dma_wait3A_281 = tpu.memref_slice %arg11[%add3A_109, %dma_wait3A_280] : memref<10240x128xf32, #tpu.memory_space<vmem_shared>> -> memref<104x128xf32, #tpu.memory_space<vmem_shared>>
      %dma_wait3A_282 = arith.constant 0 : i32
      %dma_wait3A_283 = arith.constant 0 : i32
      %dma_wait3A_284 = tpu.memref_slice %arg9[%dma_wait3A_282, %dma_wait3A_283] : memref<128x128xf32, #tpu.memory_space<vmem>> -> memref<104x128xf32, #tpu.memory_space<vmem>>
      %dma_wait3A_285 = arith.constant 0 : i32
      %dma_wait3A_286 = tpu.memref_slice %arg11[%add3A_109, %dma_wait3A_285] : memref<10240x128xf32, #tpu.memory_space<vmem_shared>> -> memref<104x128xf32, #tpu.memory_space<vmem_shared>>
      tpu.wait_dma2 semaphore(%run_scoped3A : memref<!tpu.dma_semaphore, #tpu.memory_space<semaphore_mem>>) src(%dma_wait3A_286 : memref<104x128xf32, #tpu.memory_space<vmem_shared>>) dst(%dma_wait3A_284 : memref<104x128xf32, #tpu.memory_space<vmem>>)
      tpu.yield
    }) : () -> ()
    %dma_start3A_125 = arith.constant 0 : i32
    %dma_start3A_126 = arith.constant 0 : i32
    %dma_start3A_127 = tpu.memref_slice %arg9[%dma_start3A_125, %dma_start3A_126] : memref<128x128xf32, #tpu.memory_space<vmem>> -> memref<104x128xf32, #tpu.memory_space<vmem>>
    %dma_start3A_128 = arith.constant 0 : i32
    %dma_start3A_129 = tpu.memref_slice %arg5[%arg0, %add3A_109, %dma_start3A_128] : memref<2x10000x128xf32, #tpu.memory_space<hbm>> -> memref<1x104x128xf32, #tpu.memory_space<hbm>>
    %dma_start3A_130 = tpu.memref_squeeze %dma_start3A_129 : memref<1x104x128xf32, #tpu.memory_space<hbm>> -> memref<104x128xf32, #tpu.memory_space<hbm>>
    %dma_start3A_131 = arith.constant 0 : i32
    %dma_start3A_132 = tpu.memref_slice %arg5[%arg0, %add3A_109, %dma_start3A_131] : memref<2x10000x128xf32, #tpu.memory_space<hbm>> -> memref<1x104x128xf32, #tpu.memory_space<hbm>>
    %dma_start3A_133 = tpu.memref_squeeze %dma_start3A_132 : memref<1x104x128xf32, #tpu.memory_space<hbm>> -> memref<104x128xf32, #tpu.memory_space<hbm>>
    %dma_start3A_134 = arith.constant 0 : i32
    %dma_start3A_135 = arith.constant 0 : i32
    %dma_start3A_136 = tpu.memref_slice %arg9[%dma_start3A_134, %dma_start3A_135] : memref<128x128xf32, #tpu.memory_space<vmem>> -> memref<104x128xf32, #tpu.memory_space<vmem>>
    tpu.enqueue_dma source(%dma_start3A_136 : memref<104x128xf32, #tpu.memory_space<vmem>>) target(%dma_start3A_133 : memref<104x128xf32, #tpu.memory_space<hbm>>) target_semaphore(%arg14 : memref<!tpu.dma_semaphore, #tpu.memory_space<semaphore_mem>>)
    %mul3A_137 = arith.constant 624 : i32
    %mul3A_138 = arith.muli %arg1, %mul3A_137 : i32
    %add3A_139 = arith.constant 312 : i32
    %add3A_140 = arith.addi %mul3A_138, %add3A_139 : i32
    %mul3A_141 = arith.constant 624 : i32
    %mul3A_142 = arith.muli %arg1, %mul3A_141 : i32
    %add3A_143 = arith.constant 104 : i32
    %add3A_144 = arith.addi %mul3A_142, %add3A_143 : i32
    %dma_wait3A_145 = arith.constant 0 : i32
    %dma_wait3A_146 = arith.constant 0 : i32
    %dma_wait3A_147 = tpu.memref_slice %arg10[%dma_wait3A_145, %dma_wait3A_146] : memref<128x128xf32, #tpu.memory_space<vmem>> -> memref<104x128xf32, #tpu.memory_space<vmem>>
    %dma_wait3A_148 = arith.constant 0 : i32
    %dma_wait3A_149 = tpu.memref_slice %arg5[%arg0, %add3A_144, %dma_wait3A_148] : memref<2x10000x128xf32, #tpu.memory_space<hbm>> -> memref<1x104x128xf32, #tpu.memory_space<hbm>>
    %dma_wait3A_150 = tpu.memref_squeeze %dma_wait3A_149 : memref<1x104x128xf32, #tpu.memory_space<hbm>> -> memref<104x128xf32, #tpu.memory_space<hbm>>
    %dma_wait3A_151 = arith.constant 0 : i32
    %dma_wait3A_152 = tpu.memref_slice %arg5[%arg0, %add3A_144, %dma_wait3A_151] : memref<2x10000x128xf32, #tpu.memory_space<hbm>> -> memref<1x104x128xf32, #tpu.memory_space<hbm>>
    %dma_wait3A_153 = tpu.memref_squeeze %dma_wait3A_152 : memref<1x104x128xf32, #tpu.memory_space<hbm>> -> memref<104x128xf32, #tpu.memory_space<hbm>>
    %dma_wait3A_154 = arith.constant 0 : i32
    %dma_wait3A_155 = arith.constant 0 : i32
    %dma_wait3A_156 = tpu.memref_slice %arg10[%dma_wait3A_154, %dma_wait3A_155] : memref<128x128xf32, #tpu.memory_space<vmem>> -> memref<104x128xf32, #tpu.memory_space<vmem>>
    tpu.wait_dma2 semaphore(%arg15 : memref<!tpu.dma_semaphore, #tpu.memory_space<semaphore_mem>>) src(%dma_wait3A_156 : memref<104x128xf32, #tpu.memory_space<vmem>>) dst(%dma_wait3A_153 : memref<104x128xf32, #tpu.memory_space<hbm>>)
    "tpu.region"() ({
      %run_scoped3A = tpu.sem_alloc : memref<!tpu.dma_semaphore, #tpu.memory_space<semaphore_mem>>
      %dma_start3A_267 = arith.constant 0 : i32
      %dma_start3A_268 = arith.constant 0 : i32
      %dma_start3A_269 = tpu.memref_slice %arg10[%dma_start3A_267, %dma_start3A_268] : memref<128x128xf32, #tpu.memory_space<vmem>> -> memref<104x128xf32, #tpu.memory_space<vmem>>
      %dma_start3A_270 = arith.constant 0 : i32
      %dma_start3A_271 = tpu.memref_slice %arg11[%add3A_140, %dma_start3A_270] : memref<10240x128xf32, #tpu.memory_space<vmem_shared>> -> memref<104x128xf32, #tpu.memory_space<vmem_shared>>
      %dma_start3A_272 = arith.constant 0 : i32
      %dma_start3A_273 = arith.constant 0 : i32
      %dma_start3A_274 = tpu.memref_slice %arg10[%dma_start3A_272, %dma_start3A_273] : memref<128x128xf32, #tpu.memory_space<vmem>> -> memref<104x128xf32, #tpu.memory_space<vmem>>
      %dma_start3A_275 = arith.constant 0 : i32
      %dma_start3A_276 = tpu.memref_slice %arg11[%add3A_140, %dma_start3A_275] : memref<10240x128xf32, #tpu.memory_space<vmem_shared>> -> memref<104x128xf32, #tpu.memory_space<vmem_shared>>
      tpu.enqueue_dma source(%dma_start3A_276 : memref<104x128xf32, #tpu.memory_space<vmem_shared>>) target(%dma_start3A_274 : memref<104x128xf32, #tpu.memory_space<vmem>>) target_semaphore(%run_scoped3A : memref<!tpu.dma_semaphore, #tpu.memory_space<semaphore_mem>>)
      %dma_wait3A_277 = arith.constant 0 : i32
      %dma_wait3A_278 = arith.constant 0 : i32
      %dma_wait3A_279 = tpu.memref_slice %arg10[%dma_wait3A_277, %dma_wait3A_278] : memref<128x128xf32, #tpu.memory_space<vmem>> -> memref<104x128xf32, #tpu.memory_space<vmem>>
      %dma_wait3A_280 = arith.constant 0 : i32
      %dma_wait3A_281 = tpu.memref_slice %arg11[%add3A_140, %dma_wait3A_280] : memref<10240x128xf32, #tpu.memory_space<vmem_shared>> -> memref<104x128xf32, #tpu.memory_space<vmem_shared>>
      %dma_wait3A_282 = arith.constant 0 : i32
      %dma_wait3A_283 = arith.constant 0 : i32
      %dma_wait3A_284 = tpu.memref_slice %arg10[%dma_wait3A_282, %dma_wait3A_283] : memref<128x128xf32, #tpu.memory_space<vmem>> -> memref<104x128xf32, #tpu.memory_space<vmem>>
      %dma_wait3A_285 = arith.constant 0 : i32
      %dma_wait3A_286 = tpu.memref_slice %arg11[%add3A_140, %dma_wait3A_285] : memref<10240x128xf32, #tpu.memory_space<vmem_shared>> -> memref<104x128xf32, #tpu.memory_space<vmem_shared>>
      tpu.wait_dma2 semaphore(%run_scoped3A : memref<!tpu.dma_semaphore, #tpu.memory_space<semaphore_mem>>) src(%dma_wait3A_286 : memref<104x128xf32, #tpu.memory_space<vmem_shared>>) dst(%dma_wait3A_284 : memref<104x128xf32, #tpu.memory_space<vmem>>)
      tpu.yield
    }) : () -> ()
    %dma_start3A_157 = arith.constant 0 : i32
    %dma_start3A_158 = arith.constant 0 : i32
    %dma_start3A_159 = tpu.memref_slice %arg10[%dma_start3A_157, %dma_start3A_158] : memref<128x128xf32, #tpu.memory_space<vmem>> -> memref<104x128xf32, #tpu.memory_space<vmem>>
    %dma_start3A_160 = arith.constant 0 : i32
    %dma_start3A_161 = tpu.memref_slice %arg5[%arg0, %add3A_140, %dma_start3A_160] : memref<2x10000x128xf32, #tpu.memory_space<hbm>> -> memref<1x104x128xf32, #tpu.memory_space<hbm>>
    %dma_start3A_162 = tpu.memref_squeeze %dma_start3A_161 : memref<1x104x128xf32, #tpu.memory_space<hbm>> -> memref<104x128xf32, #tpu.memory_space<hbm>>
    %dma_start3A_163 = arith.constant 0 : i32
    %dma_start3A_164 = tpu.memref_slice %arg5[%arg0, %add3A_140, %dma_start3A_163] : memref<2x10000x128xf32, #tpu.memory_space<hbm>> -> memref<1x104x128xf32, #tpu.memory_space<hbm>>
    %dma_start3A_165 = tpu.memref_squeeze %dma_start3A_164 : memref<1x104x128xf32, #tpu.memory_space<hbm>> -> memref<104x128xf32, #tpu.memory_space<hbm>>
    %dma_start3A_166 = arith.constant 0 : i32
    %dma_start3A_167 = arith.constant 0 : i32
    %dma_start3A_168 = tpu.memref_slice %arg10[%dma_start3A_166, %dma_start3A_167] : memref<128x128xf32, #tpu.memory_space<vmem>> -> memref<104x128xf32, #tpu.memory_space<vmem>>
    tpu.enqueue_dma source(%dma_start3A_168 : memref<104x128xf32, #tpu.memory_space<vmem>>) target(%dma_start3A_165 : memref<104x128xf32, #tpu.memory_space<hbm>>) target_semaphore(%arg15 : memref<!tpu.dma_semaphore, #tpu.memory_space<semaphore_mem>>)
    %mul3A_169 = arith.constant 624 : i32
    %mul3A_170 = arith.muli %arg1, %mul3A_169 : i32
    %add3A_171 = arith.constant 416 : i32
    %add3A_172 = arith.addi %mul3A_170, %add3A_171 : i32
    %mul3A_173 = arith.constant 624 : i32
    %mul3A_174 = arith.muli %arg1, %mul3A_173 : i32
    %add3A_175 = arith.constant 208 : i32
    %add3A_176 = arith.addi %mul3A_174, %add3A_175 : i32
    %dma_wait3A_177 = arith.constant 0 : i32
    %dma_wait3A_178 = arith.constant 0 : i32
    %dma_wait3A_179 = tpu.memref_slice %arg9[%dma_wait3A_177, %dma_wait3A_178] : memref<128x128xf32, #tpu.memory_space<vmem>> -> memref<104x128xf32, #tpu.memory_space<vmem>>
    %dma_wait3A_180 = arith.constant 0 : i32
    %dma_wait3A_181 = tpu.memref_slice %arg5[%arg0, %add3A_176, %dma_wait3A_180] : memref<2x10000x128xf32, #tpu.memory_space<hbm>> -> memref<1x104x128xf32, #tpu.memory_space<hbm>>
    %dma_wait3A_182 = tpu.memref_squeeze %dma_wait3A_181 : memref<1x104x128xf32, #tpu.memory_space<hbm>> -> memref<104x128xf32, #tpu.memory_space<hbm>>
    %dma_wait3A_183 = arith.constant 0 : i32
    %dma_wait3A_184 = tpu.memref_slice %arg5[%arg0, %add3A_176, %dma_wait3A_183] : memref<2x10000x128xf32, #tpu.memory_space<hbm>> -> memref<1x104x128xf32, #tpu.memory_space<hbm>>
    %dma_wait3A_185 = tpu.memref_squeeze %dma_wait3A_184 : memref<1x104x128xf32, #tpu.memory_space<hbm>> -> memref<104x128xf32, #tpu.memory_space<hbm>>
    %dma_wait3A_186 = arith.constant 0 : i32
    %dma_wait3A_187 = arith.constant 0 : i32
    %dma_wait3A_188 = tpu.memref_slice %arg9[%dma_wait3A_186, %dma_wait3A_187] : memref<128x128xf32, #tpu.memory_space<vmem>> -> memref<104x128xf32, #tpu.memory_space<vmem>>
    tpu.wait_dma2 semaphore(%arg14 : memref<!tpu.dma_semaphore, #tpu.memory_space<semaphore_mem>>) src(%dma_wait3A_188 : memref<104x128xf32, #tpu.memory_space<vmem>>) dst(%dma_wait3A_185 : memref<104x128xf32, #tpu.memory_space<hbm>>)
    "tpu.region"() ({
      %run_scoped3A = tpu.sem_alloc : memref<!tpu.dma_semaphore, #tpu.memory_space<semaphore_mem>>
      %dma_start3A_267 = arith.constant 0 : i32
      %dma_start3A_268 = arith.constant 0 : i32
      %dma_start3A_269 = tpu.memref_slice %arg9[%dma_start3A_267, %dma_start3A_268] : memref<128x128xf32, #tpu.memory_space<vmem>> -> memref<104x128xf32, #tpu.memory_space<vmem>>
      %dma_start3A_270 = arith.constant 0 : i32
      %dma_start3A_271 = tpu.memref_slice %arg11[%add3A_172, %dma_start3A_270] : memref<10240x128xf32, #tpu.memory_space<vmem_shared>> -> memref<104x128xf32, #tpu.memory_space<vmem_shared>>
      %dma_start3A_272 = arith.constant 0 : i32
      %dma_start3A_273 = arith.constant 0 : i32
      %dma_start3A_274 = tpu.memref_slice %arg9[%dma_start3A_272, %dma_start3A_273] : memref<128x128xf32, #tpu.memory_space<vmem>> -> memref<104x128xf32, #tpu.memory_space<vmem>>
      %dma_start3A_275 = arith.constant 0 : i32
      %dma_start3A_276 = tpu.memref_slice %arg11[%add3A_172, %dma_start3A_275] : memref<10240x128xf32, #tpu.memory_space<vmem_shared>> -> memref<104x128xf32, #tpu.memory_space<vmem_shared>>
      tpu.enqueue_dma source(%dma_start3A_276 : memref<104x128xf32, #tpu.memory_space<vmem_shared>>) target(%dma_start3A_274 : memref<104x128xf32, #tpu.memory_space<vmem>>) target_semaphore(%run_scoped3A : memref<!tpu.dma_semaphore, #tpu.memory_space<semaphore_mem>>)
      %dma_wait3A_277 = arith.constant 0 : i32
      %dma_wait3A_278 = arith.constant 0 : i32
      %dma_wait3A_279 = tpu.memref_slice %arg9[%dma_wait3A_277, %dma_wait3A_278] : memref<128x128xf32, #tpu.memory_space<vmem>> -> memref<104x128xf32, #tpu.memory_space<vmem>>
      %dma_wait3A_280 = arith.constant 0 : i32
      %dma_wait3A_281 = tpu.memref_slice %arg11[%add3A_172, %dma_wait3A_280] : memref<10240x128xf32, #tpu.memory_space<vmem_shared>> -> memref<104x128xf32, #tpu.memory_space<vmem_shared>>
      %dma_wait3A_282 = arith.constant 0 : i32
      %dma_wait3A_283 = arith.constant 0 : i32
      %dma_wait3A_284 = tpu.memref_slice %arg9[%dma_wait3A_282, %dma_wait3A_283] : memref<128x128xf32, #tpu.memory_space<vmem>> -> memref<104x128xf32, #tpu.memory_space<vmem>>
      %dma_wait3A_285 = arith.constant 0 : i32
      %dma_wait3A_286 = tpu.memref_slice %arg11[%add3A_172, %dma_wait3A_285] : memref<10240x128xf32, #tpu.memory_space<vmem_shared>> -> memref<104x128xf32, #tpu.memory_space<vmem_shared>>
      tpu.wait_dma2 semaphore(%run_scoped3A : memref<!tpu.dma_semaphore, #tpu.memory_space<semaphore_mem>>) src(%dma_wait3A_286 : memref<104x128xf32, #tpu.memory_space<vmem_shared>>) dst(%dma_wait3A_284 : memref<104x128xf32, #tpu.memory_space<vmem>>)
      tpu.yield
    }) : () -> ()
    %dma_start3A_189 = arith.constant 0 : i32
    %dma_start3A_190 = arith.constant 0 : i32
    %dma_start3A_191 = tpu.memref_slice %arg9[%dma_start3A_189, %dma_start3A_190] : memref<128x128xf32, #tpu.memory_space<vmem>> -> memref<104x128xf32, #tpu.memory_space<vmem>>
    %dma_start3A_192 = arith.constant 0 : i32
    %dma_start3A_193 = tpu.memref_slice %arg5[%arg0, %add3A_172, %dma_start3A_192] : memref<2x10000x128xf32, #tpu.memory_space<hbm>> -> memref<1x104x128xf32, #tpu.memory_space<hbm>>
    %dma_start3A_194 = tpu.memref_squeeze %dma_start3A_193 : memref<1x104x128xf32, #tpu.memory_space<hbm>> -> memref<104x128xf32, #tpu.memory_space<hbm>>
    %dma_start3A_195 = arith.constant 0 : i32
    %dma_start3A_196 = tpu.memref_slice %arg5[%arg0, %add3A_172, %dma_start3A_195] : memref<2x10000x128xf32, #tpu.memory_space<hbm>> -> memref<1x104x128xf32, #tpu.memory_space<hbm>>
    %dma_start3A_197 = tpu.memref_squeeze %dma_start3A_196 : memref<1x104x128xf32, #tpu.memory_space<hbm>> -> memref<104x128xf32, #tpu.memory_space<hbm>>
    %dma_start3A_198 = arith.constant 0 : i32
    %dma_start3A_199 = arith.constant 0 : i32
    %dma_start3A_200 = tpu.memref_slice %arg9[%dma_start3A_198, %dma_start3A_199] : memref<128x128xf32, #tpu.memory_space<vmem>> -> memref<104x128xf32, #tpu.memory_space<vmem>>
    tpu.enqueue_dma source(%dma_start3A_200 : memref<104x128xf32, #tpu.memory_space<vmem>>) target(%dma_start3A_197 : memref<104x128xf32, #tpu.memory_space<hbm>>) target_semaphore(%arg14 : memref<!tpu.dma_semaphore, #tpu.memory_space<semaphore_mem>>)
    %mul3A_201 = arith.constant 624 : i32
    %mul3A_202 = arith.muli %arg1, %mul3A_201 : i32
    %add3A_203 = arith.constant 520 : i32
    %add3A_204 = arith.addi %mul3A_202, %add3A_203 : i32
    %mul3A_205 = arith.constant 624 : i32
    %mul3A_206 = arith.muli %arg1, %mul3A_205 : i32
    %add3A_207 = arith.constant 312 : i32
    %add3A_208 = arith.addi %mul3A_206, %add3A_207 : i32
    %dma_wait3A_209 = arith.constant 0 : i32
    %dma_wait3A_210 = arith.constant 0 : i32
    %dma_wait3A_211 = tpu.memref_slice %arg10[%dma_wait3A_209, %dma_wait3A_210] : memref<128x128xf32, #tpu.memory_space<vmem>> -> memref<104x128xf32, #tpu.memory_space<vmem>>
    %dma_wait3A_212 = arith.constant 0 : i32
    %dma_wait3A_213 = tpu.memref_slice %arg5[%arg0, %add3A_208, %dma_wait3A_212] : memref<2x10000x128xf32, #tpu.memory_space<hbm>> -> memref<1x104x128xf32, #tpu.memory_space<hbm>>
    %dma_wait3A_214 = tpu.memref_squeeze %dma_wait3A_213 : memref<1x104x128xf32, #tpu.memory_space<hbm>> -> memref<104x128xf32, #tpu.memory_space<hbm>>
    %dma_wait3A_215 = arith.constant 0 : i32
    %dma_wait3A_216 = tpu.memref_slice %arg5[%arg0, %add3A_208, %dma_wait3A_215] : memref<2x10000x128xf32, #tpu.memory_space<hbm>> -> memref<1x104x128xf32, #tpu.memory_space<hbm>>
    %dma_wait3A_217 = tpu.memref_squeeze %dma_wait3A_216 : memref<1x104x128xf32, #tpu.memory_space<hbm>> -> memref<104x128xf32, #tpu.memory_space<hbm>>
    %dma_wait3A_218 = arith.constant 0 : i32
    %dma_wait3A_219 = arith.constant 0 : i32
    %dma_wait3A_220 = tpu.memref_slice %arg10[%dma_wait3A_218, %dma_wait3A_219] : memref<128x128xf32, #tpu.memory_space<vmem>> -> memref<104x128xf32, #tpu.memory_space<vmem>>
    tpu.wait_dma2 semaphore(%arg15 : memref<!tpu.dma_semaphore, #tpu.memory_space<semaphore_mem>>) src(%dma_wait3A_220 : memref<104x128xf32, #tpu.memory_space<vmem>>) dst(%dma_wait3A_217 : memref<104x128xf32, #tpu.memory_space<hbm>>)
    "tpu.region"() ({
      %run_scoped3A = tpu.sem_alloc : memref<!tpu.dma_semaphore, #tpu.memory_space<semaphore_mem>>
      %dma_start3A_267 = arith.constant 0 : i32
      %dma_start3A_268 = arith.constant 0 : i32
      %dma_start3A_269 = tpu.memref_slice %arg10[%dma_start3A_267, %dma_start3A_268] : memref<128x128xf32, #tpu.memory_space<vmem>> -> memref<104x128xf32, #tpu.memory_space<vmem>>
      %dma_start3A_270 = arith.constant 0 : i32
      %dma_start3A_271 = tpu.memref_slice %arg11[%add3A_204, %dma_start3A_270] : memref<10240x128xf32, #tpu.memory_space<vmem_shared>> -> memref<104x128xf32, #tpu.memory_space<vmem_shared>>
      %dma_start3A_272 = arith.constant 0 : i32
      %dma_start3A_273 = arith.constant 0 : i32
      %dma_start3A_274 = tpu.memref_slice %arg10[%dma_start3A_272, %dma_start3A_273] : memref<128x128xf32, #tpu.memory_space<vmem>> -> memref<104x128xf32, #tpu.memory_space<vmem>>
      %dma_start3A_275 = arith.constant 0 : i32
      %dma_start3A_276 = tpu.memref_slice %arg11[%add3A_204, %dma_start3A_275] : memref<10240x128xf32, #tpu.memory_space<vmem_shared>> -> memref<104x128xf32, #tpu.memory_space<vmem_shared>>
      tpu.enqueue_dma source(%dma_start3A_276 : memref<104x128xf32, #tpu.memory_space<vmem_shared>>) target(%dma_start3A_274 : memref<104x128xf32, #tpu.memory_space<vmem>>) target_semaphore(%run_scoped3A : memref<!tpu.dma_semaphore, #tpu.memory_space<semaphore_mem>>)
      %dma_wait3A_277 = arith.constant 0 : i32
      %dma_wait3A_278 = arith.constant 0 : i32
      %dma_wait3A_279 = tpu.memref_slice %arg10[%dma_wait3A_277, %dma_wait3A_278] : memref<128x128xf32, #tpu.memory_space<vmem>> -> memref<104x128xf32, #tpu.memory_space<vmem>>
      %dma_wait3A_280 = arith.constant 0 : i32
      %dma_wait3A_281 = tpu.memref_slice %arg11[%add3A_204, %dma_wait3A_280] : memref<10240x128xf32, #tpu.memory_space<vmem_shared>> -> memref<104x128xf32, #tpu.memory_space<vmem_shared>>
      %dma_wait3A_282 = arith.constant 0 : i32
      %dma_wait3A_283 = arith.constant 0 : i32
      %dma_wait3A_284 = tpu.memref_slice %arg10[%dma_wait3A_282, %dma_wait3A_283] : memref<128x128xf32, #tpu.memory_space<vmem>> -> memref<104x128xf32, #tpu.memory_space<vmem>>
      %dma_wait3A_285 = arith.constant 0 : i32
      %dma_wait3A_286 = tpu.memref_slice %arg11[%add3A_204, %dma_wait3A_285] : memref<10240x128xf32, #tpu.memory_space<vmem_shared>> -> memref<104x128xf32, #tpu.memory_space<vmem_shared>>
      tpu.wait_dma2 semaphore(%run_scoped3A : memref<!tpu.dma_semaphore, #tpu.memory_space<semaphore_mem>>) src(%dma_wait3A_286 : memref<104x128xf32, #tpu.memory_space<vmem_shared>>) dst(%dma_wait3A_284 : memref<104x128xf32, #tpu.memory_space<vmem>>)
      tpu.yield
    }) : () -> ()
    %dma_start3A_221 = arith.constant 0 : i32
    %dma_start3A_222 = arith.constant 0 : i32
    %dma_start3A_223 = tpu.memref_slice %arg10[%dma_start3A_221, %dma_start3A_222] : memref<128x128xf32, #tpu.memory_space<vmem>> -> memref<104x128xf32, #tpu.memory_space<vmem>>
    %dma_start3A_224 = arith.constant 0 : i32
    %dma_start3A_225 = tpu.memref_slice %arg5[%arg0, %add3A_204, %dma_start3A_224] : memref<2x10000x128xf32, #tpu.memory_space<hbm>> -> memref<1x104x128xf32, #tpu.memory_space<hbm>>
    %dma_start3A_226 = tpu.memref_squeeze %dma_start3A_225 : memref<1x104x128xf32, #tpu.memory_space<hbm>> -> memref<104x128xf32, #tpu.memory_space<hbm>>
    %dma_start3A_227 = arith.constant 0 : i32
    %dma_start3A_228 = tpu.memref_slice %arg5[%arg0, %add3A_204, %dma_start3A_227] : memref<2x10000x128xf32, #tpu.memory_space<hbm>> -> memref<1x104x128xf32, #tpu.memory_space<hbm>>
    %dma_start3A_229 = tpu.memref_squeeze %dma_start3A_228 : memref<1x104x128xf32, #tpu.memory_space<hbm>> -> memref<104x128xf32, #tpu.memory_space<hbm>>
    %dma_start3A_230 = arith.constant 0 : i32
    %dma_start3A_231 = arith.constant 0 : i32
    %dma_start3A_232 = tpu.memref_slice %arg10[%dma_start3A_230, %dma_start3A_231] : memref<128x128xf32, #tpu.memory_space<vmem>> -> memref<104x128xf32, #tpu.memory_space<vmem>>
    tpu.enqueue_dma source(%dma_start3A_232 : memref<104x128xf32, #tpu.memory_space<vmem>>) target(%dma_start3A_229 : memref<104x128xf32, #tpu.memory_space<hbm>>) target_semaphore(%arg15 : memref<!tpu.dma_semaphore, #tpu.memory_space<semaphore_mem>>)
    %mul3A_233 = arith.constant 624 : i32
    %mul3A_234 = arith.muli %arg1, %mul3A_233 : i32
    %add3A_235 = arith.constant 416 : i32
    %add3A_236 = arith.addi %mul3A_234, %add3A_235 : i32
    %dma_wait3A_237 = arith.constant 0 : i32
    %dma_wait3A_238 = arith.constant 0 : i32
    %dma_wait3A_239 = tpu.memref_slice %arg9[%dma_wait3A_237, %dma_wait3A_238] : memref<128x128xf32, #tpu.memory_space<vmem>> -> memref<104x128xf32, #tpu.memory_space<vmem>>
    %dma_wait3A_240 = arith.constant 0 : i32
    %dma_wait3A_241 = tpu.memref_slice %arg5[%arg0, %add3A_236, %dma_wait3A_240] : memref<2x10000x128xf32, #tpu.memory_space<hbm>> -> memref<1x104x128xf32, #tpu.memory_space<hbm>>
    %dma_wait3A_242 = tpu.memref_squeeze %dma_wait3A_241 : memref<1x104x128xf32, #tpu.memory_space<hbm>> -> memref<104x128xf32, #tpu.memory_space<hbm>>
    %dma_wait3A_243 = arith.constant 0 : i32
    %dma_wait3A_244 = tpu.memref_slice %arg5[%arg0, %add3A_236, %dma_wait3A_243] : memref<2x10000x128xf32, #tpu.memory_space<hbm>> -> memref<1x104x128xf32, #tpu.memory_space<hbm>>
    %dma_wait3A_245 = tpu.memref_squeeze %dma_wait3A_244 : memref<1x104x128xf32, #tpu.memory_space<hbm>> -> memref<104x128xf32, #tpu.memory_space<hbm>>
    %dma_wait3A_246 = arith.constant 0 : i32
    %dma_wait3A_247 = arith.constant 0 : i32
    %dma_wait3A_248 = tpu.memref_slice %arg9[%dma_wait3A_246, %dma_wait3A_247] : memref<128x128xf32, #tpu.memory_space<vmem>> -> memref<104x128xf32, #tpu.memory_space<vmem>>
    tpu.wait_dma2 semaphore(%arg14 : memref<!tpu.dma_semaphore, #tpu.memory_space<semaphore_mem>>) src(%dma_wait3A_248 : memref<104x128xf32, #tpu.memory_space<vmem>>) dst(%dma_wait3A_245 : memref<104x128xf32, #tpu.memory_space<hbm>>)
    %mul3A_249 = arith.constant 624 : i32
    %mul3A_250 = arith.muli %arg1, %mul3A_249 : i32
    %add3A_251 = arith.constant 520 : i32
    %add3A_252 = arith.addi %mul3A_250, %add3A_251 : i32
    %dma_wait3A_253 = arith.constant 0 : i32
    %dma_wait3A_254 = arith.constant 0 : i32
    %dma_wait3A_255 = tpu.memref_slice %arg10[%dma_wait3A_253, %dma_wait3A_254] : memref<128x128xf32, #tpu.memory_space<vmem>> -> memref<104x128xf32, #tpu.memory_space<vmem>>
    %dma_wait3A_256 = arith.constant 0 : i32
    %dma_wait3A_257 = tpu.memref_slice %arg5[%arg0, %add3A_252, %dma_wait3A_256] : memref<2x10000x128xf32, #tpu.memory_space<hbm>> -> memref<1x104x128xf32, #tpu.memory_space<hbm>>
    %dma_wait3A_258 = tpu.memref_squeeze %dma_wait3A_257 : memref<1x104x128xf32, #tpu.memory_space<hbm>> -> memref<104x128xf32, #tpu.memory_space<hbm>>
    %dma_wait3A_259 = arith.constant 0 : i32
    %dma_wait3A_260 = tpu.memref_slice %arg5[%arg0, %add3A_252, %dma_wait3A_259] : memref<2x10000x128xf32, #tpu.memory_space<hbm>> -> memref<1x104x128xf32, #tpu.memory_space<hbm>>
    %dma_wait3A_261 = tpu.memref_squeeze %dma_wait3A_260 : memref<1x104x128xf32, #tpu.memory_space<hbm>> -> memref<104x128xf32, #tpu.memory_space<hbm>>
    %dma_wait3A_262 = arith.constant 0 : i32
    %dma_wait3A_263 = arith.constant 0 : i32
    %dma_wait3A_264 = tpu.memref_slice %arg10[%dma_wait3A_262, %dma_wait3A_263] : memref<128x128xf32, #tpu.memory_space<vmem>> -> memref<104x128xf32, #tpu.memory_space<vmem>>
    tpu.wait_dma2 semaphore(%arg15 : memref<!tpu.dma_semaphore, #tpu.memory_space<semaphore_mem>>) src(%dma_wait3A_264 : memref<104x128xf32, #tpu.memory_space<vmem>>) dst(%dma_wait3A_261 : memref<104x128xf32, #tpu.memory_space<hbm>>)
    %eq3A = arith.constant 0 : i32
    %eq3A_265 = arith.cmpi eq, %arg1, %eq3A : i32
    %convert_element_type3A = arith.extui %eq3A_265 : i1 to i32
    %cond3A = arith.constant 0 : i32
    %cond3A_266 = arith.cmpi ne, %convert_element_type3A, %cond3A : i32
    scf.if %cond3A_266 {
      "tpu.region"() ({
        %run_scoped3A = tpu.sem_alloc : memref<!tpu.dma_semaphore, #tpu.memory_space<semaphore_mem>>
        %dma_start3A_267 = arith.constant 0 : i32
        %dma_start3A_268 = arith.constant 0 : i32
        %dma_start3A_269 = tpu.memref_slice %arg9[%dma_start3A_267, %dma_start3A_268] : memref<128x128xf32, #tpu.memory_space<vmem>> -> memref<16x128xf32, #tpu.memory_space<vmem>>
        %dma_start3A_270 = arith.constant 9984 : i32
        %dma_start3A_271 = arith.constant 0 : i32
        %dma_start3A_272 = tpu.memref_slice %arg11[%dma_start3A_270, %dma_start3A_271] : memref<10240x128xf32, #tpu.memory_space<vmem_shared>> -> memref<16x128xf32, #tpu.memory_space<vmem_shared>>
        %dma_start3A_273 = arith.constant 0 : i32
        %dma_start3A_274 = arith.constant 0 : i32
        %dma_start3A_275 = tpu.memref_slice %arg9[%dma_start3A_273, %dma_start3A_274] : memref<128x128xf32, #tpu.memory_space<vmem>> -> memref<16x128xf32, #tpu.memory_space<vmem>>
        %dma_start3A_276 = arith.constant 9984 : i32
        %dma_start3A_277 = arith.constant 0 : i32
        %dma_start3A_278 = tpu.memref_slice %arg11[%dma_start3A_276, %dma_start3A_277] : memref<10240x128xf32, #tpu.memory_space<vmem_shared>> -> memref<16x128xf32, #tpu.memory_space<vmem_shared>>
        tpu.enqueue_dma source(%dma_start3A_278 : memref<16x128xf32, #tpu.memory_space<vmem_shared>>) target(%dma_start3A_275 : memref<16x128xf32, #tpu.memory_space<vmem>>) target_semaphore(%run_scoped3A : memref<!tpu.dma_semaphore, #tpu.memory_space<semaphore_mem>>)
        %dma_wait3A_279 = arith.constant 0 : i32
        %dma_wait3A_280 = arith.constant 0 : i32
        %dma_wait3A_281 = tpu.memref_slice %arg9[%dma_wait3A_279, %dma_wait3A_280] : memref<128x128xf32, #tpu.memory_space<vmem>> -> memref<16x128xf32, #tpu.memory_space<vmem>>
        %dma_wait3A_282 = arith.constant 9984 : i32
        %dma_wait3A_283 = arith.constant 0 : i32
        %dma_wait3A_284 = tpu.memref_slice %arg11[%dma_wait3A_282, %dma_wait3A_283] : memref<10240x128xf32, #tpu.memory_space<vmem_shared>> -> memref<16x128xf32, #tpu.memory_space<vmem_shared>>
        %dma_wait3A_285 = arith.constant 0 : i32
        %dma_wait3A_286 = arith.constant 0 : i32
        %dma_wait3A_287 = tpu.memref_slice %arg9[%dma_wait3A_285, %dma_wait3A_286] : memref<128x128xf32, #tpu.memory_space<vmem>> -> memref<16x128xf32, #tpu.memory_space<vmem>>
        %dma_wait3A_288 = arith.constant 9984 : i32
        %dma_wait3A_289 = arith.constant 0 : i32
        %dma_wait3A_290 = tpu.memref_slice %arg11[%dma_wait3A_288, %dma_wait3A_289] : memref<10240x128xf32, #tpu.memory_space<vmem_shared>> -> memref<16x128xf32, #tpu.memory_space<vmem_shared>>
        tpu.wait_dma2 semaphore(%run_scoped3A : memref<!tpu.dma_semaphore, #tpu.memory_space<semaphore_mem>>) src(%dma_wait3A_290 : memref<16x128xf32, #tpu.memory_space<vmem_shared>>) dst(%dma_wait3A_287 : memref<16x128xf32, #tpu.memory_space<vmem>>)
        tpu.yield
      }) : () -> ()
      "tpu.region"() ({
        %run_scoped3A = tpu.sem_alloc : memref<!tpu.dma_semaphore, #tpu.memory_space<semaphore_mem>>
        %dma_start3A_267 = arith.constant 0 : i32
        %dma_start3A_268 = arith.constant 0 : i32
        %dma_start3A_269 = tpu.memref_slice %arg9[%dma_start3A_267, %dma_start3A_268] : memref<128x128xf32, #tpu.memory_space<vmem>> -> memref<16x128xf32, #tpu.memory_space<vmem>>
        %dma_start3A_270 = arith.constant 9984 : i32
        %dma_start3A_271 = arith.constant 0 : i32
        %dma_start3A_272 = tpu.memref_slice %arg5[%arg0, %dma_start3A_270, %dma_start3A_271] : memref<2x10000x128xf32, #tpu.memory_space<hbm>> -> memref<1x16x128xf32, #tpu.memory_space<hbm>>
        %dma_start3A_273 = tpu.memref_squeeze %dma_start3A_272 : memref<1x16x128xf32, #tpu.memory_space<hbm>> -> memref<16x128xf32, #tpu.memory_space<hbm>>
        %dma_start3A_274 = arith.constant 9984 : i32
        %dma_start3A_275 = arith.constant 0 : i32
        %dma_start3A_276 = tpu.memref_slice %arg5[%arg0, %dma_start3A_274, %dma_start3A_275] : memref<2x10000x128xf32, #tpu.memory_space<hbm>> -> memref<1x16x128xf32, #tpu.memory_space<hbm>>
        %dma_start3A_277 = tpu.memref_squeeze %dma_start3A_276 : memref<1x16x128xf32, #tpu.memory_space<hbm>> -> memref<16x128xf32, #tpu.memory_space<hbm>>
        %dma_start3A_278 = arith.constant 0 : i32
        %dma_start3A_279 = arith.constant 0 : i32
        %dma_start3A_280 = tpu.memref_slice %arg9[%dma_start3A_278, %dma_start3A_279] : memref<128x128xf32, #tpu.memory_space<vmem>> -> memref<16x128xf32, #tpu.memory_space<vmem>>
        tpu.enqueue_dma source(%dma_start3A_280 : memref<16x128xf32, #tpu.memory_space<vmem>>) target(%dma_start3A_277 : memref<16x128xf32, #tpu.memory_space<hbm>>) target_semaphore(%run_scoped3A : memref<!tpu.dma_semaphore, #tpu.memory_space<semaphore_mem>>)
        %dma_wait3A_281 = arith.constant 0 : i32
        %dma_wait3A_282 = arith.constant 0 : i32
        %dma_wait3A_283 = tpu.memref_slice %arg9[%dma_wait3A_281, %dma_wait3A_282] : memref<128x128xf32, #tpu.memory_space<vmem>> -> memref<16x128xf32, #tpu.memory_space<vmem>>
        %dma_wait3A_284 = arith.constant 9984 : i32
        %dma_wait3A_285 = arith.constant 0 : i32
        %dma_wait3A_286 = tpu.memref_slice %arg5[%arg0, %dma_wait3A_284, %dma_wait3A_285] : memref<2x10000x128xf32, #tpu.memory_space<hbm>> -> memref<1x16x128xf32, #tpu.memory_space<hbm>>
        %dma_wait3A_287 = tpu.memref_squeeze %dma_wait3A_286 : memref<1x16x128xf32, #tpu.memory_space<hbm>> -> memref<16x128xf32, #tpu.memory_space<hbm>>
        %dma_wait3A_288 = arith.constant 9984 : i32
        %dma_wait3A_289 = arith.constant 0 : i32
        %dma_wait3A_290 = tpu.memref_slice %arg5[%arg0, %dma_wait3A_288, %dma_wait3A_289] : memref<2x10000x128xf32, #tpu.memory_space<hbm>> -> memref<1x16x128xf32, #tpu.memory_space<hbm>>
        %dma_wait3A_291 = tpu.memref_squeeze %dma_wait3A_290 : memref<1x16x128xf32, #tpu.memory_space<hbm>> -> memref<16x128xf32, #tpu.memory_space<hbm>>
        %dma_wait3A_292 = arith.constant 0 : i32
        %dma_wait3A_293 = arith.constant 0 : i32
        %dma_wait3A_294 = tpu.memref_slice %arg9[%dma_wait3A_292, %dma_wait3A_293] : memref<128x128xf32, #tpu.memory_space<vmem>> -> memref<16x128xf32, #tpu.memory_space<vmem>>
        tpu.wait_dma2 semaphore(%run_scoped3A : memref<!tpu.dma_semaphore, #tpu.memory_space<semaphore_mem>>) src(%dma_wait3A_294 : memref<16x128xf32, #tpu.memory_space<vmem>>) dst(%dma_wait3A_291 : memref<16x128xf32, #tpu.memory_space<hbm>>)
        tpu.yield
      }) : () -> ()
    } else {
    }
    return
  }
}

#map = affine_map<(d0, d1) -> (0, 0)>
#map1 = affine_map<(d0, d1) -> (0, 0, 0)>
module attributes {stable_mosaic.version = 14 : i64} {
  func.func @_sc_agg_body(%arg0: i32, %arg1: i32, %arg2: memref<10000x128xf32, #tpu.memory_space<hbm>>, %arg3: memref<32x80x128xi32, #tpu.memory_space<hbm>>, %arg4: memref<32x80x128xi32, #tpu.memory_space<hbm>>, %arg5: memref<2x10000x128xf32, #tpu.memory_space<hbm>>, %arg6: memref<80x128xi32, #tpu.memory_space<vmem>>, %arg7: memref<128xi32, #tpu.memory_space<vmem>>, %arg8: memref<128xi32, #tpu.memory_space<vmem>>, %arg9: memref<128x128xf32, #tpu.memory_space<vmem>>, %arg10: memref<128x128xf32, #tpu.memory_space<vmem>>, %arg11: memref<10240x128xf32, #tpu.memory_space<vmem_shared>>, %arg12: memref<!tpu.dma_semaphore, #tpu.memory_space<semaphore_mem>>, %arg13: memref<!tpu.dma_semaphore, #tpu.memory_space<semaphore_mem>>, %arg14: memref<!tpu.dma_semaphore, #tpu.memory_space<semaphore_mem>>, %arg15: memref<!tpu.dma_semaphore, #tpu.memory_space<semaphore_mem>>, %arg16: memref<!tpu.dma_semaphore, #tpu.memory_space<semaphore_mem>>, %arg17: memref<!tpu.dma_semaphore, #tpu.memory_space<semaphore_mem>>) attributes {dimension_semantics = [#tpu.dimension_semantics<core_parallel>, #tpu.dimension_semantics<subcore_parallel>], iteration_bounds = array<i64: 2, 16>, scalar_prefetch = 0 : i64, scratch_operands = 12 : i64, tpu.core_type = #tpu.core_type<sc_vector_subcore>, window_params = [{transform_indices = #map}, {transform_indices = #map1}, {transform_indices = #map1}, {transform_indices = #map1}]} {
    %mul3A = arith.constant 2 : i32
    %mul3A_0 = arith.muli %arg1, %mul3A : i32
    %add3A = arith.addi %mul3A_0, %arg0 : i32
    "tpu.region"() ({
      %run_scoped3A = tpu.sem_alloc : memref<!tpu.dma_semaphore, #tpu.memory_space<semaphore_mem>>
      %dma_start3A_267 = arith.constant 0 : i32
      %dma_start3A_268 = arith.constant 0 : i32
      %dma_start3A_269 = tpu.memref_slice %arg3[%add3A, %dma_start3A_267, %dma_start3A_268] : memref<32x80x128xi32, #tpu.memory_space<hbm>> -> memref<1x80x128xi32, #tpu.memory_space<hbm>>
      %dma_start3A_270 = tpu.memref_squeeze %dma_start3A_269 : memref<1x80x128xi32, #tpu.memory_space<hbm>> -> memref<80x128xi32, #tpu.memory_space<hbm>>
      %dma_start3A_271 = arith.constant 0 : i32
      %dma_start3A_272 = arith.constant 0 : i32
      %dma_start3A_273 = tpu.memref_slice %arg3[%add3A, %dma_start3A_271, %dma_start3A_272] : memref<32x80x128xi32, #tpu.memory_space<hbm>> -> memref<1x80x128xi32, #tpu.memory_space<hbm>>
      %dma_start3A_274 = tpu.memref_squeeze %dma_start3A_273 : memref<1x80x128xi32, #tpu.memory_space<hbm>> -> memref<80x128xi32, #tpu.memory_space<hbm>>
      tpu.enqueue_dma source(%dma_start3A_274 : memref<80x128xi32, #tpu.memory_space<hbm>>) target(%arg6 : memref<80x128xi32, #tpu.memory_space<vmem>>) target_semaphore(%run_scoped3A : memref<!tpu.dma_semaphore, #tpu.memory_space<semaphore_mem>>)
      %dma_wait3A_275 = arith.constant 0 : i32
      %dma_wait3A_276 = arith.constant 0 : i32
      %dma_wait3A_277 = tpu.memref_slice %arg3[%add3A, %dma_wait3A_275, %dma_wait3A_276] : memref<32x80x128xi32, #tpu.memory_space<hbm>> -> memref<1x80x128xi32, #tpu.memory_space<hbm>>
      %dma_wait3A_278 = tpu.memref_squeeze %dma_wait3A_277 : memref<1x80x128xi32, #tpu.memory_space<hbm>> -> memref<80x128xi32, #tpu.memory_space<hbm>>
      %dma_wait3A_279 = arith.constant 0 : i32
      %dma_wait3A_280 = arith.constant 0 : i32
      %dma_wait3A_281 = tpu.memref_slice %arg3[%add3A, %dma_wait3A_279, %dma_wait3A_280] : memref<32x80x128xi32, #tpu.memory_space<hbm>> -> memref<1x80x128xi32, #tpu.memory_space<hbm>>
      %dma_wait3A_282 = tpu.memref_squeeze %dma_wait3A_281 : memref<1x80x128xi32, #tpu.memory_space<hbm>> -> memref<80x128xi32, #tpu.memory_space<hbm>>
      tpu.wait_dma2 semaphore(%run_scoped3A : memref<!tpu.dma_semaphore, #tpu.memory_space<semaphore_mem>>) src(%dma_wait3A_282 : memref<80x128xi32, #tpu.memory_space<hbm>>) dst(%arg6 : memref<80x128xi32, #tpu.memory_space<vmem>>)
      tpu.yield
    }) : () -> ()
    %scan3A = arith.constant 0 : i32
    %scan3A_1 = arith.constant 0 : i32
    %scan3A_2 = arith.constant 80 : i32
    %scan3A_3 = arith.addi %scan3A_1, %scan3A_2 : i32
    %scan3A_4 = arith.constant 1 : i32
    %scan3A_5 = scf.for %scan3A_267 = %scan3A_1 to %scan3A_3 step %scan3A_4 iter_args(%scan3A_268 = %scan3A) -> (i32)  : i32 {
      %scan3A_269 = arith.constant 0 : i32
      %scan3A_270 = arith.constant 0 : i32
      %scan3A_271 = arith.constant 8 : i32
      %scan3A_272 = arith.addi %scan3A_270, %scan3A_271 : i32
      %scan3A_273 = arith.constant 1 : i32
      %scan3A_274 = scf.for %scan3A_276 = %scan3A_270 to %scan3A_272 step %scan3A_273 iter_args(%scan3A_277 = %scan3A_269) -> (i32)  : i32 {
        %broadcast_in_dim3A = arith.constant 0.000000e+00 : f32
        %broadcast_in_dim3A_278 = vector.broadcast %broadcast_in_dim3A : f32 to vector<16xf32>
        %mul3A_279 = arith.constant 16 : i32
        %mul3A_280 = arith.muli %scan3A_276, %mul3A_279 : i32
        %swap3A = arith.index_cast %scan3A_267 : i32 to index
        %swap3A_281 = arith.index_cast %mul3A_280 : i32 to index
        %swap3A_282 = tpu.vector_load %arg9[%swap3A, %swap3A_281] {strides = array<i32>} : memref<128x128xf32, #tpu.memory_space<vmem>>, vector<1x16xf32>,
        %swap3A_283 = vector.shape_cast %swap3A_282 : vector<1x16xf32> to vector<16xf32>
        %swap3A_284 = vector.shape_cast %broadcast_in_dim3A_278 : vector<16xf32> to vector<1x16xf32>
        tpu.vector_store %arg9[%swap3A, %swap3A_281], %swap3A_284 {strides = array<i32>} : memref<128x128xf32, #tpu.memory_space<vmem>>, vector<1x16xf32>,
        %scan3A_285 = arith.constant 0 : i32
        scf.yield %scan3A_285 : i32
      }
      %scan3A_275 = arith.constant 8 : i32
      scf.yield %scan3A_274 : i32
    }
    %scan3A_6 = arith.constant 80 : i32
    %mul3A_7 = arith.constant 640 : i32
    %mul3A_8 = arith.muli %arg1, %mul3A_7 : i32
    %add3A_9 = arith.constant 0 : i32
    %add3A_10 = arith.addi %mul3A_8, %add3A_9 : i32
    "tpu.region"() ({
      %run_scoped3A = tpu.sem_alloc : memref<!tpu.dma_semaphore, #tpu.memory_space<semaphore_mem>>
      %dma_start3A_267 = arith.constant 0 : i32
      %dma_start3A_268 = arith.constant 0 : i32
      %dma_start3A_269 = tpu.memref_slice %arg9[%dma_start3A_267, %dma_start3A_268] : memref<128x128xf32, #tpu.memory_space<vmem>> -> memref<80x128xf32, #tpu.memory_space<vmem>>
      %dma_start3A_270 = arith.constant 0 : i32
      %dma_start3A_271 = tpu.memref_slice %arg11[%add3A_10, %dma_start3A_270] : memref<10240x128xf32, #tpu.memory_space<vmem_shared>> -> memref<80x128xf32, #tpu.memory_space<vmem_shared>>
      %dma_start3A_272 = arith.constant 0 : i32
      %dma_start3A_273 = tpu.memref_slice %arg11[%add3A_10, %dma_start3A_272] : memref<10240x128xf32, #tpu.memory_space<vmem_shared>> -> memref<80x128xf32, #tpu.memory_space<vmem_shared>>
      %dma_start3A_274 = arith.constant 0 : i32
      %dma_start3A_275 = arith.constant 0 : i32
      %dma_start3A_276 = tpu.memref_slice %arg9[%dma_start3A_274, %dma_start3A_275] : memref<128x128xf32, #tpu.memory_space<vmem>> -> memref<80x128xf32, #tpu.memory_space<vmem>>
      tpu.enqueue_dma source(%dma_start3A_276 : memref<80x128xf32, #tpu.memory_space<vmem>>) target(%dma_start3A_273 : memref<80x128xf32, #tpu.memory_space<vmem_shared>>) target_semaphore(%run_scoped3A : memref<!tpu.dma_semaphore, #tpu.memory_space<semaphore_mem>>)
      %dma_wait3A_277 = arith.constant 0 : i32
      %dma_wait3A_278 = arith.constant 0 : i32
      %dma_wait3A_279 = tpu.memref_slice %arg9[%dma_wait3A_277, %dma_wait3A_278] : memref<128x128xf32, #tpu.memory_space<vmem>> -> memref<80x128xf32, #tpu.memory_space<vmem>>
      %dma_wait3A_280 = arith.constant 0 : i32
      %dma_wait3A_281 = tpu.memref_slice %arg11[%add3A_10, %dma_wait3A_280] : memref<10240x128xf32, #tpu.memory_space<vmem_shared>> -> memref<80x128xf32, #tpu.memory_space<vmem_shared>>
      %dma_wait3A_282 = arith.constant 0 : i32
      %dma_wait3A_283 = tpu.memref_slice %arg11[%add3A_10, %dma_wait3A_282] : memref<10240x128xf32, #tpu.memory_space<vmem_shared>> -> memref<80x128xf32, #tpu.memory_space<vmem_shared>>
      %dma_wait3A_284 = arith.constant 0 : i32
      %dma_wait3A_285 = arith.constant 0 : i32
      %dma_wait3A_286 = tpu.memref_slice %arg9[%dma_wait3A_284, %dma_wait3A_285] : memref<128x128xf32, #tpu.memory_space<vmem>> -> memref<80x128xf32, #tpu.memory_space<vmem>>
      tpu.wait_dma2 semaphore(%run_scoped3A : memref<!tpu.dma_semaphore, #tpu.memory_space<semaphore_mem>>) src(%dma_wait3A_286 : memref<80x128xf32, #tpu.memory_space<vmem>>) dst(%dma_wait3A_283 : memref<80x128xf32, #tpu.memory_space<vmem_shared>>)
      tpu.yield
    }) : () -> ()
    %mul3A_11 = arith.constant 640 : i32
    %mul3A_12 = arith.muli %arg1, %mul3A_11 : i32
    %add3A_13 = arith.constant 80 : i32
    %add3A_14 = arith.addi %mul3A_12, %add3A_13 : i32
    "tpu.region"() ({
      %run_scoped3A = tpu.sem_alloc : memref<!tpu.dma_semaphore, #tpu.memory_space<semaphore_mem>>
      %dma_start3A_267 = arith.constant 0 : i32
      %dma_start3A_268 = arith.constant 0 : i32
      %dma_start3A_269 = tpu.memref_slice %arg9[%dma_start3A_267, %dma_start3A_268] : memref<128x128xf32, #tpu.memory_space<vmem>> -> memref<80x128xf32, #tpu.memory_space<vmem>>
      %dma_start3A_270 = arith.constant 0 : i32
      %dma_start3A_271 = tpu.memref_slice %arg11[%add3A_14, %dma_start3A_270] : memref<10240x128xf32, #tpu.memory_space<vmem_shared>> -> memref<80x128xf32, #tpu.memory_space<vmem_shared>>
      %dma_start3A_272 = arith.constant 0 : i32
      %dma_start3A_273 = tpu.memref_slice %arg11[%add3A_14, %dma_start3A_272] : memref<10240x128xf32, #tpu.memory_space<vmem_shared>> -> memref<80x128xf32, #tpu.memory_space<vmem_shared>>
      %dma_start3A_274 = arith.constant 0 : i32
      %dma_start3A_275 = arith.constant 0 : i32
      %dma_start3A_276 = tpu.memref_slice %arg9[%dma_start3A_274, %dma_start3A_275] : memref<128x128xf32, #tpu.memory_space<vmem>> -> memref<80x128xf32, #tpu.memory_space<vmem>>
      tpu.enqueue_dma source(%dma_start3A_276 : memref<80x128xf32, #tpu.memory_space<vmem>>) target(%dma_start3A_273 : memref<80x128xf32, #tpu.memory_space<vmem_shared>>) target_semaphore(%run_scoped3A : memref<!tpu.dma_semaphore, #tpu.memory_space<semaphore_mem>>)
      %dma_wait3A_277 = arith.constant 0 : i32
      %dma_wait3A_278 = arith.constant 0 : i32
      %dma_wait3A_279 = tpu.memref_slice %arg9[%dma_wait3A_277, %dma_wait3A_278] : memref<128x128xf32, #tpu.memory_space<vmem>> -> memref<80x128xf32, #tpu.memory_space<vmem>>
      %dma_wait3A_280 = arith.constant 0 : i32
      %dma_wait3A_281 = tpu.memref_slice %arg11[%add3A_14, %dma_wait3A_280] : memref<10240x128xf32, #tpu.memory_space<vmem_shared>> -> memref<80x128xf32, #tpu.memory_space<vmem_shared>>
      %dma_wait3A_282 = arith.constant 0 : i32
      %dma_wait3A_283 = tpu.memref_slice %arg11[%add3A_14, %dma_wait3A_282] : memref<10240x128xf32, #tpu.memory_space<vmem_shared>> -> memref<80x128xf32, #tpu.memory_space<vmem_shared>>
      %dma_wait3A_284 = arith.constant 0 : i32
      %dma_wait3A_285 = arith.constant 0 : i32
      %dma_wait3A_286 = tpu.memref_slice %arg9[%dma_wait3A_284, %dma_wait3A_285] : memref<128x128xf32, #tpu.memory_space<vmem>> -> memref<80x128xf32, #tpu.memory_space<vmem>>
      tpu.wait_dma2 semaphore(%run_scoped3A : memref<!tpu.dma_semaphore, #tpu.memory_space<semaphore_mem>>) src(%dma_wait3A_286 : memref<80x128xf32, #tpu.memory_space<vmem>>) dst(%dma_wait3A_283 : memref<80x128xf32, #tpu.memory_space<vmem_shared>>)
      tpu.yield
    }) : () -> ()
    %mul3A_15 = arith.constant 640 : i32
    %mul3A_16 = arith.muli %arg1, %mul3A_15 : i32
    %add3A_17 = arith.constant 160 : i32
    %add3A_18 = arith.addi %mul3A_16, %add3A_17 : i32
    "tpu.region"() ({
      %run_scoped3A = tpu.sem_alloc : memref<!tpu.dma_semaphore, #tpu.memory_space<semaphore_mem>>
      %dma_start3A_267 = arith.constant 0 : i32
      %dma_start3A_268 = arith.constant 0 : i32
      %dma_start3A_269 = tpu.memref_slice %arg9[%dma_start3A_267, %dma_start3A_268] : memref<128x128xf32, #tpu.memory_space<vmem>> -> memref<80x128xf32, #tpu.memory_space<vmem>>
      %dma_start3A_270 = arith.constant 0 : i32
      %dma_start3A_271 = tpu.memref_slice %arg11[%add3A_18, %dma_start3A_270] : memref<10240x128xf32, #tpu.memory_space<vmem_shared>> -> memref<80x128xf32, #tpu.memory_space<vmem_shared>>
      %dma_start3A_272 = arith.constant 0 : i32
      %dma_start3A_273 = tpu.memref_slice %arg11[%add3A_18, %dma_start3A_272] : memref<10240x128xf32, #tpu.memory_space<vmem_shared>> -> memref<80x128xf32, #tpu.memory_space<vmem_shared>>
      %dma_start3A_274 = arith.constant 0 : i32
      %dma_start3A_275 = arith.constant 0 : i32
      %dma_start3A_276 = tpu.memref_slice %arg9[%dma_start3A_274, %dma_start3A_275] : memref<128x128xf32, #tpu.memory_space<vmem>> -> memref<80x128xf32, #tpu.memory_space<vmem>>
      tpu.enqueue_dma source(%dma_start3A_276 : memref<80x128xf32, #tpu.memory_space<vmem>>) target(%dma_start3A_273 : memref<80x128xf32, #tpu.memory_space<vmem_shared>>) target_semaphore(%run_scoped3A : memref<!tpu.dma_semaphore, #tpu.memory_space<semaphore_mem>>)
      %dma_wait3A_277 = arith.constant 0 : i32
      %dma_wait3A_278 = arith.constant 0 : i32
      %dma_wait3A_279 = tpu.memref_slice %arg9[%dma_wait3A_277, %dma_wait3A_278] : memref<128x128xf32, #tpu.memory_space<vmem>> -> memref<80x128xf32, #tpu.memory_space<vmem>>
      %dma_wait3A_280 = arith.constant 0 : i32
      %dma_wait3A_281 = tpu.memref_slice %arg11[%add3A_18, %dma_wait3A_280] : memref<10240x128xf32, #tpu.memory_space<vmem_shared>> -> memref<80x128xf32, #tpu.memory_space<vmem_shared>>
      %dma_wait3A_282 = arith.constant 0 : i32
      %dma_wait3A_283 = tpu.memref_slice %arg11[%add3A_18, %dma_wait3A_282] : memref<10240x128xf32, #tpu.memory_space<vmem_shared>> -> memref<80x128xf32, #tpu.memory_space<vmem_shared>>
      %dma_wait3A_284 = arith.constant 0 : i32
      %dma_wait3A_285 = arith.constant 0 : i32
      %dma_wait3A_286 = tpu.memref_slice %arg9[%dma_wait3A_284, %dma_wait3A_285] : memref<128x128xf32, #tpu.memory_space<vmem>> -> memref<80x128xf32, #tpu.memory_space<vmem>>
      tpu.wait_dma2 semaphore(%run_scoped3A : memref<!tpu.dma_semaphore, #tpu.memory_space<semaphore_mem>>) src(%dma_wait3A_286 : memref<80x128xf32, #tpu.memory_space<vmem>>) dst(%dma_wait3A_283 : memref<80x128xf32, #tpu.memory_space<vmem_shared>>)
      tpu.yield
    }) : () -> ()
    %mul3A_19 = arith.constant 640 : i32
    %mul3A_20 = arith.muli %arg1, %mul3A_19 : i32
    %add3A_21 = arith.constant 240 : i32
    %add3A_22 = arith.addi %mul3A_20, %add3A_21 : i32
    "tpu.region"() ({
      %run_scoped3A = tpu.sem_alloc : memref<!tpu.dma_semaphore, #tpu.memory_space<semaphore_mem>>
      %dma_start3A_267 = arith.constant 0 : i32
      %dma_start3A_268 = arith.constant 0 : i32
      %dma_start3A_269 = tpu.memref_slice %arg9[%dma_start3A_267, %dma_start3A_268] : memref<128x128xf32, #tpu.memory_space<vmem>> -> memref<80x128xf32, #tpu.memory_space<vmem>>
      %dma_start3A_270 = arith.constant 0 : i32
      %dma_start3A_271 = tpu.memref_slice %arg11[%add3A_22, %dma_start3A_270] : memref<10240x128xf32, #tpu.memory_space<vmem_shared>> -> memref<80x128xf32, #tpu.memory_space<vmem_shared>>
      %dma_start3A_272 = arith.constant 0 : i32
      %dma_start3A_273 = tpu.memref_slice %arg11[%add3A_22, %dma_start3A_272] : memref<10240x128xf32, #tpu.memory_space<vmem_shared>> -> memref<80x128xf32, #tpu.memory_space<vmem_shared>>
      %dma_start3A_274 = arith.constant 0 : i32
      %dma_start3A_275 = arith.constant 0 : i32
      %dma_start3A_276 = tpu.memref_slice %arg9[%dma_start3A_274, %dma_start3A_275] : memref<128x128xf32, #tpu.memory_space<vmem>> -> memref<80x128xf32, #tpu.memory_space<vmem>>
      tpu.enqueue_dma source(%dma_start3A_276 : memref<80x128xf32, #tpu.memory_space<vmem>>) target(%dma_start3A_273 : memref<80x128xf32, #tpu.memory_space<vmem_shared>>) target_semaphore(%run_scoped3A : memref<!tpu.dma_semaphore, #tpu.memory_space<semaphore_mem>>)
      %dma_wait3A_277 = arith.constant 0 : i32
      %dma_wait3A_278 = arith.constant 0 : i32
      %dma_wait3A_279 = tpu.memref_slice %arg9[%dma_wait3A_277, %dma_wait3A_278] : memref<128x128xf32, #tpu.memory_space<vmem>> -> memref<80x128xf32, #tpu.memory_space<vmem>>
      %dma_wait3A_280 = arith.constant 0 : i32
      %dma_wait3A_281 = tpu.memref_slice %arg11[%add3A_22, %dma_wait3A_280] : memref<10240x128xf32, #tpu.memory_space<vmem_shared>> -> memref<80x128xf32, #tpu.memory_space<vmem_shared>>
      %dma_wait3A_282 = arith.constant 0 : i32
      %dma_wait3A_283 = tpu.memref_slice %arg11[%add3A_22, %dma_wait3A_282] : memref<10240x128xf32, #tpu.memory_space<vmem_shared>> -> memref<80x128xf32, #tpu.memory_space<vmem_shared>>
      %dma_wait3A_284 = arith.constant 0 : i32
      %dma_wait3A_285 = arith.constant 0 : i32
      %dma_wait3A_286 = tpu.memref_slice %arg9[%dma_wait3A_284, %dma_wait3A_285] : memref<128x128xf32, #tpu.memory_space<vmem>> -> memref<80x128xf32, #tpu.memory_space<vmem>>
      tpu.wait_dma2 semaphore(%run_scoped3A : memref<!tpu.dma_semaphore, #tpu.memory_space<semaphore_mem>>) src(%dma_wait3A_286 : memref<80x128xf32, #tpu.memory_space<vmem>>) dst(%dma_wait3A_283 : memref<80x128xf32, #tpu.memory_space<vmem_shared>>)
      tpu.yield
    }) : () -> ()
    %mul3A_23 = arith.constant 640 : i32
    %mul3A_24 = arith.muli %arg1, %mul3A_23 : i32
    %add3A_25 = arith.constant 320 : i32
    %add3A_26 = arith.addi %mul3A_24, %add3A_25 : i32
    "tpu.region"() ({
      %run_scoped3A = tpu.sem_alloc : memref<!tpu.dma_semaphore, #tpu.memory_space<semaphore_mem>>
      %dma_start3A_267 = arith.constant 0 : i32
      %dma_start3A_268 = arith.constant 0 : i32
      %dma_start3A_269 = tpu.memref_slice %arg9[%dma_start3A_267, %dma_start3A_268] : memref<128x128xf32, #tpu.memory_space<vmem>> -> memref<80x128xf32, #tpu.memory_space<vmem>>
      %dma_start3A_270 = arith.constant 0 : i32
      %dma_start3A_271 = tpu.memref_slice %arg11[%add3A_26, %dma_start3A_270] : memref<10240x128xf32, #tpu.memory_space<vmem_shared>> -> memref<80x128xf32, #tpu.memory_space<vmem_shared>>
      %dma_start3A_272 = arith.constant 0 : i32
      %dma_start3A_273 = tpu.memref_slice %arg11[%add3A_26, %dma_start3A_272] : memref<10240x128xf32, #tpu.memory_space<vmem_shared>> -> memref<80x128xf32, #tpu.memory_space<vmem_shared>>
      %dma_start3A_274 = arith.constant 0 : i32
      %dma_start3A_275 = arith.constant 0 : i32
      %dma_start3A_276 = tpu.memref_slice %arg9[%dma_start3A_274, %dma_start3A_275] : memref<128x128xf32, #tpu.memory_space<vmem>> -> memref<80x128xf32, #tpu.memory_space<vmem>>
      tpu.enqueue_dma source(%dma_start3A_276 : memref<80x128xf32, #tpu.memory_space<vmem>>) target(%dma_start3A_273 : memref<80x128xf32, #tpu.memory_space<vmem_shared>>) target_semaphore(%run_scoped3A : memref<!tpu.dma_semaphore, #tpu.memory_space<semaphore_mem>>)
      %dma_wait3A_277 = arith.constant 0 : i32
      %dma_wait3A_278 = arith.constant 0 : i32
      %dma_wait3A_279 = tpu.memref_slice %arg9[%dma_wait3A_277, %dma_wait3A_278] : memref<128x128xf32, #tpu.memory_space<vmem>> -> memref<80x128xf32, #tpu.memory_space<vmem>>
      %dma_wait3A_280 = arith.constant 0 : i32
      %dma_wait3A_281 = tpu.memref_slice %arg11[%add3A_26, %dma_wait3A_280] : memref<10240x128xf32, #tpu.memory_space<vmem_shared>> -> memref<80x128xf32, #tpu.memory_space<vmem_shared>>
      %dma_wait3A_282 = arith.constant 0 : i32
      %dma_wait3A_283 = tpu.memref_slice %arg11[%add3A_26, %dma_wait3A_282] : memref<10240x128xf32, #tpu.memory_space<vmem_shared>> -> memref<80x128xf32, #tpu.memory_space<vmem_shared>>
      %dma_wait3A_284 = arith.constant 0 : i32
      %dma_wait3A_285 = arith.constant 0 : i32
      %dma_wait3A_286 = tpu.memref_slice %arg9[%dma_wait3A_284, %dma_wait3A_285] : memref<128x128xf32, #tpu.memory_space<vmem>> -> memref<80x128xf32, #tpu.memory_space<vmem>>
      tpu.wait_dma2 semaphore(%run_scoped3A : memref<!tpu.dma_semaphore, #tpu.memory_space<semaphore_mem>>) src(%dma_wait3A_286 : memref<80x128xf32, #tpu.memory_space<vmem>>) dst(%dma_wait3A_283 : memref<80x128xf32, #tpu.memory_space<vmem_shared>>)
      tpu.yield
    }) : () -> ()
    %mul3A_27 = arith.constant 640 : i32
    %mul3A_28 = arith.muli %arg1, %mul3A_27 : i32
    %add3A_29 = arith.constant 400 : i32
    %add3A_30 = arith.addi %mul3A_28, %add3A_29 : i32
    "tpu.region"() ({
      %run_scoped3A = tpu.sem_alloc : memref<!tpu.dma_semaphore, #tpu.memory_space<semaphore_mem>>
      %dma_start3A_267 = arith.constant 0 : i32
      %dma_start3A_268 = arith.constant 0 : i32
      %dma_start3A_269 = tpu.memref_slice %arg9[%dma_start3A_267, %dma_start3A_268] : memref<128x128xf32, #tpu.memory_space<vmem>> -> memref<80x128xf32, #tpu.memory_space<vmem>>
      %dma_start3A_270 = arith.constant 0 : i32
      %dma_start3A_271 = tpu.memref_slice %arg11[%add3A_30, %dma_start3A_270] : memref<10240x128xf32, #tpu.memory_space<vmem_shared>> -> memref<80x128xf32, #tpu.memory_space<vmem_shared>>
      %dma_start3A_272 = arith.constant 0 : i32
      %dma_start3A_273 = tpu.memref_slice %arg11[%add3A_30, %dma_start3A_272] : memref<10240x128xf32, #tpu.memory_space<vmem_shared>> -> memref<80x128xf32, #tpu.memory_space<vmem_shared>>
      %dma_start3A_274 = arith.constant 0 : i32
      %dma_start3A_275 = arith.constant 0 : i32
      %dma_start3A_276 = tpu.memref_slice %arg9[%dma_start3A_274, %dma_start3A_275] : memref<128x128xf32, #tpu.memory_space<vmem>> -> memref<80x128xf32, #tpu.memory_space<vmem>>
      tpu.enqueue_dma source(%dma_start3A_276 : memref<80x128xf32, #tpu.memory_space<vmem>>) target(%dma_start3A_273 : memref<80x128xf32, #tpu.memory_space<vmem_shared>>) target_semaphore(%run_scoped3A : memref<!tpu.dma_semaphore, #tpu.memory_space<semaphore_mem>>)
      %dma_wait3A_277 = arith.constant 0 : i32
      %dma_wait3A_278 = arith.constant 0 : i32
      %dma_wait3A_279 = tpu.memref_slice %arg9[%dma_wait3A_277, %dma_wait3A_278] : memref<128x128xf32, #tpu.memory_space<vmem>> -> memref<80x128xf32, #tpu.memory_space<vmem>>
      %dma_wait3A_280 = arith.constant 0 : i32
      %dma_wait3A_281 = tpu.memref_slice %arg11[%add3A_30, %dma_wait3A_280] : memref<10240x128xf32, #tpu.memory_space<vmem_shared>> -> memref<80x128xf32, #tpu.memory_space<vmem_shared>>
      %dma_wait3A_282 = arith.constant 0 : i32
      %dma_wait3A_283 = tpu.memref_slice %arg11[%add3A_30, %dma_wait3A_282] : memref<10240x128xf32, #tpu.memory_space<vmem_shared>> -> memref<80x128xf32, #tpu.memory_space<vmem_shared>>
      %dma_wait3A_284 = arith.constant 0 : i32
      %dma_wait3A_285 = arith.constant 0 : i32
      %dma_wait3A_286 = tpu.memref_slice %arg9[%dma_wait3A_284, %dma_wait3A_285] : memref<128x128xf32, #tpu.memory_space<vmem>> -> memref<80x128xf32, #tpu.memory_space<vmem>>
      tpu.wait_dma2 semaphore(%run_scoped3A : memref<!tpu.dma_semaphore, #tpu.memory_space<semaphore_mem>>) src(%dma_wait3A_286 : memref<80x128xf32, #tpu.memory_space<vmem>>) dst(%dma_wait3A_283 : memref<80x128xf32, #tpu.memory_space<vmem_shared>>)
      tpu.yield
    }) : () -> ()
    %mul3A_31 = arith.constant 640 : i32
    %mul3A_32 = arith.muli %arg1, %mul3A_31 : i32
    %add3A_33 = arith.constant 480 : i32
    %add3A_34 = arith.addi %mul3A_32, %add3A_33 : i32
    "tpu.region"() ({
      %run_scoped3A = tpu.sem_alloc : memref<!tpu.dma_semaphore, #tpu.memory_space<semaphore_mem>>
      %dma_start3A_267 = arith.constant 0 : i32
      %dma_start3A_268 = arith.constant 0 : i32
      %dma_start3A_269 = tpu.memref_slice %arg9[%dma_start3A_267, %dma_start3A_268] : memref<128x128xf32, #tpu.memory_space<vmem>> -> memref<80x128xf32, #tpu.memory_space<vmem>>
      %dma_start3A_270 = arith.constant 0 : i32
      %dma_start3A_271 = tpu.memref_slice %arg11[%add3A_34, %dma_start3A_270] : memref<10240x128xf32, #tpu.memory_space<vmem_shared>> -> memref<80x128xf32, #tpu.memory_space<vmem_shared>>
      %dma_start3A_272 = arith.constant 0 : i32
      %dma_start3A_273 = tpu.memref_slice %arg11[%add3A_34, %dma_start3A_272] : memref<10240x128xf32, #tpu.memory_space<vmem_shared>> -> memref<80x128xf32, #tpu.memory_space<vmem_shared>>
      %dma_start3A_274 = arith.constant 0 : i32
      %dma_start3A_275 = arith.constant 0 : i32
      %dma_start3A_276 = tpu.memref_slice %arg9[%dma_start3A_274, %dma_start3A_275] : memref<128x128xf32, #tpu.memory_space<vmem>> -> memref<80x128xf32, #tpu.memory_space<vmem>>
      tpu.enqueue_dma source(%dma_start3A_276 : memref<80x128xf32, #tpu.memory_space<vmem>>) target(%dma_start3A_273 : memref<80x128xf32, #tpu.memory_space<vmem_shared>>) target_semaphore(%run_scoped3A : memref<!tpu.dma_semaphore, #tpu.memory_space<semaphore_mem>>)
      %dma_wait3A_277 = arith.constant 0 : i32
      %dma_wait3A_278 = arith.constant 0 : i32
      %dma_wait3A_279 = tpu.memref_slice %arg9[%dma_wait3A_277, %dma_wait3A_278] : memref<128x128xf32, #tpu.memory_space<vmem>> -> memref<80x128xf32, #tpu.memory_space<vmem>>
      %dma_wait3A_280 = arith.constant 0 : i32
      %dma_wait3A_281 = tpu.memref_slice %arg11[%add3A_34, %dma_wait3A_280] : memref<10240x128xf32, #tpu.memory_space<vmem_shared>> -> memref<80x128xf32, #tpu.memory_space<vmem_shared>>
      %dma_wait3A_282 = arith.constant 0 : i32
      %dma_wait3A_283 = tpu.memref_slice %arg11[%add3A_34, %dma_wait3A_282] : memref<10240x128xf32, #tpu.memory_space<vmem_shared>> -> memref<80x128xf32, #tpu.memory_space<vmem_shared>>
      %dma_wait3A_284 = arith.constant 0 : i32
      %dma_wait3A_285 = arith.constant 0 : i32
      %dma_wait3A_286 = tpu.memref_slice %arg9[%dma_wait3A_284, %dma_wait3A_285] : memref<128x128xf32, #tpu.memory_space<vmem>> -> memref<80x128xf32, #tpu.memory_space<vmem>>
      tpu.wait_dma2 semaphore(%run_scoped3A : memref<!tpu.dma_semaphore, #tpu.memory_space<semaphore_mem>>) src(%dma_wait3A_286 : memref<80x128xf32, #tpu.memory_space<vmem>>) dst(%dma_wait3A_283 : memref<80x128xf32, #tpu.memory_space<vmem_shared>>)
      tpu.yield
    }) : () -> ()
    %mul3A_35 = arith.constant 640 : i32
    %mul3A_36 = arith.muli %arg1, %mul3A_35 : i32
    %add3A_37 = arith.constant 560 : i32
    %add3A_38 = arith.addi %mul3A_36, %add3A_37 : i32
    "tpu.region"() ({
      %run_scoped3A = tpu.sem_alloc : memref<!tpu.dma_semaphore, #tpu.memory_space<semaphore_mem>>
      %dma_start3A_267 = arith.constant 0 : i32
      %dma_start3A_268 = arith.constant 0 : i32
      %dma_start3A_269 = tpu.memref_slice %arg9[%dma_start3A_267, %dma_start3A_268] : memref<128x128xf32, #tpu.memory_space<vmem>> -> memref<80x128xf32, #tpu.memory_space<vmem>>
      %dma_start3A_270 = arith.constant 0 : i32
      %dma_start3A_271 = tpu.memref_slice %arg11[%add3A_38, %dma_start3A_270] : memref<10240x128xf32, #tpu.memory_space<vmem_shared>> -> memref<80x128xf32, #tpu.memory_space<vmem_shared>>
      %dma_start3A_272 = arith.constant 0 : i32
      %dma_start3A_273 = tpu.memref_slice %arg11[%add3A_38, %dma_start3A_272] : memref<10240x128xf32, #tpu.memory_space<vmem_shared>> -> memref<80x128xf32, #tpu.memory_space<vmem_shared>>
      %dma_start3A_274 = arith.constant 0 : i32
      %dma_start3A_275 = arith.constant 0 : i32
      %dma_start3A_276 = tpu.memref_slice %arg9[%dma_start3A_274, %dma_start3A_275] : memref<128x128xf32, #tpu.memory_space<vmem>> -> memref<80x128xf32, #tpu.memory_space<vmem>>
      tpu.enqueue_dma source(%dma_start3A_276 : memref<80x128xf32, #tpu.memory_space<vmem>>) target(%dma_start3A_273 : memref<80x128xf32, #tpu.memory_space<vmem_shared>>) target_semaphore(%run_scoped3A : memref<!tpu.dma_semaphore, #tpu.memory_space<semaphore_mem>>)
      %dma_wait3A_277 = arith.constant 0 : i32
      %dma_wait3A_278 = arith.constant 0 : i32
      %dma_wait3A_279 = tpu.memref_slice %arg9[%dma_wait3A_277, %dma_wait3A_278] : memref<128x128xf32, #tpu.memory_space<vmem>> -> memref<80x128xf32, #tpu.memory_space<vmem>>
      %dma_wait3A_280 = arith.constant 0 : i32
      %dma_wait3A_281 = tpu.memref_slice %arg11[%add3A_38, %dma_wait3A_280] : memref<10240x128xf32, #tpu.memory_space<vmem_shared>> -> memref<80x128xf32, #tpu.memory_space<vmem_shared>>
      %dma_wait3A_282 = arith.constant 0 : i32
      %dma_wait3A_283 = tpu.memref_slice %arg11[%add3A_38, %dma_wait3A_282] : memref<10240x128xf32, #tpu.memory_space<vmem_shared>> -> memref<80x128xf32, #tpu.memory_space<vmem_shared>>
      %dma_wait3A_284 = arith.constant 0 : i32
      %dma_wait3A_285 = arith.constant 0 : i32
      %dma_wait3A_286 = tpu.memref_slice %arg9[%dma_wait3A_284, %dma_wait3A_285] : memref<128x128xf32, #tpu.memory_space<vmem>> -> memref<80x128xf32, #tpu.memory_space<vmem>>
      tpu.wait_dma2 semaphore(%run_scoped3A : memref<!tpu.dma_semaphore, #tpu.memory_space<semaphore_mem>>) src(%dma_wait3A_286 : memref<80x128xf32, #tpu.memory_space<vmem>>) dst(%dma_wait3A_283 : memref<80x128xf32, #tpu.memory_space<vmem_shared>>)
      tpu.yield
    }) : () -> ()
    %barrier3A = arith.constant 0 : index
    tpu.barrier barrier_id(%barrier3A)
    %dma_start3A = arith.constant 0 : i32
    %dma_start3A_39 = arith.constant 0 : i32
    %dma_start3A_40 = tpu.memref_slice %arg4[%add3A, %dma_start3A, %dma_start3A_39] : memref<32x80x128xi32, #tpu.memory_space<hbm>> -> memref<1x1x128xi32, #tpu.memory_space<hbm>>
    %dma_start3A_41 = tpu.memref_squeeze %dma_start3A_40 : memref<1x1x128xi32, #tpu.memory_space<hbm>> -> memref<128xi32, #tpu.memory_space<hbm>>
    %dma_start3A_42 = arith.constant 0 : i32
    %dma_start3A_43 = tpu.memref_slice %arg4[%add3A, %dma_start3A, %dma_start3A_42] : memref<32x80x128xi32, #tpu.memory_space<hbm>> -> memref<1x1x128xi32, #tpu.memory_space<hbm>>
    %dma_start3A_44 = tpu.memref_squeeze %dma_start3A_43 : memref<1x1x128xi32, #tpu.memory_space<hbm>> -> memref<128xi32, #tpu.memory_space<hbm>>
    tpu.enqueue_dma source(%dma_start3A_44 : memref<128xi32, #tpu.memory_space<hbm>>) target(%arg7 : memref<128xi32, #tpu.memory_space<vmem>>) target_semaphore(%arg16 : memref<!tpu.dma_semaphore, #tpu.memory_space<semaphore_mem>>)
    %dma_start3A_45 = arith.constant 0 : i32
    %dma_start3A_46 = arith.constant 0 : i32
    %dma_start3A_47 = tpu.memref_slice %arg6[%dma_start3A_45, %dma_start3A_46] : memref<80x128xi32, #tpu.memory_space<vmem>> -> memref<1x128xi32, #tpu.memory_space<vmem>>
    %dma_start3A_48 = tpu.memref_squeeze %dma_start3A_47 : memref<1x128xi32, #tpu.memory_space<vmem>> -> memref<128xi32, #tpu.memory_space<vmem>>
    %dma_start3A_49 = arith.constant 0 : i32
    %dma_start3A_50 = arith.constant 0 : i32
    %dma_start3A_51 = tpu.memref_slice %arg2[%dma_start3A_49, %dma_start3A_50] : memref<10000x128xf32, #tpu.memory_space<hbm>> -> memref<10000x128xf32, #tpu.memory_space<hbm>>
    tpu.enqueue_indirect_dma source(%dma_start3A_51 : memref<10000x128xf32, #tpu.memory_space<hbm>>) target(%arg9 : memref<128x128xf32, #tpu.memory_space<vmem>>) offsets(%dma_start3A_48 : memref<128xi32, #tpu.memory_space<vmem>>) semaphore(%arg12 : memref<!tpu.dma_semaphore, #tpu.memory_space<semaphore_mem>>)
    %dma_start3A_52 = arith.constant 1 : i32
    %dma_start3A_53 = arith.constant 0 : i32
    %dma_start3A_54 = tpu.memref_slice %arg4[%add3A, %dma_start3A_52, %dma_start3A_53] : memref<32x80x128xi32, #tpu.memory_space<hbm>> -> memref<1x1x128xi32, #tpu.memory_space<hbm>>
    %dma_start3A_55 = tpu.memref_squeeze %dma_start3A_54 : memref<1x1x128xi32, #tpu.memory_space<hbm>> -> memref<128xi32, #tpu.memory_space<hbm>>
    %dma_start3A_56 = arith.constant 0 : i32
    %dma_start3A_57 = tpu.memref_slice %arg4[%add3A, %dma_start3A_52, %dma_start3A_56] : memref<32x80x128xi32, #tpu.memory_space<hbm>> -> memref<1x1x128xi32, #tpu.memory_space<hbm>>
    %dma_start3A_58 = tpu.memref_squeeze %dma_start3A_57 : memref<1x1x128xi32, #tpu.memory_space<hbm>> -> memref<128xi32, #tpu.memory_space<hbm>>
    tpu.enqueue_dma source(%dma_start3A_58 : memref<128xi32, #tpu.memory_space<hbm>>) target(%arg8 : memref<128xi32, #tpu.memory_space<vmem>>) target_semaphore(%arg17 : memref<!tpu.dma_semaphore, #tpu.memory_space<semaphore_mem>>)
    %dma_start3A_59 = arith.constant 1 : i32
    %dma_start3A_60 = arith.constant 0 : i32
    %dma_start3A_61 = tpu.memref_slice %arg6[%dma_start3A_59, %dma_start3A_60] : memref<80x128xi32, #tpu.memory_space<vmem>> -> memref<1x128xi32, #tpu.memory_space<vmem>>
    %dma_start3A_62 = tpu.memref_squeeze %dma_start3A_61 : memref<1x128xi32, #tpu.memory_space<vmem>> -> memref<128xi32, #tpu.memory_space<vmem>>
    %dma_start3A_63 = arith.constant 0 : i32
    %dma_start3A_64 = arith.constant 0 : i32
    %dma_start3A_65 = tpu.memref_slice %arg2[%dma_start3A_63, %dma_start3A_64] : memref<10000x128xf32, #tpu.memory_space<hbm>> -> memref<10000x128xf32, #tpu.memory_space<hbm>>
    tpu.enqueue_indirect_dma source(%dma_start3A_65 : memref<10000x128xf32, #tpu.memory_space<hbm>>) target(%arg10 : memref<128x128xf32, #tpu.memory_space<vmem>>) offsets(%dma_start3A_62 : memref<128xi32, #tpu.memory_space<vmem>>) semaphore(%arg13 : memref<!tpu.dma_semaphore, #tpu.memory_space<semaphore_mem>>)
    %scan3A_66 = arith.constant 0 : i32
    %scan3A_67 = arith.constant 0 : i32
    %scan3A_68 = arith.constant 40 : i32
    %scan3A_69 = arith.addi %scan3A_67, %scan3A_68 : i32
    %scan3A_70 = arith.constant 1 : i32
    %scan3A_71 = scf.for %scan3A_267 = %scan3A_67 to %scan3A_69 step %scan3A_70 iter_args(%scan3A_268 = %scan3A_66) -> (i32)  : i32 {
      %mul3A_269 = arith.constant 2 : i32
      %mul3A_270 = arith.muli %scan3A_267, %mul3A_269 : i32
      %add3A_271 = arith.constant 0 : i32
      %add3A_272 = arith.addi %mul3A_270, %add3A_271 : i32
      %dma_wait3A_273 = arith.constant 0 : i32
      %dma_wait3A_274 = tpu.memref_slice %arg6[%add3A_272, %dma_wait3A_273] : memref<80x128xi32, #tpu.memory_space<vmem>> -> memref<1x128xi32, #tpu.memory_space<vmem>>
      %dma_wait3A_275 = tpu.memref_squeeze %dma_wait3A_274 : memref<1x128xi32, #tpu.memory_space<vmem>> -> memref<128xi32, #tpu.memory_space<vmem>>
      %dma_wait3A_276 = arith.constant 0 : i32
      %dma_wait3A_277 = arith.constant 0 : i32
      %dma_wait3A_278 = tpu.memref_slice %arg2[%dma_wait3A_276, %dma_wait3A_277] : memref<10000x128xf32, #tpu.memory_space<hbm>> -> memref<10000x128xf32, #tpu.memory_space<hbm>>
      tpu.wait_indirect_dma semaphore(%arg12 : memref<!tpu.dma_semaphore, #tpu.memory_space<semaphore_mem>>) src(%dma_wait3A_278 : memref<10000x128xf32, #tpu.memory_space<hbm>>) dst(%arg9 : memref<128x128xf32, #tpu.memory_space<vmem>>)
      %add3A_279 = arith.constant 0 : i32
      %add3A_280 = arith.addi %mul3A_270, %add3A_279 : i32
      %dma_wait3A_281 = arith.constant 0 : i32
      %dma_wait3A_282 = tpu.memref_slice %arg4[%add3A, %add3A_280, %dma_wait3A_281] : memref<32x80x128xi32, #tpu.memory_space<hbm>> -> memref<1x1x128xi32, #tpu.memory_space<hbm>>
      %dma_wait3A_283 = tpu.memref_squeeze %dma_wait3A_282 : memref<1x1x128xi32, #tpu.memory_space<hbm>> -> memref<128xi32, #tpu.memory_space<hbm>>
      %dma_wait3A_284 = arith.constant 0 : i32
      %dma_wait3A_285 = tpu.memref_slice %arg4[%add3A, %add3A_280, %dma_wait3A_284] : memref<32x80x128xi32, #tpu.memory_space<hbm>> -> memref<1x1x128xi32, #tpu.memory_space<hbm>>
      %dma_wait3A_286 = tpu.memref_squeeze %dma_wait3A_285 : memref<1x1x128xi32, #tpu.memory_space<hbm>> -> memref<128xi32, #tpu.memory_space<hbm>>
      tpu.wait_dma2 semaphore(%arg16 : memref<!tpu.dma_semaphore, #tpu.memory_space<semaphore_mem>>) src(%dma_wait3A_286 : memref<128xi32, #tpu.memory_space<hbm>>) dst(%arg7 : memref<128xi32, #tpu.memory_space<vmem>>)
      %dma_start3A_287 = arith.constant 0 : i32
      %dma_start3A_288 = arith.constant 0 : i32
      %dma_start3A_289 = tpu.memref_slice %arg11[%dma_start3A_287, %dma_start3A_288] : memref<10240x128xf32, #tpu.memory_space<vmem_shared>> -> memref<10240x128xf32, #tpu.memory_space<vmem_shared>>
      tpu.enqueue_indirect_dma source(%arg9 : memref<128x128xf32, #tpu.memory_space<vmem>>) target(%dma_start3A_289 : memref<10240x128xf32, #tpu.memory_space<vmem_shared>>) offsets(%arg7 : memref<128xi32, #tpu.memory_space<vmem>>) semaphore(%arg14 : memref<!tpu.dma_semaphore, #tpu.memory_space<semaphore_mem>>) {add = true}
      %add3A_290 = arith.constant 1 : i32
      %add3A_291 = arith.addi %mul3A_270, %add3A_290 : i32
      %dma_wait3A_292 = arith.constant 0 : i32
      %dma_wait3A_293 = tpu.memref_slice %arg6[%add3A_291, %dma_wait3A_292] : memref<80x128xi32, #tpu.memory_space<vmem>> -> memref<1x128xi32, #tpu.memory_space<vmem>>
      %dma_wait3A_294 = tpu.memref_squeeze %dma_wait3A_293 : memref<1x128xi32, #tpu.memory_space<vmem>> -> memref<128xi32, #tpu.memory_space<vmem>>
      %dma_wait3A_295 = arith.constant 0 : i32
      %dma_wait3A_296 = arith.constant 0 : i32
      %dma_wait3A_297 = tpu.memref_slice %arg2[%dma_wait3A_295, %dma_wait3A_296] : memref<10000x128xf32, #tpu.memory_space<hbm>> -> memref<10000x128xf32, #tpu.memory_space<hbm>>
      tpu.wait_indirect_dma semaphore(%arg13 : memref<!tpu.dma_semaphore, #tpu.memory_space<semaphore_mem>>) src(%dma_wait3A_297 : memref<10000x128xf32, #tpu.memory_space<hbm>>) dst(%arg10 : memref<128x128xf32, #tpu.memory_space<vmem>>)
      %add3A_298 = arith.constant 1 : i32
      %add3A_299 = arith.addi %mul3A_270, %add3A_298 : i32
      %dma_wait3A_300 = arith.constant 0 : i32
      %dma_wait3A_301 = tpu.memref_slice %arg4[%add3A, %add3A_299, %dma_wait3A_300] : memref<32x80x128xi32, #tpu.memory_space<hbm>> -> memref<1x1x128xi32, #tpu.memory_space<hbm>>
      %dma_wait3A_302 = tpu.memref_squeeze %dma_wait3A_301 : memref<1x1x128xi32, #tpu.memory_space<hbm>> -> memref<128xi32, #tpu.memory_space<hbm>>
      %dma_wait3A_303 = arith.constant 0 : i32
      %dma_wait3A_304 = tpu.memref_slice %arg4[%add3A, %add3A_299, %dma_wait3A_303] : memref<32x80x128xi32, #tpu.memory_space<hbm>> -> memref<1x1x128xi32, #tpu.memory_space<hbm>>
      %dma_wait3A_305 = tpu.memref_squeeze %dma_wait3A_304 : memref<1x1x128xi32, #tpu.memory_space<hbm>> -> memref<128xi32, #tpu.memory_space<hbm>>
      tpu.wait_dma2 semaphore(%arg17 : memref<!tpu.dma_semaphore, #tpu.memory_space<semaphore_mem>>) src(%dma_wait3A_305 : memref<128xi32, #tpu.memory_space<hbm>>) dst(%arg8 : memref<128xi32, #tpu.memory_space<vmem>>)
      %dma_start3A_306 = arith.constant 0 : i32
      %dma_start3A_307 = arith.constant 0 : i32
      %dma_start3A_308 = tpu.memref_slice %arg11[%dma_start3A_306, %dma_start3A_307] : memref<10240x128xf32, #tpu.memory_space<vmem_shared>> -> memref<10240x128xf32, #tpu.memory_space<vmem_shared>>
      tpu.enqueue_indirect_dma source(%arg10 : memref<128x128xf32, #tpu.memory_space<vmem>>) target(%dma_start3A_308 : memref<10240x128xf32, #tpu.memory_space<vmem_shared>>) offsets(%arg8 : memref<128xi32, #tpu.memory_space<vmem>>) semaphore(%arg15 : memref<!tpu.dma_semaphore, #tpu.memory_space<semaphore_mem>>) {add = true}
      %dma_wait3A_309 = arith.constant 0 : i32
      %dma_wait3A_310 = arith.constant 0 : i32
      %dma_wait3A_311 = tpu.memref_slice %arg11[%dma_wait3A_309, %dma_wait3A_310] : memref<10240x128xf32, #tpu.memory_space<vmem_shared>> -> memref<10240x128xf32, #tpu.memory_space<vmem_shared>>
      tpu.wait_indirect_dma semaphore(%arg14 : memref<!tpu.dma_semaphore, #tpu.memory_space<semaphore_mem>>) src(%arg9 : memref<128x128xf32, #tpu.memory_space<vmem>>) dst(%dma_wait3A_311 : memref<10240x128xf32, #tpu.memory_space<vmem_shared>>)
      %add3A_312 = arith.constant 2 : i32
      %add3A_313 = arith.addi %mul3A_270, %add3A_312 : i32
      %add3A_314 = arith.constant 0 : i32
      %add3A_315 = arith.addi %add3A_313, %add3A_314 : i32
      %lt3A = arith.constant 80 : i32
      %lt3A_316 = arith.cmpi slt, %add3A_315, %lt3A : i32
      %convert_element_type3A_317 = arith.extui %lt3A_316 : i1 to i32
      %cond3A_318 = arith.constant 0 : i32
      %cond3A_319 = arith.cmpi ne, %convert_element_type3A_317, %cond3A_318 : i32
      scf.if %cond3A_319 {
        %add3A_333 = arith.constant 2 : i32
        %add3A_334 = arith.addi %mul3A_270, %add3A_333 : i32
        %add3A_335 = arith.constant 0 : i32
        %add3A_336 = arith.addi %add3A_334, %add3A_335 : i32
        %dma_start3A_337 = arith.constant 0 : i32
        %dma_start3A_338 = tpu.memref_slice %arg4[%add3A, %add3A_336, %dma_start3A_337] : memref<32x80x128xi32, #tpu.memory_space<hbm>> -> memref<1x1x128xi32, #tpu.memory_space<hbm>>
        %dma_start3A_339 = tpu.memref_squeeze %dma_start3A_338 : memref<1x1x128xi32, #tpu.memory_space<hbm>> -> memref<128xi32, #tpu.memory_space<hbm>>
        %dma_start3A_340 = arith.constant 0 : i32
        %dma_start3A_341 = tpu.memref_slice %arg4[%add3A, %add3A_336, %dma_start3A_340] : memref<32x80x128xi32, #tpu.memory_space<hbm>> -> memref<1x1x128xi32, #tpu.memory_space<hbm>>
        %dma_start3A_342 = tpu.memref_squeeze %dma_start3A_341 : memref<1x1x128xi32, #tpu.memory_space<hbm>> -> memref<128xi32, #tpu.memory_space<hbm>>
        tpu.enqueue_dma source(%dma_start3A_342 : memref<128xi32, #tpu.memory_space<hbm>>) target(%arg7 : memref<128xi32, #tpu.memory_space<vmem>>) target_semaphore(%arg16 : memref<!tpu.dma_semaphore, #tpu.memory_space<semaphore_mem>>)
        %add3A_343 = arith.constant 2 : i32
        %add3A_344 = arith.addi %mul3A_270, %add3A_343 : i32
        %add3A_345 = arith.constant 0 : i32
        %add3A_346 = arith.addi %add3A_344, %add3A_345 : i32
        %dma_start3A_347 = arith.constant 0 : i32
        %dma_start3A_348 = tpu.memref_slice %arg6[%add3A_346, %dma_start3A_347] : memref<80x128xi32, #tpu.memory_space<vmem>> -> memref<1x128xi32, #tpu.memory_space<vmem>>
        %dma_start3A_349 = tpu.memref_squeeze %dma_start3A_348 : memref<1x128xi32, #tpu.memory_space<vmem>> -> memref<128xi32, #tpu.memory_space<vmem>>
        %dma_start3A_350 = arith.constant 0 : i32
        %dma_start3A_351 = arith.constant 0 : i32
        %dma_start3A_352 = tpu.memref_slice %arg2[%dma_start3A_350, %dma_start3A_351] : memref<10000x128xf32, #tpu.memory_space<hbm>> -> memref<10000x128xf32, #tpu.memory_space<hbm>>
        tpu.enqueue_indirect_dma source(%dma_start3A_352 : memref<10000x128xf32, #tpu.memory_space<hbm>>) target(%arg9 : memref<128x128xf32, #tpu.memory_space<vmem>>) offsets(%dma_start3A_349 : memref<128xi32, #tpu.memory_space<vmem>>) semaphore(%arg12 : memref<!tpu.dma_semaphore, #tpu.memory_space<semaphore_mem>>)
      } else {
      }
      %dma_wait3A_320 = arith.constant 0 : i32
      %dma_wait3A_321 = arith.constant 0 : i32
      %dma_wait3A_322 = tpu.memref_slice %arg11[%dma_wait3A_320, %dma_wait3A_321] : memref<10240x128xf32, #tpu.memory_space<vmem_shared>> -> memref<10240x128xf32, #tpu.memory_space<vmem_shared>>
      tpu.wait_indirect_dma semaphore(%arg15 : memref<!tpu.dma_semaphore, #tpu.memory_space<semaphore_mem>>) src(%arg10 : memref<128x128xf32, #tpu.memory_space<vmem>>) dst(%dma_wait3A_322 : memref<10240x128xf32, #tpu.memory_space<vmem_shared>>)
      %add3A_323 = arith.constant 2 : i32
      %add3A_324 = arith.addi %mul3A_270, %add3A_323 : i32
      %add3A_325 = arith.constant 1 : i32
      %add3A_326 = arith.addi %add3A_324, %add3A_325 : i32
      %lt3A_327 = arith.constant 80 : i32
      %lt3A_328 = arith.cmpi slt, %add3A_326, %lt3A_327 : i32
      %convert_element_type3A_329 = arith.extui %lt3A_328 : i1 to i32
      %cond3A_330 = arith.constant 0 : i32
      %cond3A_331 = arith.cmpi ne, %convert_element_type3A_329, %cond3A_330 : i32
      scf.if %cond3A_331 {
        %add3A_333 = arith.constant 2 : i32
        %add3A_334 = arith.addi %mul3A_270, %add3A_333 : i32
        %add3A_335 = arith.constant 1 : i32
        %add3A_336 = arith.addi %add3A_334, %add3A_335 : i32
        %dma_start3A_337 = arith.constant 0 : i32
        %dma_start3A_338 = tpu.memref_slice %arg4[%add3A, %add3A_336, %dma_start3A_337] : memref<32x80x128xi32, #tpu.memory_space<hbm>> -> memref<1x1x128xi32, #tpu.memory_space<hbm>>
        %dma_start3A_339 = tpu.memref_squeeze %dma_start3A_338 : memref<1x1x128xi32, #tpu.memory_space<hbm>> -> memref<128xi32, #tpu.memory_space<hbm>>
        %dma_start3A_340 = arith.constant 0 : i32
        %dma_start3A_341 = tpu.memref_slice %arg4[%add3A, %add3A_336, %dma_start3A_340] : memref<32x80x128xi32, #tpu.memory_space<hbm>> -> memref<1x1x128xi32, #tpu.memory_space<hbm>>
        %dma_start3A_342 = tpu.memref_squeeze %dma_start3A_341 : memref<1x1x128xi32, #tpu.memory_space<hbm>> -> memref<128xi32, #tpu.memory_space<hbm>>
        tpu.enqueue_dma source(%dma_start3A_342 : memref<128xi32, #tpu.memory_space<hbm>>) target(%arg8 : memref<128xi32, #tpu.memory_space<vmem>>) target_semaphore(%arg17 : memref<!tpu.dma_semaphore, #tpu.memory_space<semaphore_mem>>)
        %add3A_343 = arith.constant 2 : i32
        %add3A_344 = arith.addi %mul3A_270, %add3A_343 : i32
        %add3A_345 = arith.constant 1 : i32
        %add3A_346 = arith.addi %add3A_344, %add3A_345 : i32
        %dma_start3A_347 = arith.constant 0 : i32
        %dma_start3A_348 = tpu.memref_slice %arg6[%add3A_346, %dma_start3A_347] : memref<80x128xi32, #tpu.memory_space<vmem>> -> memref<1x128xi32, #tpu.memory_space<vmem>>
        %dma_start3A_349 = tpu.memref_squeeze %dma_start3A_348 : memref<1x128xi32, #tpu.memory_space<vmem>> -> memref<128xi32, #tpu.memory_space<vmem>>
        %dma_start3A_350 = arith.constant 0 : i32
        %dma_start3A_351 = arith.constant 0 : i32
        %dma_start3A_352 = tpu.memref_slice %arg2[%dma_start3A_350, %dma_start3A_351] : memref<10000x128xf32, #tpu.memory_space<hbm>> -> memref<10000x128xf32, #tpu.memory_space<hbm>>
        tpu.enqueue_indirect_dma source(%dma_start3A_352 : memref<10000x128xf32, #tpu.memory_space<hbm>>) target(%arg10 : memref<128x128xf32, #tpu.memory_space<vmem>>) offsets(%dma_start3A_349 : memref<128xi32, #tpu.memory_space<vmem>>) semaphore(%arg13 : memref<!tpu.dma_semaphore, #tpu.memory_space<semaphore_mem>>)
      } else {
      }
      %scan3A_332 = arith.constant 0 : i32
      scf.yield %scan3A_332 : i32
    }
    %scan3A_72 = arith.constant 40 : i32
    %barrier3A_73 = arith.constant 0 : index
    tpu.barrier barrier_id(%barrier3A_73)
    %mul3A_74 = arith.constant 624 : i32
    %mul3A_75 = arith.muli %arg1, %mul3A_74 : i32
    %add3A_76 = arith.constant 0 : i32
    %add3A_77 = arith.addi %mul3A_75, %add3A_76 : i32
    "tpu.region"() ({
      %run_scoped3A = tpu.sem_alloc : memref<!tpu.dma_semaphore, #tpu.memory_space<semaphore_mem>>
      %dma_start3A_267 = arith.constant 0 : i32
      %dma_start3A_268 = arith.constant 0 : i32
      %dma_start3A_269 = tpu.memref_slice %arg9[%dma_start3A_267, %dma_start3A_268] : memref<128x128xf32, #tpu.memory_space<vmem>> -> memref<104x128xf32, #tpu.memory_space<vmem>>
      %dma_start3A_270 = arith.constant 0 : i32
      %dma_start3A_271 = tpu.memref_slice %arg11[%add3A_77, %dma_start3A_270] : memref<10240x128xf32, #tpu.memory_space<vmem_shared>> -> memref<104x128xf32, #tpu.memory_space<vmem_shared>>
      %dma_start3A_272 = arith.constant 0 : i32
      %dma_start3A_273 = arith.constant 0 : i32
      %dma_start3A_274 = tpu.memref_slice %arg9[%dma_start3A_272, %dma_start3A_273] : memref<128x128xf32, #tpu.memory_space<vmem>> -> memref<104x128xf32, #tpu.memory_space<vmem>>
      %dma_start3A_275 = arith.constant 0 : i32
      %dma_start3A_276 = tpu.memref_slice %arg11[%add3A_77, %dma_start3A_275] : memref<10240x128xf32, #tpu.memory_space<vmem_shared>> -> memref<104x128xf32, #tpu.memory_space<vmem_shared>>
      tpu.enqueue_dma source(%dma_start3A_276 : memref<104x128xf32, #tpu.memory_space<vmem_shared>>) target(%dma_start3A_274 : memref<104x128xf32, #tpu.memory_space<vmem>>) target_semaphore(%run_scoped3A : memref<!tpu.dma_semaphore, #tpu.memory_space<semaphore_mem>>)
      %dma_wait3A_277 = arith.constant 0 : i32
      %dma_wait3A_278 = arith.constant 0 : i32
      %dma_wait3A_279 = tpu.memref_slice %arg9[%dma_wait3A_277, %dma_wait3A_278] : memref<128x128xf32, #tpu.memory_space<vmem>> -> memref<104x128xf32, #tpu.memory_space<vmem>>
      %dma_wait3A_280 = arith.constant 0 : i32
      %dma_wait3A_281 = tpu.memref_slice %arg11[%add3A_77, %dma_wait3A_280] : memref<10240x128xf32, #tpu.memory_space<vmem_shared>> -> memref<104x128xf32, #tpu.memory_space<vmem_shared>>
      %dma_wait3A_282 = arith.constant 0 : i32
      %dma_wait3A_283 = arith.constant 0 : i32
      %dma_wait3A_284 = tpu.memref_slice %arg9[%dma_wait3A_282, %dma_wait3A_283] : memref<128x128xf32, #tpu.memory_space<vmem>> -> memref<104x128xf32, #tpu.memory_space<vmem>>
      %dma_wait3A_285 = arith.constant 0 : i32
      %dma_wait3A_286 = tpu.memref_slice %arg11[%add3A_77, %dma_wait3A_285] : memref<10240x128xf32, #tpu.memory_space<vmem_shared>> -> memref<104x128xf32, #tpu.memory_space<vmem_shared>>
      tpu.wait_dma2 semaphore(%run_scoped3A : memref<!tpu.dma_semaphore, #tpu.memory_space<semaphore_mem>>) src(%dma_wait3A_286 : memref<104x128xf32, #tpu.memory_space<vmem_shared>>) dst(%dma_wait3A_284 : memref<104x128xf32, #tpu.memory_space<vmem>>)
      tpu.yield
    }) : () -> ()
    %dma_start3A_78 = arith.constant 0 : i32
    %dma_start3A_79 = arith.constant 0 : i32
    %dma_start3A_80 = tpu.memref_slice %arg9[%dma_start3A_78, %dma_start3A_79] : memref<128x128xf32, #tpu.memory_space<vmem>> -> memref<104x128xf32, #tpu.memory_space<vmem>>
    %dma_start3A_81 = arith.constant 0 : i32
    %dma_start3A_82 = tpu.memref_slice %arg5[%arg0, %add3A_77, %dma_start3A_81] : memref<2x10000x128xf32, #tpu.memory_space<hbm>> -> memref<1x104x128xf32, #tpu.memory_space<hbm>>
    %dma_start3A_83 = tpu.memref_squeeze %dma_start3A_82 : memref<1x104x128xf32, #tpu.memory_space<hbm>> -> memref<104x128xf32, #tpu.memory_space<hbm>>
    %dma_start3A_84 = arith.constant 0 : i32
    %dma_start3A_85 = tpu.memref_slice %arg5[%arg0, %add3A_77, %dma_start3A_84] : memref<2x10000x128xf32, #tpu.memory_space<hbm>> -> memref<1x104x128xf32, #tpu.memory_space<hbm>>
    %dma_start3A_86 = tpu.memref_squeeze %dma_start3A_85 : memref<1x104x128xf32, #tpu.memory_space<hbm>> -> memref<104x128xf32, #tpu.memory_space<hbm>>
    %dma_start3A_87 = arith.constant 0 : i32
    %dma_start3A_88 = arith.constant 0 : i32
    %dma_start3A_89 = tpu.memref_slice %arg9[%dma_start3A_87, %dma_start3A_88] : memref<128x128xf32, #tpu.memory_space<vmem>> -> memref<104x128xf32, #tpu.memory_space<vmem>>
    tpu.enqueue_dma source(%dma_start3A_89 : memref<104x128xf32, #tpu.memory_space<vmem>>) target(%dma_start3A_86 : memref<104x128xf32, #tpu.memory_space<hbm>>) target_semaphore(%arg14 : memref<!tpu.dma_semaphore, #tpu.memory_space<semaphore_mem>>)
    %mul3A_90 = arith.constant 624 : i32
    %mul3A_91 = arith.muli %arg1, %mul3A_90 : i32
    %add3A_92 = arith.constant 104 : i32
    %add3A_93 = arith.addi %mul3A_91, %add3A_92 : i32
    "tpu.region"() ({
      %run_scoped3A = tpu.sem_alloc : memref<!tpu.dma_semaphore, #tpu.memory_space<semaphore_mem>>
      %dma_start3A_267 = arith.constant 0 : i32
      %dma_start3A_268 = arith.constant 0 : i32
      %dma_start3A_269 = tpu.memref_slice %arg10[%dma_start3A_267, %dma_start3A_268] : memref<128x128xf32, #tpu.memory_space<vmem>> -> memref<104x128xf32, #tpu.memory_space<vmem>>
      %dma_start3A_270 = arith.constant 0 : i32
      %dma_start3A_271 = tpu.memref_slice %arg11[%add3A_93, %dma_start3A_270] : memref<10240x128xf32, #tpu.memory_space<vmem_shared>> -> memref<104x128xf32, #tpu.memory_space<vmem_shared>>
      %dma_start3A_272 = arith.constant 0 : i32
      %dma_start3A_273 = arith.constant 0 : i32
      %dma_start3A_274 = tpu.memref_slice %arg10[%dma_start3A_272, %dma_start3A_273] : memref<128x128xf32, #tpu.memory_space<vmem>> -> memref<104x128xf32, #tpu.memory_space<vmem>>
      %dma_start3A_275 = arith.constant 0 : i32
      %dma_start3A_276 = tpu.memref_slice %arg11[%add3A_93, %dma_start3A_275] : memref<10240x128xf32, #tpu.memory_space<vmem_shared>> -> memref<104x128xf32, #tpu.memory_space<vmem_shared>>
      tpu.enqueue_dma source(%dma_start3A_276 : memref<104x128xf32, #tpu.memory_space<vmem_shared>>) target(%dma_start3A_274 : memref<104x128xf32, #tpu.memory_space<vmem>>) target_semaphore(%run_scoped3A : memref<!tpu.dma_semaphore, #tpu.memory_space<semaphore_mem>>)
      %dma_wait3A_277 = arith.constant 0 : i32
      %dma_wait3A_278 = arith.constant 0 : i32
      %dma_wait3A_279 = tpu.memref_slice %arg10[%dma_wait3A_277, %dma_wait3A_278] : memref<128x128xf32, #tpu.memory_space<vmem>> -> memref<104x128xf32, #tpu.memory_space<vmem>>
      %dma_wait3A_280 = arith.constant 0 : i32
      %dma_wait3A_281 = tpu.memref_slice %arg11[%add3A_93, %dma_wait3A_280] : memref<10240x128xf32, #tpu.memory_space<vmem_shared>> -> memref<104x128xf32, #tpu.memory_space<vmem_shared>>
      %dma_wait3A_282 = arith.constant 0 : i32
      %dma_wait3A_283 = arith.constant 0 : i32
      %dma_wait3A_284 = tpu.memref_slice %arg10[%dma_wait3A_282, %dma_wait3A_283] : memref<128x128xf32, #tpu.memory_space<vmem>> -> memref<104x128xf32, #tpu.memory_space<vmem>>
      %dma_wait3A_285 = arith.constant 0 : i32
      %dma_wait3A_286 = tpu.memref_slice %arg11[%add3A_93, %dma_wait3A_285] : memref<10240x128xf32, #tpu.memory_space<vmem_shared>> -> memref<104x128xf32, #tpu.memory_space<vmem_shared>>
      tpu.wait_dma2 semaphore(%run_scoped3A : memref<!tpu.dma_semaphore, #tpu.memory_space<semaphore_mem>>) src(%dma_wait3A_286 : memref<104x128xf32, #tpu.memory_space<vmem_shared>>) dst(%dma_wait3A_284 : memref<104x128xf32, #tpu.memory_space<vmem>>)
      tpu.yield
    }) : () -> ()
    %dma_start3A_94 = arith.constant 0 : i32
    %dma_start3A_95 = arith.constant 0 : i32
    %dma_start3A_96 = tpu.memref_slice %arg10[%dma_start3A_94, %dma_start3A_95] : memref<128x128xf32, #tpu.memory_space<vmem>> -> memref<104x128xf32, #tpu.memory_space<vmem>>
    %dma_start3A_97 = arith.constant 0 : i32
    %dma_start3A_98 = tpu.memref_slice %arg5[%arg0, %add3A_93, %dma_start3A_97] : memref<2x10000x128xf32, #tpu.memory_space<hbm>> -> memref<1x104x128xf32, #tpu.memory_space<hbm>>
    %dma_start3A_99 = tpu.memref_squeeze %dma_start3A_98 : memref<1x104x128xf32, #tpu.memory_space<hbm>> -> memref<104x128xf32, #tpu.memory_space<hbm>>
    %dma_start3A_100 = arith.constant 0 : i32
    %dma_start3A_101 = tpu.memref_slice %arg5[%arg0, %add3A_93, %dma_start3A_100] : memref<2x10000x128xf32, #tpu.memory_space<hbm>> -> memref<1x104x128xf32, #tpu.memory_space<hbm>>
    %dma_start3A_102 = tpu.memref_squeeze %dma_start3A_101 : memref<1x104x128xf32, #tpu.memory_space<hbm>> -> memref<104x128xf32, #tpu.memory_space<hbm>>
    %dma_start3A_103 = arith.constant 0 : i32
    %dma_start3A_104 = arith.constant 0 : i32
    %dma_start3A_105 = tpu.memref_slice %arg10[%dma_start3A_103, %dma_start3A_104] : memref<128x128xf32, #tpu.memory_space<vmem>> -> memref<104x128xf32, #tpu.memory_space<vmem>>
    tpu.enqueue_dma source(%dma_start3A_105 : memref<104x128xf32, #tpu.memory_space<vmem>>) target(%dma_start3A_102 : memref<104x128xf32, #tpu.memory_space<hbm>>) target_semaphore(%arg15 : memref<!tpu.dma_semaphore, #tpu.memory_space<semaphore_mem>>)
    %mul3A_106 = arith.constant 624 : i32
    %mul3A_107 = arith.muli %arg1, %mul3A_106 : i32
    %add3A_108 = arith.constant 208 : i32
    %add3A_109 = arith.addi %mul3A_107, %add3A_108 : i32
    %mul3A_110 = arith.constant 624 : i32
    %mul3A_111 = arith.muli %arg1, %mul3A_110 : i32
    %add3A_112 = arith.constant 0 : i32
    %add3A_113 = arith.addi %mul3A_111, %add3A_112 : i32
    %dma_wait3A = arith.constant 0 : i32
    %dma_wait3A_114 = arith.constant 0 : i32
    %dma_wait3A_115 = tpu.memref_slice %arg9[%dma_wait3A, %dma_wait3A_114] : memref<128x128xf32, #tpu.memory_space<vmem>> -> memref<104x128xf32, #tpu.memory_space<vmem>>
    %dma_wait3A_116 = arith.constant 0 : i32
    %dma_wait3A_117 = tpu.memref_slice %arg5[%arg0, %add3A_113, %dma_wait3A_116] : memref<2x10000x128xf32, #tpu.memory_space<hbm>> -> memref<1x104x128xf32, #tpu.memory_space<hbm>>
    %dma_wait3A_118 = tpu.memref_squeeze %dma_wait3A_117 : memref<1x104x128xf32, #tpu.memory_space<hbm>> -> memref<104x128xf32, #tpu.memory_space<hbm>>
    %dma_wait3A_119 = arith.constant 0 : i32
    %dma_wait3A_120 = tpu.memref_slice %arg5[%arg0, %add3A_113, %dma_wait3A_119] : memref<2x10000x128xf32, #tpu.memory_space<hbm>> -> memref<1x104x128xf32, #tpu.memory_space<hbm>>
    %dma_wait3A_121 = tpu.memref_squeeze %dma_wait3A_120 : memref<1x104x128xf32, #tpu.memory_space<hbm>> -> memref<104x128xf32, #tpu.memory_space<hbm>>
    %dma_wait3A_122 = arith.constant 0 : i32
    %dma_wait3A_123 = arith.constant 0 : i32
    %dma_wait3A_124 = tpu.memref_slice %arg9[%dma_wait3A_122, %dma_wait3A_123] : memref<128x128xf32, #tpu.memory_space<vmem>> -> memref<104x128xf32, #tpu.memory_space<vmem>>
    tpu.wait_dma2 semaphore(%arg14 : memref<!tpu.dma_semaphore, #tpu.memory_space<semaphore_mem>>) src(%dma_wait3A_124 : memref<104x128xf32, #tpu.memory_space<vmem>>) dst(%dma_wait3A_121 : memref<104x128xf32, #tpu.memory_space<hbm>>)
    "tpu.region"() ({
      %run_scoped3A = tpu.sem_alloc : memref<!tpu.dma_semaphore, #tpu.memory_space<semaphore_mem>>
      %dma_start3A_267 = arith.constant 0 : i32
      %dma_start3A_268 = arith.constant 0 : i32
      %dma_start3A_269 = tpu.memref_slice %arg9[%dma_start3A_267, %dma_start3A_268] : memref<128x128xf32, #tpu.memory_space<vmem>> -> memref<104x128xf32, #tpu.memory_space<vmem>>
      %dma_start3A_270 = arith.constant 0 : i32
      %dma_start3A_271 = tpu.memref_slice %arg11[%add3A_109, %dma_start3A_270] : memref<10240x128xf32, #tpu.memory_space<vmem_shared>> -> memref<104x128xf32, #tpu.memory_space<vmem_shared>>
      %dma_start3A_272 = arith.constant 0 : i32
      %dma_start3A_273 = arith.constant 0 : i32
      %dma_start3A_274 = tpu.memref_slice %arg9[%dma_start3A_272, %dma_start3A_273] : memref<128x128xf32, #tpu.memory_space<vmem>> -> memref<104x128xf32, #tpu.memory_space<vmem>>
      %dma_start3A_275 = arith.constant 0 : i32
      %dma_start3A_276 = tpu.memref_slice %arg11[%add3A_109, %dma_start3A_275] : memref<10240x128xf32, #tpu.memory_space<vmem_shared>> -> memref<104x128xf32, #tpu.memory_space<vmem_shared>>
      tpu.enqueue_dma source(%dma_start3A_276 : memref<104x128xf32, #tpu.memory_space<vmem_shared>>) target(%dma_start3A_274 : memref<104x128xf32, #tpu.memory_space<vmem>>) target_semaphore(%run_scoped3A : memref<!tpu.dma_semaphore, #tpu.memory_space<semaphore_mem>>)
      %dma_wait3A_277 = arith.constant 0 : i32
      %dma_wait3A_278 = arith.constant 0 : i32
      %dma_wait3A_279 = tpu.memref_slice %arg9[%dma_wait3A_277, %dma_wait3A_278] : memref<128x128xf32, #tpu.memory_space<vmem>> -> memref<104x128xf32, #tpu.memory_space<vmem>>
      %dma_wait3A_280 = arith.constant 0 : i32
      %dma_wait3A_281 = tpu.memref_slice %arg11[%add3A_109, %dma_wait3A_280] : memref<10240x128xf32, #tpu.memory_space<vmem_shared>> -> memref<104x128xf32, #tpu.memory_space<vmem_shared>>
      %dma_wait3A_282 = arith.constant 0 : i32
      %dma_wait3A_283 = arith.constant 0 : i32
      %dma_wait3A_284 = tpu.memref_slice %arg9[%dma_wait3A_282, %dma_wait3A_283] : memref<128x128xf32, #tpu.memory_space<vmem>> -> memref<104x128xf32, #tpu.memory_space<vmem>>
      %dma_wait3A_285 = arith.constant 0 : i32
      %dma_wait3A_286 = tpu.memref_slice %arg11[%add3A_109, %dma_wait3A_285] : memref<10240x128xf32, #tpu.memory_space<vmem_shared>> -> memref<104x128xf32, #tpu.memory_space<vmem_shared>>
      tpu.wait_dma2 semaphore(%run_scoped3A : memref<!tpu.dma_semaphore, #tpu.memory_space<semaphore_mem>>) src(%dma_wait3A_286 : memref<104x128xf32, #tpu.memory_space<vmem_shared>>) dst(%dma_wait3A_284 : memref<104x128xf32, #tpu.memory_space<vmem>>)
      tpu.yield
    }) : () -> ()
    %dma_start3A_125 = arith.constant 0 : i32
    %dma_start3A_126 = arith.constant 0 : i32
    %dma_start3A_127 = tpu.memref_slice %arg9[%dma_start3A_125, %dma_start3A_126] : memref<128x128xf32, #tpu.memory_space<vmem>> -> memref<104x128xf32, #tpu.memory_space<vmem>>
    %dma_start3A_128 = arith.constant 0 : i32
    %dma_start3A_129 = tpu.memref_slice %arg5[%arg0, %add3A_109, %dma_start3A_128] : memref<2x10000x128xf32, #tpu.memory_space<hbm>> -> memref<1x104x128xf32, #tpu.memory_space<hbm>>
    %dma_start3A_130 = tpu.memref_squeeze %dma_start3A_129 : memref<1x104x128xf32, #tpu.memory_space<hbm>> -> memref<104x128xf32, #tpu.memory_space<hbm>>
    %dma_start3A_131 = arith.constant 0 : i32
    %dma_start3A_132 = tpu.memref_slice %arg5[%arg0, %add3A_109, %dma_start3A_131] : memref<2x10000x128xf32, #tpu.memory_space<hbm>> -> memref<1x104x128xf32, #tpu.memory_space<hbm>>
    %dma_start3A_133 = tpu.memref_squeeze %dma_start3A_132 : memref<1x104x128xf32, #tpu.memory_space<hbm>> -> memref<104x128xf32, #tpu.memory_space<hbm>>
    %dma_start3A_134 = arith.constant 0 : i32
    %dma_start3A_135 = arith.constant 0 : i32
    %dma_start3A_136 = tpu.memref_slice %arg9[%dma_start3A_134, %dma_start3A_135] : memref<128x128xf32, #tpu.memory_space<vmem>> -> memref<104x128xf32, #tpu.memory_space<vmem>>
    tpu.enqueue_dma source(%dma_start3A_136 : memref<104x128xf32, #tpu.memory_space<vmem>>) target(%dma_start3A_133 : memref<104x128xf32, #tpu.memory_space<hbm>>) target_semaphore(%arg14 : memref<!tpu.dma_semaphore, #tpu.memory_space<semaphore_mem>>)
    %mul3A_137 = arith.constant 624 : i32
    %mul3A_138 = arith.muli %arg1, %mul3A_137 : i32
    %add3A_139 = arith.constant 312 : i32
    %add3A_140 = arith.addi %mul3A_138, %add3A_139 : i32
    %mul3A_141 = arith.constant 624 : i32
    %mul3A_142 = arith.muli %arg1, %mul3A_141 : i32
    %add3A_143 = arith.constant 104 : i32
    %add3A_144 = arith.addi %mul3A_142, %add3A_143 : i32
    %dma_wait3A_145 = arith.constant 0 : i32
    %dma_wait3A_146 = arith.constant 0 : i32
    %dma_wait3A_147 = tpu.memref_slice %arg10[%dma_wait3A_145, %dma_wait3A_146] : memref<128x128xf32, #tpu.memory_space<vmem>> -> memref<104x128xf32, #tpu.memory_space<vmem>>
    %dma_wait3A_148 = arith.constant 0 : i32
    %dma_wait3A_149 = tpu.memref_slice %arg5[%arg0, %add3A_144, %dma_wait3A_148] : memref<2x10000x128xf32, #tpu.memory_space<hbm>> -> memref<1x104x128xf32, #tpu.memory_space<hbm>>
    %dma_wait3A_150 = tpu.memref_squeeze %dma_wait3A_149 : memref<1x104x128xf32, #tpu.memory_space<hbm>> -> memref<104x128xf32, #tpu.memory_space<hbm>>
    %dma_wait3A_151 = arith.constant 0 : i32
    %dma_wait3A_152 = tpu.memref_slice %arg5[%arg0, %add3A_144, %dma_wait3A_151] : memref<2x10000x128xf32, #tpu.memory_space<hbm>> -> memref<1x104x128xf32, #tpu.memory_space<hbm>>
    %dma_wait3A_153 = tpu.memref_squeeze %dma_wait3A_152 : memref<1x104x128xf32, #tpu.memory_space<hbm>> -> memref<104x128xf32, #tpu.memory_space<hbm>>
    %dma_wait3A_154 = arith.constant 0 : i32
    %dma_wait3A_155 = arith.constant 0 : i32
    %dma_wait3A_156 = tpu.memref_slice %arg10[%dma_wait3A_154, %dma_wait3A_155] : memref<128x128xf32, #tpu.memory_space<vmem>> -> memref<104x128xf32, #tpu.memory_space<vmem>>
    tpu.wait_dma2 semaphore(%arg15 : memref<!tpu.dma_semaphore, #tpu.memory_space<semaphore_mem>>) src(%dma_wait3A_156 : memref<104x128xf32, #tpu.memory_space<vmem>>) dst(%dma_wait3A_153 : memref<104x128xf32, #tpu.memory_space<hbm>>)
    "tpu.region"() ({
      %run_scoped3A = tpu.sem_alloc : memref<!tpu.dma_semaphore, #tpu.memory_space<semaphore_mem>>
      %dma_start3A_267 = arith.constant 0 : i32
      %dma_start3A_268 = arith.constant 0 : i32
      %dma_start3A_269 = tpu.memref_slice %arg10[%dma_start3A_267, %dma_start3A_268] : memref<128x128xf32, #tpu.memory_space<vmem>> -> memref<104x128xf32, #tpu.memory_space<vmem>>
      %dma_start3A_270 = arith.constant 0 : i32
      %dma_start3A_271 = tpu.memref_slice %arg11[%add3A_140, %dma_start3A_270] : memref<10240x128xf32, #tpu.memory_space<vmem_shared>> -> memref<104x128xf32, #tpu.memory_space<vmem_shared>>
      %dma_start3A_272 = arith.constant 0 : i32
      %dma_start3A_273 = arith.constant 0 : i32
      %dma_start3A_274 = tpu.memref_slice %arg10[%dma_start3A_272, %dma_start3A_273] : memref<128x128xf32, #tpu.memory_space<vmem>> -> memref<104x128xf32, #tpu.memory_space<vmem>>
      %dma_start3A_275 = arith.constant 0 : i32
      %dma_start3A_276 = tpu.memref_slice %arg11[%add3A_140, %dma_start3A_275] : memref<10240x128xf32, #tpu.memory_space<vmem_shared>> -> memref<104x128xf32, #tpu.memory_space<vmem_shared>>
      tpu.enqueue_dma source(%dma_start3A_276 : memref<104x128xf32, #tpu.memory_space<vmem_shared>>) target(%dma_start3A_274 : memref<104x128xf32, #tpu.memory_space<vmem>>) target_semaphore(%run_scoped3A : memref<!tpu.dma_semaphore, #tpu.memory_space<semaphore_mem>>)
      %dma_wait3A_277 = arith.constant 0 : i32
      %dma_wait3A_278 = arith.constant 0 : i32
      %dma_wait3A_279 = tpu.memref_slice %arg10[%dma_wait3A_277, %dma_wait3A_278] : memref<128x128xf32, #tpu.memory_space<vmem>> -> memref<104x128xf32, #tpu.memory_space<vmem>>
      %dma_wait3A_280 = arith.constant 0 : i32
      %dma_wait3A_281 = tpu.memref_slice %arg11[%add3A_140, %dma_wait3A_280] : memref<10240x128xf32, #tpu.memory_space<vmem_shared>> -> memref<104x128xf32, #tpu.memory_space<vmem_shared>>
      %dma_wait3A_282 = arith.constant 0 : i32
      %dma_wait3A_283 = arith.constant 0 : i32
      %dma_wait3A_284 = tpu.memref_slice %arg10[%dma_wait3A_282, %dma_wait3A_283] : memref<128x128xf32, #tpu.memory_space<vmem>> -> memref<104x128xf32, #tpu.memory_space<vmem>>
      %dma_wait3A_285 = arith.constant 0 : i32
      %dma_wait3A_286 = tpu.memref_slice %arg11[%add3A_140, %dma_wait3A_285] : memref<10240x128xf32, #tpu.memory_space<vmem_shared>> -> memref<104x128xf32, #tpu.memory_space<vmem_shared>>
      tpu.wait_dma2 semaphore(%run_scoped3A : memref<!tpu.dma_semaphore, #tpu.memory_space<semaphore_mem>>) src(%dma_wait3A_286 : memref<104x128xf32, #tpu.memory_space<vmem_shared>>) dst(%dma_wait3A_284 : memref<104x128xf32, #tpu.memory_space<vmem>>)
      tpu.yield
    }) : () -> ()
    %dma_start3A_157 = arith.constant 0 : i32
    %dma_start3A_158 = arith.constant 0 : i32
    %dma_start3A_159 = tpu.memref_slice %arg10[%dma_start3A_157, %dma_start3A_158] : memref<128x128xf32, #tpu.memory_space<vmem>> -> memref<104x128xf32, #tpu.memory_space<vmem>>
    %dma_start3A_160 = arith.constant 0 : i32
    %dma_start3A_161 = tpu.memref_slice %arg5[%arg0, %add3A_140, %dma_start3A_160] : memref<2x10000x128xf32, #tpu.memory_space<hbm>> -> memref<1x104x128xf32, #tpu.memory_space<hbm>>
    %dma_start3A_162 = tpu.memref_squeeze %dma_start3A_161 : memref<1x104x128xf32, #tpu.memory_space<hbm>> -> memref<104x128xf32, #tpu.memory_space<hbm>>
    %dma_start3A_163 = arith.constant 0 : i32
    %dma_start3A_164 = tpu.memref_slice %arg5[%arg0, %add3A_140, %dma_start3A_163] : memref<2x10000x128xf32, #tpu.memory_space<hbm>> -> memref<1x104x128xf32, #tpu.memory_space<hbm>>
    %dma_start3A_165 = tpu.memref_squeeze %dma_start3A_164 : memref<1x104x128xf32, #tpu.memory_space<hbm>> -> memref<104x128xf32, #tpu.memory_space<hbm>>
    %dma_start3A_166 = arith.constant 0 : i32
    %dma_start3A_167 = arith.constant 0 : i32
    %dma_start3A_168 = tpu.memref_slice %arg10[%dma_start3A_166, %dma_start3A_167] : memref<128x128xf32, #tpu.memory_space<vmem>> -> memref<104x128xf32, #tpu.memory_space<vmem>>
    tpu.enqueue_dma source(%dma_start3A_168 : memref<104x128xf32, #tpu.memory_space<vmem>>) target(%dma_start3A_165 : memref<104x128xf32, #tpu.memory_space<hbm>>) target_semaphore(%arg15 : memref<!tpu.dma_semaphore, #tpu.memory_space<semaphore_mem>>)
    %mul3A_169 = arith.constant 624 : i32
    %mul3A_170 = arith.muli %arg1, %mul3A_169 : i32
    %add3A_171 = arith.constant 416 : i32
    %add3A_172 = arith.addi %mul3A_170, %add3A_171 : i32
    %mul3A_173 = arith.constant 624 : i32
    %mul3A_174 = arith.muli %arg1, %mul3A_173 : i32
    %add3A_175 = arith.constant 208 : i32
    %add3A_176 = arith.addi %mul3A_174, %add3A_175 : i32
    %dma_wait3A_177 = arith.constant 0 : i32
    %dma_wait3A_178 = arith.constant 0 : i32
    %dma_wait3A_179 = tpu.memref_slice %arg9[%dma_wait3A_177, %dma_wait3A_178] : memref<128x128xf32, #tpu.memory_space<vmem>> -> memref<104x128xf32, #tpu.memory_space<vmem>>
    %dma_wait3A_180 = arith.constant 0 : i32
    %dma_wait3A_181 = tpu.memref_slice %arg5[%arg0, %add3A_176, %dma_wait3A_180] : memref<2x10000x128xf32, #tpu.memory_space<hbm>> -> memref<1x104x128xf32, #tpu.memory_space<hbm>>
    %dma_wait3A_182 = tpu.memref_squeeze %dma_wait3A_181 : memref<1x104x128xf32, #tpu.memory_space<hbm>> -> memref<104x128xf32, #tpu.memory_space<hbm>>
    %dma_wait3A_183 = arith.constant 0 : i32
    %dma_wait3A_184 = tpu.memref_slice %arg5[%arg0, %add3A_176, %dma_wait3A_183] : memref<2x10000x128xf32, #tpu.memory_space<hbm>> -> memref<1x104x128xf32, #tpu.memory_space<hbm>>
    %dma_wait3A_185 = tpu.memref_squeeze %dma_wait3A_184 : memref<1x104x128xf32, #tpu.memory_space<hbm>> -> memref<104x128xf32, #tpu.memory_space<hbm>>
    %dma_wait3A_186 = arith.constant 0 : i32
    %dma_wait3A_187 = arith.constant 0 : i32
    %dma_wait3A_188 = tpu.memref_slice %arg9[%dma_wait3A_186, %dma_wait3A_187] : memref<128x128xf32, #tpu.memory_space<vmem>> -> memref<104x128xf32, #tpu.memory_space<vmem>>
    tpu.wait_dma2 semaphore(%arg14 : memref<!tpu.dma_semaphore, #tpu.memory_space<semaphore_mem>>) src(%dma_wait3A_188 : memref<104x128xf32, #tpu.memory_space<vmem>>) dst(%dma_wait3A_185 : memref<104x128xf32, #tpu.memory_space<hbm>>)
    "tpu.region"() ({
      %run_scoped3A = tpu.sem_alloc : memref<!tpu.dma_semaphore, #tpu.memory_space<semaphore_mem>>
      %dma_start3A_267 = arith.constant 0 : i32
      %dma_start3A_268 = arith.constant 0 : i32
      %dma_start3A_269 = tpu.memref_slice %arg9[%dma_start3A_267, %dma_start3A_268] : memref<128x128xf32, #tpu.memory_space<vmem>> -> memref<104x128xf32, #tpu.memory_space<vmem>>
      %dma_start3A_270 = arith.constant 0 : i32
      %dma_start3A_271 = tpu.memref_slice %arg11[%add3A_172, %dma_start3A_270] : memref<10240x128xf32, #tpu.memory_space<vmem_shared>> -> memref<104x128xf32, #tpu.memory_space<vmem_shared>>
      %dma_start3A_272 = arith.constant 0 : i32
      %dma_start3A_273 = arith.constant 0 : i32
      %dma_start3A_274 = tpu.memref_slice %arg9[%dma_start3A_272, %dma_start3A_273] : memref<128x128xf32, #tpu.memory_space<vmem>> -> memref<104x128xf32, #tpu.memory_space<vmem>>
      %dma_start3A_275 = arith.constant 0 : i32
      %dma_start3A_276 = tpu.memref_slice %arg11[%add3A_172, %dma_start3A_275] : memref<10240x128xf32, #tpu.memory_space<vmem_shared>> -> memref<104x128xf32, #tpu.memory_space<vmem_shared>>
      tpu.enqueue_dma source(%dma_start3A_276 : memref<104x128xf32, #tpu.memory_space<vmem_shared>>) target(%dma_start3A_274 : memref<104x128xf32, #tpu.memory_space<vmem>>) target_semaphore(%run_scoped3A : memref<!tpu.dma_semaphore, #tpu.memory_space<semaphore_mem>>)
      %dma_wait3A_277 = arith.constant 0 : i32
      %dma_wait3A_278 = arith.constant 0 : i32
      %dma_wait3A_279 = tpu.memref_slice %arg9[%dma_wait3A_277, %dma_wait3A_278] : memref<128x128xf32, #tpu.memory_space<vmem>> -> memref<104x128xf32, #tpu.memory_space<vmem>>
      %dma_wait3A_280 = arith.constant 0 : i32
      %dma_wait3A_281 = tpu.memref_slice %arg11[%add3A_172, %dma_wait3A_280] : memref<10240x128xf32, #tpu.memory_space<vmem_shared>> -> memref<104x128xf32, #tpu.memory_space<vmem_shared>>
      %dma_wait3A_282 = arith.constant 0 : i32
      %dma_wait3A_283 = arith.constant 0 : i32
      %dma_wait3A_284 = tpu.memref_slice %arg9[%dma_wait3A_282, %dma_wait3A_283] : memref<128x128xf32, #tpu.memory_space<vmem>> -> memref<104x128xf32, #tpu.memory_space<vmem>>
      %dma_wait3A_285 = arith.constant 0 : i32
      %dma_wait3A_286 = tpu.memref_slice %arg11[%add3A_172, %dma_wait3A_285] : memref<10240x128xf32, #tpu.memory_space<vmem_shared>> -> memref<104x128xf32, #tpu.memory_space<vmem_shared>>
      tpu.wait_dma2 semaphore(%run_scoped3A : memref<!tpu.dma_semaphore, #tpu.memory_space<semaphore_mem>>) src(%dma_wait3A_286 : memref<104x128xf32, #tpu.memory_space<vmem_shared>>) dst(%dma_wait3A_284 : memref<104x128xf32, #tpu.memory_space<vmem>>)
      tpu.yield
    }) : () -> ()
    %dma_start3A_189 = arith.constant 0 : i32
    %dma_start3A_190 = arith.constant 0 : i32
    %dma_start3A_191 = tpu.memref_slice %arg9[%dma_start3A_189, %dma_start3A_190] : memref<128x128xf32, #tpu.memory_space<vmem>> -> memref<104x128xf32, #tpu.memory_space<vmem>>
    %dma_start3A_192 = arith.constant 0 : i32
    %dma_start3A_193 = tpu.memref_slice %arg5[%arg0, %add3A_172, %dma_start3A_192] : memref<2x10000x128xf32, #tpu.memory_space<hbm>> -> memref<1x104x128xf32, #tpu.memory_space<hbm>>
    %dma_start3A_194 = tpu.memref_squeeze %dma_start3A_193 : memref<1x104x128xf32, #tpu.memory_space<hbm>> -> memref<104x128xf32, #tpu.memory_space<hbm>>
    %dma_start3A_195 = arith.constant 0 : i32
    %dma_start3A_196 = tpu.memref_slice %arg5[%arg0, %add3A_172, %dma_start3A_195] : memref<2x10000x128xf32, #tpu.memory_space<hbm>> -> memref<1x104x128xf32, #tpu.memory_space<hbm>>
    %dma_start3A_197 = tpu.memref_squeeze %dma_start3A_196 : memref<1x104x128xf32, #tpu.memory_space<hbm>> -> memref<104x128xf32, #tpu.memory_space<hbm>>
    %dma_start3A_198 = arith.constant 0 : i32
    %dma_start3A_199 = arith.constant 0 : i32
    %dma_start3A_200 = tpu.memref_slice %arg9[%dma_start3A_198, %dma_start3A_199] : memref<128x128xf32, #tpu.memory_space<vmem>> -> memref<104x128xf32, #tpu.memory_space<vmem>>
    tpu.enqueue_dma source(%dma_start3A_200 : memref<104x128xf32, #tpu.memory_space<vmem>>) target(%dma_start3A_197 : memref<104x128xf32, #tpu.memory_space<hbm>>) target_semaphore(%arg14 : memref<!tpu.dma_semaphore, #tpu.memory_space<semaphore_mem>>)
    %mul3A_201 = arith.constant 624 : i32
    %mul3A_202 = arith.muli %arg1, %mul3A_201 : i32
    %add3A_203 = arith.constant 520 : i32
    %add3A_204 = arith.addi %mul3A_202, %add3A_203 : i32
    %mul3A_205 = arith.constant 624 : i32
    %mul3A_206 = arith.muli %arg1, %mul3A_205 : i32
    %add3A_207 = arith.constant 312 : i32
    %add3A_208 = arith.addi %mul3A_206, %add3A_207 : i32
    %dma_wait3A_209 = arith.constant 0 : i32
    %dma_wait3A_210 = arith.constant 0 : i32
    %dma_wait3A_211 = tpu.memref_slice %arg10[%dma_wait3A_209, %dma_wait3A_210] : memref<128x128xf32, #tpu.memory_space<vmem>> -> memref<104x128xf32, #tpu.memory_space<vmem>>
    %dma_wait3A_212 = arith.constant 0 : i32
    %dma_wait3A_213 = tpu.memref_slice %arg5[%arg0, %add3A_208, %dma_wait3A_212] : memref<2x10000x128xf32, #tpu.memory_space<hbm>> -> memref<1x104x128xf32, #tpu.memory_space<hbm>>
    %dma_wait3A_214 = tpu.memref_squeeze %dma_wait3A_213 : memref<1x104x128xf32, #tpu.memory_space<hbm>> -> memref<104x128xf32, #tpu.memory_space<hbm>>
    %dma_wait3A_215 = arith.constant 0 : i32
    %dma_wait3A_216 = tpu.memref_slice %arg5[%arg0, %add3A_208, %dma_wait3A_215] : memref<2x10000x128xf32, #tpu.memory_space<hbm>> -> memref<1x104x128xf32, #tpu.memory_space<hbm>>
    %dma_wait3A_217 = tpu.memref_squeeze %dma_wait3A_216 : memref<1x104x128xf32, #tpu.memory_space<hbm>> -> memref<104x128xf32, #tpu.memory_space<hbm>>
    %dma_wait3A_218 = arith.constant 0 : i32
    %dma_wait3A_219 = arith.constant 0 : i32
    %dma_wait3A_220 = tpu.memref_slice %arg10[%dma_wait3A_218, %dma_wait3A_219] : memref<128x128xf32, #tpu.memory_space<vmem>> -> memref<104x128xf32, #tpu.memory_space<vmem>>
    tpu.wait_dma2 semaphore(%arg15 : memref<!tpu.dma_semaphore, #tpu.memory_space<semaphore_mem>>) src(%dma_wait3A_220 : memref<104x128xf32, #tpu.memory_space<vmem>>) dst(%dma_wait3A_217 : memref<104x128xf32, #tpu.memory_space<hbm>>)
    "tpu.region"() ({
      %run_scoped3A = tpu.sem_alloc : memref<!tpu.dma_semaphore, #tpu.memory_space<semaphore_mem>>
      %dma_start3A_267 = arith.constant 0 : i32
      %dma_start3A_268 = arith.constant 0 : i32
      %dma_start3A_269 = tpu.memref_slice %arg10[%dma_start3A_267, %dma_start3A_268] : memref<128x128xf32, #tpu.memory_space<vmem>> -> memref<104x128xf32, #tpu.memory_space<vmem>>
      %dma_start3A_270 = arith.constant 0 : i32
      %dma_start3A_271 = tpu.memref_slice %arg11[%add3A_204, %dma_start3A_270] : memref<10240x128xf32, #tpu.memory_space<vmem_shared>> -> memref<104x128xf32, #tpu.memory_space<vmem_shared>>
      %dma_start3A_272 = arith.constant 0 : i32
      %dma_start3A_273 = arith.constant 0 : i32
      %dma_start3A_274 = tpu.memref_slice %arg10[%dma_start3A_272, %dma_start3A_273] : memref<128x128xf32, #tpu.memory_space<vmem>> -> memref<104x128xf32, #tpu.memory_space<vmem>>
      %dma_start3A_275 = arith.constant 0 : i32
      %dma_start3A_276 = tpu.memref_slice %arg11[%add3A_204, %dma_start3A_275] : memref<10240x128xf32, #tpu.memory_space<vmem_shared>> -> memref<104x128xf32, #tpu.memory_space<vmem_shared>>
      tpu.enqueue_dma source(%dma_start3A_276 : memref<104x128xf32, #tpu.memory_space<vmem_shared>>) target(%dma_start3A_274 : memref<104x128xf32, #tpu.memory_space<vmem>>) target_semaphore(%run_scoped3A : memref<!tpu.dma_semaphore, #tpu.memory_space<semaphore_mem>>)
      %dma_wait3A_277 = arith.constant 0 : i32
      %dma_wait3A_278 = arith.constant 0 : i32
      %dma_wait3A_279 = tpu.memref_slice %arg10[%dma_wait3A_277, %dma_wait3A_278] : memref<128x128xf32, #tpu.memory_space<vmem>> -> memref<104x128xf32, #tpu.memory_space<vmem>>
      %dma_wait3A_280 = arith.constant 0 : i32
      %dma_wait3A_281 = tpu.memref_slice %arg11[%add3A_204, %dma_wait3A_280] : memref<10240x128xf32, #tpu.memory_space<vmem_shared>> -> memref<104x128xf32, #tpu.memory_space<vmem_shared>>
      %dma_wait3A_282 = arith.constant 0 : i32
      %dma_wait3A_283 = arith.constant 0 : i32
      %dma_wait3A_284 = tpu.memref_slice %arg10[%dma_wait3A_282, %dma_wait3A_283] : memref<128x128xf32, #tpu.memory_space<vmem>> -> memref<104x128xf32, #tpu.memory_space<vmem>>
      %dma_wait3A_285 = arith.constant 0 : i32
      %dma_wait3A_286 = tpu.memref_slice %arg11[%add3A_204, %dma_wait3A_285] : memref<10240x128xf32, #tpu.memory_space<vmem_shared>> -> memref<104x128xf32, #tpu.memory_space<vmem_shared>>
      tpu.wait_dma2 semaphore(%run_scoped3A : memref<!tpu.dma_semaphore, #tpu.memory_space<semaphore_mem>>) src(%dma_wait3A_286 : memref<104x128xf32, #tpu.memory_space<vmem_shared>>) dst(%dma_wait3A_284 : memref<104x128xf32, #tpu.memory_space<vmem>>)
      tpu.yield
    }) : () -> ()
    %dma_start3A_221 = arith.constant 0 : i32
    %dma_start3A_222 = arith.constant 0 : i32
    %dma_start3A_223 = tpu.memref_slice %arg10[%dma_start3A_221, %dma_start3A_222] : memref<128x128xf32, #tpu.memory_space<vmem>> -> memref<104x128xf32, #tpu.memory_space<vmem>>
    %dma_start3A_224 = arith.constant 0 : i32
    %dma_start3A_225 = tpu.memref_slice %arg5[%arg0, %add3A_204, %dma_start3A_224] : memref<2x10000x128xf32, #tpu.memory_space<hbm>> -> memref<1x104x128xf32, #tpu.memory_space<hbm>>
    %dma_start3A_226 = tpu.memref_squeeze %dma_start3A_225 : memref<1x104x128xf32, #tpu.memory_space<hbm>> -> memref<104x128xf32, #tpu.memory_space<hbm>>
    %dma_start3A_227 = arith.constant 0 : i32
    %dma_start3A_228 = tpu.memref_slice %arg5[%arg0, %add3A_204, %dma_start3A_227] : memref<2x10000x128xf32, #tpu.memory_space<hbm>> -> memref<1x104x128xf32, #tpu.memory_space<hbm>>
    %dma_start3A_229 = tpu.memref_squeeze %dma_start3A_228 : memref<1x104x128xf32, #tpu.memory_space<hbm>> -> memref<104x128xf32, #tpu.memory_space<hbm>>
    %dma_start3A_230 = arith.constant 0 : i32
    %dma_start3A_231 = arith.constant 0 : i32
    %dma_start3A_232 = tpu.memref_slice %arg10[%dma_start3A_230, %dma_start3A_231] : memref<128x128xf32, #tpu.memory_space<vmem>> -> memref<104x128xf32, #tpu.memory_space<vmem>>
    tpu.enqueue_dma source(%dma_start3A_232 : memref<104x128xf32, #tpu.memory_space<vmem>>) target(%dma_start3A_229 : memref<104x128xf32, #tpu.memory_space<hbm>>) target_semaphore(%arg15 : memref<!tpu.dma_semaphore, #tpu.memory_space<semaphore_mem>>)
    %mul3A_233 = arith.constant 624 : i32
    %mul3A_234 = arith.muli %arg1, %mul3A_233 : i32
    %add3A_235 = arith.constant 416 : i32
    %add3A_236 = arith.addi %mul3A_234, %add3A_235 : i32
    %dma_wait3A_237 = arith.constant 0 : i32
    %dma_wait3A_238 = arith.constant 0 : i32
    %dma_wait3A_239 = tpu.memref_slice %arg9[%dma_wait3A_237, %dma_wait3A_238] : memref<128x128xf32, #tpu.memory_space<vmem>> -> memref<104x128xf32, #tpu.memory_space<vmem>>
    %dma_wait3A_240 = arith.constant 0 : i32
    %dma_wait3A_241 = tpu.memref_slice %arg5[%arg0, %add3A_236, %dma_wait3A_240] : memref<2x10000x128xf32, #tpu.memory_space<hbm>> -> memref<1x104x128xf32, #tpu.memory_space<hbm>>
    %dma_wait3A_242 = tpu.memref_squeeze %dma_wait3A_241 : memref<1x104x128xf32, #tpu.memory_space<hbm>> -> memref<104x128xf32, #tpu.memory_space<hbm>>
    %dma_wait3A_243 = arith.constant 0 : i32
    %dma_wait3A_244 = tpu.memref_slice %arg5[%arg0, %add3A_236, %dma_wait3A_243] : memref<2x10000x128xf32, #tpu.memory_space<hbm>> -> memref<1x104x128xf32, #tpu.memory_space<hbm>>
    %dma_wait3A_245 = tpu.memref_squeeze %dma_wait3A_244 : memref<1x104x128xf32, #tpu.memory_space<hbm>> -> memref<104x128xf32, #tpu.memory_space<hbm>>
    %dma_wait3A_246 = arith.constant 0 : i32
    %dma_wait3A_247 = arith.constant 0 : i32
    %dma_wait3A_248 = tpu.memref_slice %arg9[%dma_wait3A_246, %dma_wait3A_247] : memref<128x128xf32, #tpu.memory_space<vmem>> -> memref<104x128xf32, #tpu.memory_space<vmem>>
    tpu.wait_dma2 semaphore(%arg14 : memref<!tpu.dma_semaphore, #tpu.memory_space<semaphore_mem>>) src(%dma_wait3A_248 : memref<104x128xf32, #tpu.memory_space<vmem>>) dst(%dma_wait3A_245 : memref<104x128xf32, #tpu.memory_space<hbm>>)
    %mul3A_249 = arith.constant 624 : i32
    %mul3A_250 = arith.muli %arg1, %mul3A_249 : i32
    %add3A_251 = arith.constant 520 : i32
    %add3A_252 = arith.addi %mul3A_250, %add3A_251 : i32
    %dma_wait3A_253 = arith.constant 0 : i32
    %dma_wait3A_254 = arith.constant 0 : i32
    %dma_wait3A_255 = tpu.memref_slice %arg10[%dma_wait3A_253, %dma_wait3A_254] : memref<128x128xf32, #tpu.memory_space<vmem>> -> memref<104x128xf32, #tpu.memory_space<vmem>>
    %dma_wait3A_256 = arith.constant 0 : i32
    %dma_wait3A_257 = tpu.memref_slice %arg5[%arg0, %add3A_252, %dma_wait3A_256] : memref<2x10000x128xf32, #tpu.memory_space<hbm>> -> memref<1x104x128xf32, #tpu.memory_space<hbm>>
    %dma_wait3A_258 = tpu.memref_squeeze %dma_wait3A_257 : memref<1x104x128xf32, #tpu.memory_space<hbm>> -> memref<104x128xf32, #tpu.memory_space<hbm>>
    %dma_wait3A_259 = arith.constant 0 : i32
    %dma_wait3A_260 = tpu.memref_slice %arg5[%arg0, %add3A_252, %dma_wait3A_259] : memref<2x10000x128xf32, #tpu.memory_space<hbm>> -> memref<1x104x128xf32, #tpu.memory_space<hbm>>
    %dma_wait3A_261 = tpu.memref_squeeze %dma_wait3A_260 : memref<1x104x128xf32, #tpu.memory_space<hbm>> -> memref<104x128xf32, #tpu.memory_space<hbm>>
    %dma_wait3A_262 = arith.constant 0 : i32
    %dma_wait3A_263 = arith.constant 0 : i32
    %dma_wait3A_264 = tpu.memref_slice %arg10[%dma_wait3A_262, %dma_wait3A_263] : memref<128x128xf32, #tpu.memory_space<vmem>> -> memref<104x128xf32, #tpu.memory_space<vmem>>
    tpu.wait_dma2 semaphore(%arg15 : memref<!tpu.dma_semaphore, #tpu.memory_space<semaphore_mem>>) src(%dma_wait3A_264 : memref<104x128xf32, #tpu.memory_space<vmem>>) dst(%dma_wait3A_261 : memref<104x128xf32, #tpu.memory_space<hbm>>)
    %eq3A = arith.constant 0 : i32
    %eq3A_265 = arith.cmpi eq, %arg1, %eq3A : i32
    %convert_element_type3A = arith.extui %eq3A_265 : i1 to i32
    %cond3A = arith.constant 0 : i32
    %cond3A_266 = arith.cmpi ne, %convert_element_type3A, %cond3A : i32
    scf.if %cond3A_266 {
      "tpu.region"() ({
        %run_scoped3A = tpu.sem_alloc : memref<!tpu.dma_semaphore, #tpu.memory_space<semaphore_mem>>
        %dma_start3A_267 = arith.constant 0 : i32
        %dma_start3A_268 = arith.constant 0 : i32
        %dma_start3A_269 = tpu.memref_slice %arg9[%dma_start3A_267, %dma_start3A_268] : memref<128x128xf32, #tpu.memory_space<vmem>> -> memref<16x128xf32, #tpu.memory_space<vmem>>
        %dma_start3A_270 = arith.constant 9984 : i32
        %dma_start3A_271 = arith.constant 0 : i32
        %dma_start3A_272 = tpu.memref_slice %arg11[%dma_start3A_270, %dma_start3A_271] : memref<10240x128xf32, #tpu.memory_space<vmem_shared>> -> memref<16x128xf32, #tpu.memory_space<vmem_shared>>
        %dma_start3A_273 = arith.constant 0 : i32
        %dma_start3A_274 = arith.constant 0 : i32
        %dma_start3A_275 = tpu.memref_slice %arg9[%dma_start3A_273, %dma_start3A_274] : memref<128x128xf32, #tpu.memory_space<vmem>> -> memref<16x128xf32, #tpu.memory_space<vmem>>
        %dma_start3A_276 = arith.constant 9984 : i32
        %dma_start3A_277 = arith.constant 0 : i32
        %dma_start3A_278 = tpu.memref_slice %arg11[%dma_start3A_276, %dma_start3A_277] : memref<10240x128xf32, #tpu.memory_space<vmem_shared>> -> memref<16x128xf32, #tpu.memory_space<vmem_shared>>
        tpu.enqueue_dma source(%dma_start3A_278 : memref<16x128xf32, #tpu.memory_space<vmem_shared>>) target(%dma_start3A_275 : memref<16x128xf32, #tpu.memory_space<vmem>>) target_semaphore(%run_scoped3A : memref<!tpu.dma_semaphore, #tpu.memory_space<semaphore_mem>>)
        %dma_wait3A_279 = arith.constant 0 : i32
        %dma_wait3A_280 = arith.constant 0 : i32
        %dma_wait3A_281 = tpu.memref_slice %arg9[%dma_wait3A_279, %dma_wait3A_280] : memref<128x128xf32, #tpu.memory_space<vmem>> -> memref<16x128xf32, #tpu.memory_space<vmem>>
        %dma_wait3A_282 = arith.constant 9984 : i32
        %dma_wait3A_283 = arith.constant 0 : i32
        %dma_wait3A_284 = tpu.memref_slice %arg11[%dma_wait3A_282, %dma_wait3A_283] : memref<10240x128xf32, #tpu.memory_space<vmem_shared>> -> memref<16x128xf32, #tpu.memory_space<vmem_shared>>
        %dma_wait3A_285 = arith.constant 0 : i32
        %dma_wait3A_286 = arith.constant 0 : i32
        %dma_wait3A_287 = tpu.memref_slice %arg9[%dma_wait3A_285, %dma_wait3A_286] : memref<128x128xf32, #tpu.memory_space<vmem>> -> memref<16x128xf32, #tpu.memory_space<vmem>>
        %dma_wait3A_288 = arith.constant 9984 : i32
        %dma_wait3A_289 = arith.constant 0 : i32
        %dma_wait3A_290 = tpu.memref_slice %arg11[%dma_wait3A_288, %dma_wait3A_289] : memref<10240x128xf32, #tpu.memory_space<vmem_shared>> -> memref<16x128xf32, #tpu.memory_space<vmem_shared>>
        tpu.wait_dma2 semaphore(%run_scoped3A : memref<!tpu.dma_semaphore, #tpu.memory_space<semaphore_mem>>) src(%dma_wait3A_290 : memref<16x128xf32, #tpu.memory_space<vmem_shared>>) dst(%dma_wait3A_287 : memref<16x128xf32, #tpu.memory_space<vmem>>)
        tpu.yield
      }) : () -> ()
      "tpu.region"() ({
        %run_scoped3A = tpu.sem_alloc : memref<!tpu.dma_semaphore, #tpu.memory_space<semaphore_mem>>
        %dma_start3A_267 = arith.constant 0 : i32
        %dma_start3A_268 = arith.constant 0 : i32
        %dma_start3A_269 = tpu.memref_slice %arg9[%dma_start3A_267, %dma_start3A_268] : memref<128x128xf32, #tpu.memory_space<vmem>> -> memref<16x128xf32, #tpu.memory_space<vmem>>
        %dma_start3A_270 = arith.constant 9984 : i32
        %dma_start3A_271 = arith.constant 0 : i32
        %dma_start3A_272 = tpu.memref_slice %arg5[%arg0, %dma_start3A_270, %dma_start3A_271] : memref<2x10000x128xf32, #tpu.memory_space<hbm>> -> memref<1x16x128xf32, #tpu.memory_space<hbm>>
        %dma_start3A_273 = tpu.memref_squeeze %dma_start3A_272 : memref<1x16x128xf32, #tpu.memory_space<hbm>> -> memref<16x128xf32, #tpu.memory_space<hbm>>
        %dma_start3A_274 = arith.constant 9984 : i32
        %dma_start3A_275 = arith.constant 0 : i32
        %dma_start3A_276 = tpu.memref_slice %arg5[%arg0, %dma_start3A_274, %dma_start3A_275] : memref<2x10000x128xf32, #tpu.memory_space<hbm>> -> memref<1x16x128xf32, #tpu.memory_space<hbm>>
        %dma_start3A_277 = tpu.memref_squeeze %dma_start3A_276 : memref<1x16x128xf32, #tpu.memory_space<hbm>> -> memref<16x128xf32, #tpu.memory_space<hbm>>
        %dma_start3A_278 = arith.constant 0 : i32
        %dma_start3A_279 = arith.constant 0 : i32
        %dma_start3A_280 = tpu.memref_slice %arg9[%dma_start3A_278, %dma_start3A_279] : memref<128x128xf32, #tpu.memory_space<vmem>> -> memref<16x128xf32, #tpu.memory_space<vmem>>
        tpu.enqueue_dma source(%dma_start3A_280 : memref<16x128xf32, #tpu.memory_space<vmem>>) target(%dma_start3A_277 : memref<16x128xf32, #tpu.memory_space<hbm>>) target_semaphore(%run_scoped3A : memref<!tpu.dma_semaphore, #tpu.memory_space<semaphore_mem>>)
        %dma_wait3A_281 = arith.constant 0 : i32
        %dma_wait3A_282 = arith.constant 0 : i32
        %dma_wait3A_283 = tpu.memref_slice %arg9[%dma_wait3A_281, %dma_wait3A_282] : memref<128x128xf32, #tpu.memory_space<vmem>> -> memref<16x128xf32, #tpu.memory_space<vmem>>
        %dma_wait3A_284 = arith.constant 9984 : i32
        %dma_wait3A_285 = arith.constant 0 : i32
        %dma_wait3A_286 = tpu.memref_slice %arg5[%arg0, %dma_wait3A_284, %dma_wait3A_285] : memref<2x10000x128xf32, #tpu.memory_space<hbm>> -> memref<1x16x128xf32, #tpu.memory_space<hbm>>
        %dma_wait3A_287 = tpu.memref_squeeze %dma_wait3A_286 : memref<1x16x128xf32, #tpu.memory_space<hbm>> -> memref<16x128xf32, #tpu.memory_space<hbm>>
        %dma_wait3A_288 = arith.constant 9984 : i32
        %dma_wait3A_289 = arith.constant 0 : i32
        %dma_wait3A_290 = tpu.memref_slice %arg5[%arg0, %dma_wait3A_288, %dma_wait3A_289] : memref<2x10000x128xf32, #tpu.memory_space<hbm>> -> memref<1x16x128xf32, #tpu.memory_space<hbm>>
        %dma_wait3A_291 = tpu.memref_squeeze %dma_wait3A_290 : memref<1x16x128xf32, #tpu.memory_space<hbm>> -> memref<16x128xf32, #tpu.memory_space<hbm>>
        %dma_wait3A_292 = arith.constant 0 : i32
        %dma_wait3A_293 = arith.constant 0 : i32
        %dma_wait3A_294 = tpu.memref_slice %arg9[%dma_wait3A_292, %dma_wait3A_293] : memref<128x128xf32, #tpu.memory_space<vmem>> -> memref<16x128xf32, #tpu.memory_space<vmem>>
        tpu.wait_dma2 semaphore(%run_scoped3A : memref<!tpu.dma_semaphore, #tpu.memory_space<semaphore_mem>>) src(%dma_wait3A_294 : memref<16x128xf32, #tpu.memory_space<vmem>>) dst(%dma_wait3A_291 : memref<16x128xf32, #tpu.memory_space<hbm>>)
        tpu.yield
      }) : () -> ()
    } else {
    }
    return
  }
}

module attributes {stable_mosaic.version = 14 : i64} {
  func.func @_dense1_body(%arg0: memref<10000x128xf32, #tpu.memory_space<vmem>>, %arg1: memref<2x10000x128xf32, #tpu.memory_space<vmem>>, %arg2: memref<128x128xf32, #tpu.memory_space<vmem>>, %arg3: memref<1x128xf32, #tpu.memory_space<vmem>>, %arg4: memref<1x128xf32, #tpu.memory_space<vmem>>, %arg5: memref<1x128xf32, #tpu.memory_space<vmem>>, %arg6: memref<128x128xf32, #tpu.memory_space<vmem>>, %arg7: memref<1x128xf32, #tpu.memory_space<vmem>>, %arg8: memref<10000x128xf32, #tpu.memory_space<vmem>>) attributes {dimension_semantics = [], scalar_prefetch = 0 : i64, scratch_operands = 0 : i64, tpu.core_type = #tpu.core_type<tc>} {
    %get3A = arith.constant 0 : index
    %get3A_0 = arith.constant 0 : index
    %get3A_1 = vector.load %arg0[%get3A, %get3A_0] : memref<10000x128xf32, #tpu.memory_space<vmem>>, vector<10000x128xf32>
    %get3A_2 = arith.constant 0 : index
    %get3A_3 = arith.constant 0 : index
    %get3A_4 = arith.constant 0 : index
    %get3A_5 = vector.load %arg1[%get3A_2, %get3A_3, %get3A_4] : memref<2x10000x128xf32, #tpu.memory_space<vmem>>, vector<1x10000x128xf32>
    %get3A_6 = vector.shape_cast %get3A_5 : vector<1x10000x128xf32> to vector<10000x128xf32>
    %add3A = arith.addf %get3A_1, %get3A_6 : vector<10000x128xf32>
    %get3A_7 = arith.constant 1 : index
    %get3A_8 = arith.constant 0 : index
    %get3A_9 = arith.constant 0 : index
    %get3A_10 = vector.load %arg1[%get3A_7, %get3A_8, %get3A_9] : memref<2x10000x128xf32, #tpu.memory_space<vmem>>, vector<1x10000x128xf32>
    %get3A_11 = vector.shape_cast %get3A_10 : vector<1x10000x128xf32> to vector<10000x128xf32>
    %add3A_12 = arith.addf %add3A, %get3A_11 : vector<10000x128xf32>
    %get3A_13 = arith.constant 0 : index
    %get3A_14 = arith.constant 0 : index
    %get3A_15 = vector.load %arg2[%get3A_13, %get3A_14] : memref<128x128xf32, #tpu.memory_space<vmem>>, vector<128x128xf32>
    %dot_general3A = arith.constant dense<0.000000e+00> : vector<10000x128xf32>
    %dot_general3A_16 = tpu.matmul %add3A_12, %get3A_15, %dot_general3A {dimension_numbers = #tpu.dot_dimension_numbers<[1], [0], [0], [1], [0, 0, 1, 1], [], []>, transpose_lhs_hint = false} : vector<10000x128xf32>, vector<128x128xf32>, vector<10000x128xf32> -> vector<10000x128xf32>
    %get3A_17 = arith.constant 0 : index
    %get3A_18 = arith.constant 0 : index
    %get3A_19 = vector.load %arg3[%get3A_17, %get3A_18] : memref<1x128xf32, #tpu.memory_space<vmem>>, vector<1x128xf32>
    %add3A_20 = vector.broadcast %get3A_19 : vector<1x128xf32> to vector<10000x128xf32>
    %add3A_21 = arith.addf %dot_general3A_16, %add3A_20 : vector<10000x128xf32>
    %reduce_sum3A = arith.constant dense<0.000000e+00> : vector<128xf32>
    %reduce_sum3A_22 = vector.multi_reduction <add>, %add3A_21, %reduce_sum3A [0] : vector<10000x128xf32> to vector<128xf32>
    %broadcast_in_dim3A = vector.shape_cast %reduce_sum3A_22 : vector<128xf32> to vector<1x128xf32>
    %div3A = arith.constant 1.000000e+04 : f32
    %div3A_23 = vector.broadcast %div3A : f32 to vector<1x128xf32>
    %div3A_24 = arith.divf %broadcast_in_dim3A, %div3A_23 : vector<1x128xf32>
    %sub3A = vector.broadcast %div3A_24 : vector<1x128xf32> to vector<10000x128xf32>
    %sub3A_25 = arith.subf %add3A_21, %sub3A : vector<10000x128xf32>
    %mul3A = arith.mulf %sub3A_25, %sub3A_25 : vector<10000x128xf32>
    %reduce_sum3A_26 = arith.constant dense<0.000000e+00> : vector<128xf32>
    %reduce_sum3A_27 = vector.multi_reduction <add>, %mul3A, %reduce_sum3A_26 [0] : vector<10000x128xf32> to vector<128xf32>
    %broadcast_in_dim3A_28 = vector.shape_cast %reduce_sum3A_27 : vector<128xf32> to vector<1x128xf32>
    %div3A_29 = arith.constant 1.000000e+04 : f32
    %div3A_30 = vector.broadcast %div3A_29 : f32 to vector<1x128xf32>
    %div3A_31 = arith.divf %broadcast_in_dim3A_28, %div3A_30 : vector<1x128xf32>
    %get3A_32 = arith.constant 0 : index
    %get3A_33 = arith.constant 0 : index
    %get3A_34 = vector.load %arg4[%get3A_32, %get3A_33] : memref<1x128xf32, #tpu.memory_space<vmem>>, vector<1x128xf32>
    %mul3A_35 = vector.broadcast %get3A_34 : vector<1x128xf32> to vector<10000x128xf32>
    %mul3A_36 = arith.mulf %mul3A_35, %sub3A_25 : vector<10000x128xf32>
    %add3A_37 = arith.constant 9.99999974E-6 : f32
    %add3A_38 = vector.broadcast %add3A_37 : f32 to vector<1x128xf32>
    %add3A_39 = arith.addf %div3A_31, %add3A_38 : vector<1x128xf32>
    %sqrt3A = math.sqrt %add3A_39 : vector<1x128xf32>
    %div3A_40 = vector.broadcast %sqrt3A : vector<1x128xf32> to vector<10000x128xf32>
    %div3A_41 = arith.divf %mul3A_36, %div3A_40 : vector<10000x128xf32>
    %get3A_42 = arith.constant 0 : index
    %get3A_43 = arith.constant 0 : index
    %get3A_44 = vector.load %arg5[%get3A_42, %get3A_43] : memref<1x128xf32, #tpu.memory_space<vmem>>, vector<1x128xf32>
    %add3A_45 = vector.broadcast %get3A_44 : vector<1x128xf32> to vector<10000x128xf32>
    %add3A_46 = arith.addf %div3A_41, %add3A_45 : vector<10000x128xf32>
    %max3A = arith.constant 0.000000e+00 : f32
    %max3A_47 = vector.broadcast %max3A : f32 to vector<10000x128xf32>
    %max3A_48 = arith.maximumf %add3A_46, %max3A_47 : vector<10000x128xf32>
    %get3A_49 = arith.constant 0 : index
    %get3A_50 = arith.constant 0 : index
    %get3A_51 = vector.load %arg6[%get3A_49, %get3A_50] : memref<128x128xf32, #tpu.memory_space<vmem>>, vector<128x128xf32>
    %dot_general3A_52 = arith.constant dense<0.000000e+00> : vector<10000x128xf32>
    %dot_general3A_53 = tpu.matmul %max3A_48, %get3A_51, %dot_general3A_52 {dimension_numbers = #tpu.dot_dimension_numbers<[1], [0], [0], [1], [0, 0, 1, 1], [], []>, transpose_lhs_hint = false} : vector<10000x128xf32>, vector<128x128xf32>, vector<10000x128xf32> -> vector<10000x128xf32>
    %get3A_54 = arith.constant 0 : index
    %get3A_55 = arith.constant 0 : index
    %get3A_56 = vector.load %arg7[%get3A_54, %get3A_55] : memref<1x128xf32, #tpu.memory_space<vmem>>, vector<1x128xf32>
    %add3A_57 = vector.broadcast %get3A_56 : vector<1x128xf32> to vector<10000x128xf32>
    %add3A_58 = arith.addf %dot_general3A_53, %add3A_57 : vector<10000x128xf32>
    %max3A_59 = arith.constant 0.000000e+00 : f32
    %max3A_60 = vector.broadcast %max3A_59 : f32 to vector<10000x128xf32>
    %max3A_61 = arith.maximumf %add3A_58, %max3A_60 : vector<10000x128xf32>
    %swap3A = arith.constant 0 : index
    %swap3A_62 = arith.constant 0 : index
    %swap3A_63 = vector.load %arg8[%swap3A, %swap3A_62] : memref<10000x128xf32, #tpu.memory_space<vmem>>, vector<10000x128xf32>
    tpu.vector_store %arg8[%swap3A, %swap3A_62], %max3A_61 {strides = array<i32>} : memref<10000x128xf32, #tpu.memory_space<vmem>>, vector<10000x128xf32>,
    return
  }
}

module attributes {stable_mosaic.version = 14 : i64} {
  func.func @_pool_head_body(%arg0: memref<10000x128xf32, #tpu.memory_space<vmem>>, %arg1: memref<10000x128xf32, #tpu.memory_space<vmem>>, %arg2: memref<10000x1xi32, #tpu.memory_space<vmem>>, %arg3: memref<512x512xf32, #tpu.memory_space<vmem>>, %arg4: memref<1x512xf32, #tpu.memory_space<vmem>>, %arg5: memref<512x1xf32, #tpu.memory_space<vmem>>, %arg6: memref<1x1xf32, #tpu.memory_space<vmem>>, %arg7: memref<64x1xf32, #tpu.memory_space<vmem>>, %arg8: memref<64x1xf32, #tpu.memory_space<vmem>>) attributes {dimension_semantics = [], scalar_prefetch = 0 : i64, scratch_operands = 0 : i64, tpu.core_type = #tpu.core_type<tc>} {
    %get3A = arith.constant 0 : index
    %get3A_0 = arith.constant 0 : index
    %get3A_1 = vector.load %arg0[%get3A, %get3A_0] : memref<10000x128xf32, #tpu.memory_space<vmem>>, vector<10000x128xf32>
    %get3A_2 = arith.constant 0 : index
    %get3A_3 = arith.constant 0 : index
    %get3A_4 = vector.load %arg1[%get3A_2, %get3A_3] : memref<10000x128xf32, #tpu.memory_space<vmem>>, vector<10000x128xf32>
    %get3A_5 = arith.constant 0 : index
    %get3A_6 = arith.constant 0 : index
    %get3A_7 = vector.load %arg2[%get3A_5, %get3A_6] : memref<10000x1xi32, #tpu.memory_space<vmem>>, vector<10000x1xi32>
    %iota3A = tpu.iota {dimensions = array<i32: 1>} : vector<1x64xi32>
    %eq3A = vector.broadcast %get3A_7 : vector<10000x1xi32> to vector<10000x64xi32>
    %eq3A_8 = vector.broadcast %iota3A : vector<1x64xi32> to vector<10000x64xi32>
    %eq3A_9 = arith.cmpi eq, %eq3A, %eq3A_8 : vector<10000x64xi32>
    %convert_element_type3A = arith.extui %eq3A_9 : vector<10000x64xi1> to vector<10000x64xi32>
    %convert_element_type3A_10 = arith.sitofp %convert_element_type3A : vector<10000x64xi32> to vector<10000x64xf32>
    %dot_general3A = arith.constant dense<0.000000e+00> : vector<64x128xf32>
    %dot_general3A_11 = tpu.matmul %convert_element_type3A_10, %get3A_1, %dot_general3A {dimension_numbers = #tpu.dot_dimension_numbers<[0], [0], [1], [1], [0, 1, 1, 1], [], []>, precision = #tpu.contract_precision<fp32>, transpose_lhs_hint = false} : vector<10000x64xf32>, vector<10000x128xf32>, vector<64x128xf32> -> vector<64x128xf32>
    %dot_general3A_12 = arith.constant dense<0.000000e+00> : vector<64x128xf32>
    %dot_general3A_13 = tpu.matmul %convert_element_type3A_10, %get3A_4, %dot_general3A_12 {dimension_numbers = #tpu.dot_dimension_numbers<[0], [0], [1], [1], [0, 1, 1, 1], [], []>, precision = #tpu.contract_precision<fp32>, transpose_lhs_hint = false} : vector<10000x64xf32>, vector<10000x128xf32>, vector<64x128xf32> -> vector<64x128xf32>
    %iota3A_14 = tpu.iota {dimensions = array<i32: 0>} : vector<64x1xi32>
    %broadcast_in_dim3A = arith.constant 0xFF800000 : f32
    %broadcast_in_dim3A_15 = vector.broadcast %broadcast_in_dim3A : f32 to vector<64x128xf32>
    %broadcast_in_dim3A_16 = arith.constant 0xFF800000 : f32
    %broadcast_in_dim3A_17 = vector.broadcast %broadcast_in_dim3A_16 : f32 to vector<64x128xf32>
    %scan3A = arith.constant 0xFF800000 : f32
    %scan3A_18 = arith.constant 0 : i32
    %scan3A_19 = arith.constant 64 : i32
    %scan3A_20 = arith.addi %scan3A_18, %scan3A_19 : i32
    %scan3A_21 = arith.constant 1 : i32
    %scan3A_22:2 = scf.for %scan3A_55 = %scan3A_18 to %scan3A_20 step %scan3A_21 iter_args(%scan3A_56 = %broadcast_in_dim3A_15, %scan3A_57 = %broadcast_in_dim3A_17) -> (vector<64x128xf32>, vector<64x128xf32>)  : i32 {
      %eq3A_58 = vector.broadcast %scan3A_55 : i32 to vector<10000x1xi32>
      %eq3A_59 = arith.cmpi eq, %get3A_7, %eq3A_58 : vector<10000x1xi32>
      %broadcast_in_dim3A_60 = vector.shape_cast %eq3A_59 : vector<10000x1xi1> to vector<10000x1xi1>
      %broadcast_in_dim3A_61 = vector.broadcast %broadcast_in_dim3A_60 : vector<10000x1xi1> to vector<10000x128xi1>
      %broadcast_in_dim3A_62 = vector.broadcast %scan3A : f32 to vector<10000x128xf32>
      %select_n3A = arith.select %broadcast_in_dim3A_61, %get3A_1, %broadcast_in_dim3A_62 : vector<10000x128xi1>, vector<10000x128xf32>
      %reduce_max3A = arith.constant dense<0xFF800000> : vector<128xf32>
      %reduce_max3A_63 = vector.multi_reduction <maximumf>, %select_n3A, %reduce_max3A [0] : vector<10000x128xf32> to vector<128xf32>
      %broadcast_in_dim3A_64 = vector.shape_cast %reduce_max3A_63 : vector<128xf32> to vector<1x128xf32>
      %broadcast_in_dim3A_65 = vector.shape_cast %eq3A_59 : vector<10000x1xi1> to vector<10000x1xi1>
      %broadcast_in_dim3A_66 = vector.broadcast %broadcast_in_dim3A_65 : vector<10000x1xi1> to vector<10000x128xi1>
      %broadcast_in_dim3A_67 = vector.broadcast %scan3A : f32 to vector<10000x128xf32>
      %select_n3A_68 = arith.select %broadcast_in_dim3A_66, %get3A_4, %broadcast_in_dim3A_67 : vector<10000x128xi1>, vector<10000x128xf32>
      %reduce_max3A_69 = arith.constant dense<0xFF800000> : vector<128xf32>
      %reduce_max3A_70 = vector.multi_reduction <maximumf>, %select_n3A_68, %reduce_max3A_69 [0] : vector<10000x128xf32> to vector<128xf32>
      %broadcast_in_dim3A_71 = vector.shape_cast %reduce_max3A_70 : vector<128xf32> to vector<1x128xf32>
      %eq3A_72 = vector.broadcast %scan3A_55 : i32 to vector<64x1xi32>
      %eq3A_73 = arith.cmpi eq, %iota3A_14, %eq3A_72 : vector<64x1xi32>
      %broadcast_in_dim3A_74 = vector.shape_cast %eq3A_73 : vector<64x1xi1> to vector<64x1xi1>
      %broadcast_in_dim3A_75 = vector.broadcast %broadcast_in_dim3A_74 : vector<64x1xi1> to vector<64x128xi1>
      %broadcast_in_dim3A_76 = vector.shape_cast %broadcast_in_dim3A_64 : vector<1x128xf32> to vector<1x128xf32>
      %broadcast_in_dim3A_77 = vector.broadcast %broadcast_in_dim3A_76 : vector<1x128xf32> to vector<64x128xf32>
      %select_n3A_78 = arith.select %broadcast_in_dim3A_75, %broadcast_in_dim3A_77, %scan3A_56 : vector<64x128xi1>, vector<64x128xf32>
      %broadcast_in_dim3A_79 = vector.shape_cast %eq3A_73 : vector<64x1xi1> to vector<64x1xi1>
      %broadcast_in_dim3A_80 = vector.broadcast %broadcast_in_dim3A_79 : vector<64x1xi1> to vector<64x128xi1>
      %broadcast_in_dim3A_81 = vector.shape_cast %broadcast_in_dim3A_71 : vector<1x128xf32> to vector<1x128xf32>
      %broadcast_in_dim3A_82 = vector.broadcast %broadcast_in_dim3A_81 : vector<1x128xf32> to vector<64x128xf32>
      %select_n3A_83 = arith.select %broadcast_in_dim3A_80, %broadcast_in_dim3A_82, %scan3A_57 : vector<64x128xi1>, vector<64x128xf32>
      scf.yield %select_n3A_78, %select_n3A_83 : vector<64x128xf32>, vector<64x128xf32>
    }
    %scan3A_23 = arith.constant 64 : i32
    %concatenate3A = tpu.concatenate %dot_general3A_11, %dot_general3A_13, %scan3A_22#0, %scan3A_22#1 in 1 : vector<64x128xf32>, vector<64x128xf32>, vector<64x128xf32>, vector<64x128xf32> -> vector<64x512xf32>
    %get3A_24 = arith.constant 0 : index
    %get3A_25 = arith.constant 0 : index
    %get3A_26 = vector.load %arg3[%get3A_24, %get3A_25] : memref<512x512xf32, #tpu.memory_space<vmem>>, vector<512x512xf32>
    %dot_general3A_27 = arith.constant dense<0.000000e+00> : vector<64x512xf32>
    %dot_general3A_28 = tpu.matmul %concatenate3A, %get3A_26, %dot_general3A_27 {dimension_numbers = #tpu.dot_dimension_numbers<[1], [0], [0], [1], [0, 0, 1, 1], [], []>, transpose_lhs_hint = false} : vector<64x512xf32>, vector<512x512xf32>, vector<64x512xf32> -> vector<64x512xf32>
    %get3A_29 = arith.constant 0 : index
    %get3A_30 = arith.constant 0 : index
    %get3A_31 = vector.load %arg4[%get3A_29, %get3A_30] : memref<1x512xf32, #tpu.memory_space<vmem>>, vector<1x512xf32>
    %add3A = vector.broadcast %get3A_31 : vector<1x512xf32> to vector<64x512xf32>
    %add3A_32 = arith.addf %dot_general3A_28, %add3A : vector<64x512xf32>
    %max3A = arith.constant 0.000000e+00 : f32
    %max3A_33 = vector.broadcast %max3A : f32 to vector<64x512xf32>
    %max3A_34 = arith.maximumf %add3A_32, %max3A_33 : vector<64x512xf32>
    %get3A_35 = arith.constant 0 : index
    %get3A_36 = arith.constant 0 : index
    %get3A_37 = vector.load %arg5[%get3A_35, %get3A_36] : memref<512x1xf32, #tpu.memory_space<vmem>>, vector<512x1xf32>
    %dot_general3A_38 = arith.constant dense<0.000000e+00> : vector<64x1xf32>
    %dot_general3A_39 = tpu.matmul %max3A_34, %get3A_37, %dot_general3A_38 {dimension_numbers = #tpu.dot_dimension_numbers<[1], [0], [0], [1], [0, 0, 1, 1], [], []>, transpose_lhs_hint = false} : vector<64x512xf32>, vector<512x1xf32>, vector<64x1xf32> -> vector<64x1xf32>
    %get3A_40 = arith.constant 0 : index
    %get3A_41 = arith.constant 0 : index
    %get3A_42 = vector.load %arg6[%get3A_40, %get3A_41] : memref<1x1xf32, #tpu.memory_space<vmem>>, vector<1x1xf32>
    %add3A_43 = vector.broadcast %get3A_42 : vector<1x1xf32> to vector<64x1xf32>
    %add3A_44 = arith.addf %dot_general3A_39, %add3A_43 : vector<64x1xf32>
    %swap3A = arith.constant 0 : index
    %swap3A_45 = arith.constant 0 : index
    %swap3A_46 = vector.load %arg8[%swap3A, %swap3A_45] : memref<64x1xf32, #tpu.memory_space<vmem>>, vector<64x1xf32>
    tpu.vector_store %arg8[%swap3A, %swap3A_45], %add3A_44 {strides = array<i32>} : memref<64x1xf32, #tpu.memory_space<vmem>>, vector<64x1xf32>,
    %logistic3A = arith.negf %add3A_44 : vector<64x1xf32>
    %logistic3A_47 = math.exp %logistic3A : vector<64x1xf32>
    %logistic3A_48 = arith.constant 1.000000e+00 : f32
    %logistic3A_49 = vector.broadcast %logistic3A_48 : f32 to vector<64x1xf32>
    %logistic3A_50 = arith.addf %logistic3A_49, %logistic3A_47 : vector<64x1xf32>
    %logistic3A_51 = arith.divf %logistic3A_49, %logistic3A_50 : vector<64x1xf32>
    %swap3A_52 = arith.constant 0 : index
    %swap3A_53 = arith.constant 0 : index
    %swap3A_54 = vector.load %arg7[%swap3A_52, %swap3A_53] : memref<64x1xf32, #tpu.memory_space<vmem>>, vector<64x1xf32>
    tpu.vector_store %arg7[%swap3A_52, %swap3A_53], %logistic3A_51 {strides = array<i32>} : memref<64x1xf32, #tpu.memory_space<vmem>>, vector<64x1xf32>,
    return
  }
}

</mosaic_0001>

<sc_bundles>
// kernel: kernel.10.cloned.1.call-start
scs
__scs_entry_jumppad:
0x0: {  	(pc) =	sbr.rel $0x88, $3  }
0x1: {  	(tag) =	ssettag $0x0;
	lr =	simm.s32 $0x1  }
0x2: {  	[smem:$0x3F8E] =	sst lr;
	_ =	strace $0xD0000000  }
0x3: {  	_ = 	snop  }
0x4: {  	_ = 	snop  }
0x5: {  	_ = 	snop  }
0x6: {  	_ = 	snop  }
0x7: {  	_ = 	snop  }
__scs_overlays_trampoline_lowered:
0x8: {  	[smem:$0x3F9D] =	sst s0  }
0x9: {  	[smem:$0x3F9E] =	sst s1  }
0xa: {  	[smem:$0x3F9F] =	sst s2  }
0xb: {  	[smem:$0x3FA0] =	sst s3  }
0xc: {  	[smem:$0x3FA1] =	sst s4  }
0xd: {  	[smem:$0x3FA2] =	sst s5  }
0xe: {  	[smem:$0x3FA3] =	sst s6  }
0xf: {  	[smem:$0x3FA4] =	sst s7  }
0x10: {  	[smem:$0x3FA5] =	sst s8  }
0x11: {  	[smem:$0x3FA6] =	sst s9;
	s0 =	simm.s32 @!p0 $0x0  }
0x12: {  	s1 =	sld [smem:$0x3F8C];
	s0 =	simm.s32 @p0 $0x1  }
0x13: {  	[smem:$0x3FA7] =	sst s0;
	s0 =	simm.s32 @!p1 $0x0  }
0x14: {  	s2 =	sld [smem:$0x3F8B];
	s0 =	simm.s32 @p1 $0x1  }
0x15: {  	[smem:$0x3FA8] =	sst s0;
	s0 =	simm.s32 @!p2 $0x0  }
0x16: {  	s3 =	sld [smem:$0x3FDB];
	s0 =	simm.s32 @p2 $0x1  }
0x17: {  	s4 =	simm.s32 $0x1BF5;
	[smem:$0x3FAA] =	sst s0  }
0x18: {  	s0 =	sld [smem:$0x3F8D];
	_ =	swait.ge [sflag:s4], $0x0  }
0x19: {  	s7 =	sld [smem:$0x3F8E]  }
0x1a: {  	s8 =	sadd.s32 $0xFFFFE003, lr  }
0x1b: {  	s9 =	sadd.s32 $0xFFFFFEF7, lr;
	s5 =	simm.s32 $0xFFFFFFFF;
	p2 =	slt.u32 s8, $0xFFFFF086  }
0x1c: {  	p1 =	slt.u32 s9, $0xF7A;
	s5 =	simm.s32 @!p2 $0x0  }
0x1d: {  	s5 =	simm.s32 @p1 $0x1;
	p0 =	seq.s32 s7, s2  }
0x1e: {  	s7 =	smul.u32 @!p0 $0xF7A, s2;
	p2 =	seq.s32 @!p0 s5, $0x0  }
0x1f: {  	s9 =	smul.u32 $0xF7A, s1;
	s8 =	simm.s32 @!p0 $0x1BF5;
	p2 =	por !p2, p0  }
0x20: {  	[sflag:s8] =	ssyncset.s32 @!p0 $0xFFFFF086;
	s6 =	sadd.s32 @!p0 s3, s7;
	s7 =	simm.s32 @!p0 $0x108  }
0x21: {  	s3 =	sadd.s32 s3, s9;
	s6 =	sadd.s32 @!p0 $0x88, s6;
	s7 =	simm.s32 @p2 $0x1082  }
0x22: {  	[simem:s7], [sflag:s8] =	dma.local @!p0 [hbm:s6], $0xF7A  }
0x23: {  	s9 =	sor.u32 $0xD0000000, s2;
	s6 =	simm.s32 $0x108;
	_ =	swait.ge @!p0 [sflag:s8], $0x0  }
0x24: {  	s3 =	sadd.s32 $0x88, s3;
	s6 =	simm.s32 @!p1 $0x1082;
	[sflag:s4] =	ssyncset.s32 $0xFFFFF086  }
0x25: {  	[simem:s6], [sflag:s4] =	dma.local [hbm:s3], $0xF7A  }
0x26: {  	[smem:$0x3F8E] =	sst s1;
	(tag) =	ssettag s2;
	_ =	strace s9  }
0x27: {  	s1 =	sld [smem:$0x3F9E]  }
0x28: {  	s2 =	sld [smem:$0x3F9F]  }
0x29: {  	s4 =	sld [smem:$0x3FA1]  }
0x2a: {  	p0 =	seq.s32 s5, $0x0;
	s5 =	sld [smem:$0x3FA2]  }
0x2b: {  	s6 =	sld [smem:$0x3FA3]  }
0x2c: {  	s7 =	sld [smem:$0x3FA4]  }
0x2d: {  	s3 =	simm.s32 $0x108;
	s8 =	sld [smem:$0x3FA5]  }
0x2e: {  	s3 =	simm.s32 @!p0 $0x1082;
	s9 =	sld [smem:$0x3FA6]  }
0x2f: {  	lr =	sadd.s32 s0, s3;
	s0 =	sld [smem:$0x3F9D]  }
0x30: {  	s3 =	sld [smem:$0x3FA0]  }
0x31: {  	[smem:$0x3FA9] =	sst s10  }
0x32: {  	s10 =	sld [smem:$0x3FA7];
	_ =	sdelay $0x3  }
0x33: {  	p0 =	seq.s32 s10, $0x1;
	s10 =	sld [smem:$0x3FA9];
	_ =	sdelay $0x3  }
0x34: {  	[smem:$0x3FA9] =	sst s10  }
0x35: {  	s10 =	sld [smem:$0x3FA8];
	_ =	sdelay $0x3  }
0x36: {  	p1 =	seq.s32 s10, $0x1;
	s10 =	sld [smem:$0x3FA9];
	_ =	sdelay $0x3  }
0x37: {  	[smem:$0x3FA9] =	sst s10  }
0x38: {  	s10 =	sld [smem:$0x3FAA]  }
0x39: {  	_ = 	snop;
	(pc) =	sbr.ind lr, $3  }
0x3a: {  	_ = 	snop  }
0x3b: {  	_ = 	snop  }
0x3c: {  	p2 =	seq.s32 s10, $0x1;
	s10 =	sld [smem:$0x3FA9]  }
0x3d: {  	_ =	shalt  }
0x3e: {  	_ =	shalt  }
0x3f: {  	_ =	shalt  }
0x40: {  	_ =	shalt  }
0x41: {  	_ =	shalt  }
0x42: {  	_ =	shalt  }
0x43: {  	_ =	shalt  }
0x44: {  	_ =	shalt  }
0x45: {  	_ =	shalt  }
0x46: {  	_ =	shalt  }
0x47: {  	_ =	shalt  }
0x48: {  	_ =	shalt  }
0x49: {  	_ =	shalt  }
0x4a: {  	_ =	shalt  }
0x4b: {  	_ =	shalt  }
0x4c: {  	_ =	shalt  }
0x4d: {  	_ =	shalt  }
0x4e: {  	_ =	shalt  }
0x4f: {  	_ =	shalt  }
0x50: {  	_ =	shalt  }
0x51: {  	_ =	shalt  }
0x52: {  	_ =	shalt  }
0x53: {  	_ =	shalt  }
0x54: {  	_ =	shalt  }
0x55: {  	_ =	shalt  }
0x56: {  	_ =	shalt  }
0x57: {  	_ =	shalt  }
0x58: {  	_ =	shalt  }
0x59: {  	_ =	shalt  }
0x5a: {  	_ =	shalt  }
0x5b: {  	_ =	shalt  }
0x5c: {  	_ =	shalt  }
0x5d: {  	_ =	shalt  }
0x5e: {  	_ =	shalt  }
0x5f: {  	_ =	shalt  }
0x60: {  	_ =	shalt  }
0x61: {  	_ =	shalt  }
0x62: {  	_ =	shalt  }
0x63: {  	_ =	shalt  }
0x64: {  	_ =	shalt  }
0x65: {  	_ =	shalt  }
0x66: {  	_ =	shalt  }
0x67: {  	_ =	shalt  }
0x68: {  	_ =	shalt  }
0x69: {  	_ =	shalt  }
0x6a: {  	_ =	shalt  }
0x6b: {  	_ =	shalt  }
0x6c: {  	_ =	shalt  }
0x6d: {  	_ =	shalt  }
0x6e: {  	_ =	shalt  }
0x6f: {  	_ =	shalt  }
0x70: {  	_ =	shalt  }
0x71: {  	_ =	shalt  }
0x72: {  	_ =	shalt  }
0x73: {  	_ =	shalt  }
0x74: {  	_ =	shalt  }
0x75: {  	_ =	shalt  }
0x76: {  	_ =	shalt  }
0x77: {  	_ =	shalt  }
0x78: {  	_ =	shalt  }
0x79: {  	_ =	shalt  }
0x7a: {  	_ =	shalt  }
0x7b: {  	_ =	shalt  }
0x7c: {  	_ =	shalt  }
0x7d: {  	_ =	shalt  }
0x7e: {  	_ =	shalt  }
0x7f: {  	_ =	shalt  }
0x80: {  	_ =	shalt  }
0x81: {  	_ =	shalt  }
0x82: {  	_ =	shalt  }
0x83: {  	_ =	shalt  }
0x84: {  	_ =	shalt  }
0x85: {  	_ =	shalt  }
0x86: {  	_ =	shalt  }
0x87: {  	_ =	shalt  }
.Lfunc_end0:
.L_simem_size_0:
called_computation.1_lowered:
.L_overlay_start_0:
0x88: {  	s2 =	sld [smem:$0x3FD9]  }
0x89: {  	s3 =	sld [smem:$0x3FFE];
	_ =	sdelay $0x1  }
0x8a: {  	s1 =	srdreg.scid  }
0x8b: {  	s0 =	sand.u32 $0x1, s1  }
0x8c: {  	s16 =	sshll.u32 s0, $0xA;
	s2 =	sadd.s32 s3, s2  }
0x8d: {  	s2 =	sadd.s32 s2, s16  }
0x8e: {  	[smem:$0x3FB5] =	sst s2  }
0x8f: {  	_ = 	snop  }
0x90: {  	(tm) =	ssettm $0x1  }
0x91: {  	s17 =	sld [smem:$0x3FFB];
	_ =	sdelay $0x3  }
0x92: {  	_ =	strace s17  }
0x93: {  	s2 =	sld [smem:$0x3FFC];
	_ =	sdelay $0x3  }
0x94: {  	_ =	strace s2  }
0x95: {  	s2 =	sld [smem:$0x3FFD];
	_ =	sdelay $0x3  }
0x96: {  	_ =	strace s2  }
0x97: {  	_ =	strace $0x8FFFFFFF  }
0x98: {  	s18 =	sld [smem:$0x3FDB];
	_ =	sdelay $0x1  }
0x99: {  	s19 =	simm.s32 $_scs_section_size  }
0x9a: {  	s4 =	simm.s32 $_size__tile_overlayer_lowered;
	s5 =	simm.s32 $_tile_overlayer_lowered  }
0x9b: {  	s22 =	simm.s32 $0x1BFF;
	s21 =	sshll.u32 s5, $0x1;
	s2 =	sadd.s32 s19, s18  }
0x9c: {  	s6 =	simm.s32 $0x0;
	s20 =	sshll.u32 s4, $0x1;
	s4 =	sadd.s32 s21, s2  }
0x9d: {  	[timem:s6], [sflag:s22] =	dma.local [hbm:s4], s20  }
0x9e: {  	_ =	swait.ge [sflag:s22], s20  }
0x9f: {  	s3 =	ssub.s32 $0x0, s20;
	[sflag:s22] =	ssyncset.done $0x0  }
0xa0: {  	[sflag:s22] =	ssyncadd.s32 s3;
	_ =	sdelay $0x1  }
0xa1: {  	s23 =	simm.s32 $0x1B8B  }
0xa2: {  	_ =	swait.ge [sflag:s23], $0x1  }
0xa3: {  	[sflag:s23] =	ssyncset.done $0x0  }
0xa4: {  	s25 =	simm.s32 $0x1B8E;
	s24 =	sld [smem:$0x3FFE];
	[sflag:s23] =	ssyncadd.s32 $0xFFFFFFFF  }
0xa5: {  	s26 =	simm.s32 $execute0_lowered;
	[smem:$0x3FD2] =	sst s25  }
0xa6: {  	s4 =	sshll.u32 s26, $0x1;
	_ =	strace $0x80000049;
	[dreg:$0x1] =	wrdreg $0xFFFFFFFF  }
0xa7: {  	s28 =	simm.s32 $_size_execute0_lowered;
	s2 =	sadd.s32 s2, s4;
	[dreg:$0x0] =	wrdreg $0x0  }
0xa8: {  	s4 =	sshll.u32 s28, $0x1;
	[dreg:$0x2] =	wrdreg s2  }
0xa9: {  	[dreg:$0x3] =	wrdreg s4  }
0xaa: {  	[dreg:$0x4] =	wrdreg $0xC0  }
0xab: {  	_ =	task [dreg:s6], $0x5FFFF  }
0xac: {  	[dreg:$0x1] =	wrdreg $0xFFFFFFFF  }
0xad: {  	[dreg:$0x0] =	wrdreg $0x60  }
0xae: {  	[dreg:$0x2] =	wrdreg s24  }
0xaf: {  	[dreg:$0x3] =	wrdreg $0xA9000  }
0xb0: {  	[dreg:$0x4] =	wrdreg $0x9  }
0xb1: {  	_ =	task.clear_ibuf [dreg:s6], $0x5FFFF;
	_ =	strace $0x90000049  }
0xb2: {  	s29 =	simm.s32 $0x9;
	_ =	strace $0x8000004B  }
0xb3: {  	_ =	swait.ge [sflag:s29], $0x1  }
0xb4: {  	[sflag:s29] =	ssyncadd.s32 $0xFFFFFFFF  }
0xb5: {  	_ =	strace $0x9000004B  }
0xb6: {  	_ =	sfence  }
0xb7: {  	s30 =	sld [smem:$0x0];
	_ =	sdelay $0x2  }
0xb8: {  	s31 =	sshll.u32 s1, $0xD;
	s1 =	sshrl.u32 s1, $0x2  }
0xb9: {  	s3 =	sand.u32 $0x4000, s31;
	s1 =	sadd.s32 s1, s30  }
0xba: {  	s0 =	sor.u32 s3, s0;
	s1 =	sshll.u32 s1, $0x11  }
0xbb: {  	s0 =	sor.u32 s1, s0  }
0xbc: {  	s0 =	sadd.s32 $0x8F2B, s0  }
0xbd: {  	[sflag:s0] =	ssyncadd.remote.s32 $0x1  }
0xbe: {  	_ =	sfence.sel $0xFFFF  }
0xbf: {  	[dreg:$0x0] =	wrdreg $0xFFFFFFFF;
	(pc) =	sbr.abs _section_cstart, $3  }
0xc0: {  	[dreg:$0x1] =	wrdreg $0xFFFFFFFF  }
0xc1: {  	_ =	task.clear_ibuf [dreg:s6], $0x2FFFF;
	_ =	strace $0x9FFFFFFF  }
0xc2: {  	(tm) =	ssettm $0x7FFFFFFF  }
0xc3: {  	_ =	shalt  }
tec
execute0_lowered:
.L_overlay_start_1:
0x0: {  	(tag) =	ssettag $0x1  }
0x1: {  	s0 =	srdreg.scid;
	s6 =	rddreg [dreg:$0x0]  }
0x2: {  	s7 =	stileid.u32;
	s1 =	rddreg [dreg:$0x1];
	s0 =	sand.u32 $0x1, s0  }
0x3: {  	s2 =	sshll.u32 s7, $0x1;
	s4 =	sadd.s32 $0x17200, s6;
	s10 =	smul.u32 $0x50000, s7  }
0x4: {  	s5 =	sadd.s32 $0xD200, s6;
	s11 =	sadd.s32 $0x3E400, s6;
	s26 =	smul.u32 $0x13800, s7  }
0x5: {  	s3 =	sor.u32 s0, s2;
	s25 =	ssub.s32 $0x2, s0;
	s0 =	smul.u32 $0x138800, s0  }
0x6: {  	p0 =	sne.s32 s7, $0x0;
	s2 =	simm.s32 $0x0;
	s3 =	smul.u32 $0x2800, s3  }
0x7: {  	[smem:$0x7FF] =	sst s2;
	s12 =	sshrl.u32 s25, $0x1;
	s10 =	sshrl.u32 s10, $0x2  }
0x8: {  	s14 =	sadd.s32 $0x3400, s26;
	s15 =	sadd.s32 $0x6800, s26;
	_ =	strace $0x8000004A  }
0x9: {  	s12 =	ssub.s32 s25, s12;
	s13 =	sadd.s32 s26, s0;
	s16 =	sadd.s32 s0, s14  }
0xa: {  	s17 =	sadd.s32 s0, s15;
	s8 =	sshrl.u32 s3, $0x3;
	s13 =	sshrl.u32 s13, $0x3  }
0xb: {  	s19 =	sshrl.u32 s16, $0x3;
	s20 =	sshrl.u32 s17, $0x3;
	s9 =	sadd.s32 s8, s6  }
0xc: {  	s6 =	sadd.s32 s10, s1;
	s13 =	sadd.s32 s11, s13;
	s21 =	sadd.s32 s11, s20  }
0xd: {  	s10 =	sadd.s32 $0x10400, s26;
	s8 =	sadd.s32 s5, s8;
	s20 =	sadd.s32 s14, s1  }
0xe: {  	s14 =	simm.s32 $0x5;
	s9 =	sadd.s32 $0x3200, s9;
	[dreg:$0x5] =	wrdreg s13  }
0xf: {  	s18 =	sadd.s32 $0x2800, s6;
	s13 =	sadd.s32 s11, s19;
	[dreg:$0x7] =	wrdreg s21  }
0x10: {  	s19 =	sadd.s32 s0, s10;
	s17 =	sadd.s32 $0x7800, s6;
	[dreg:$0xe] =	wrdreg s20  }
0x11: {  	s21 =	sadd.s32 s15, s1;
	s28 =	sadd.s32 $0xC800, s6;
	s29 =	sadd.s32 $0xF000, s6  }
0x12: {  	s30 =	sadd.s32 $0x11800, s6;
	s31 =	sadd.s32 $0x10, s8;
	[dreg:$0x3] =	wrdreg s9  }
0x13: {  	s15 =	simm.s32 $0x2;
	s20 =	simm.s32 $0x0;
	[dreg:$0x4] =	wrdreg s18  }
0x14: {  	s9 =	smul.u32 $0x4E000, s7;
	[dreg:$0x6] =	wrdreg s13;
	s13 =	sadd.s32 $0x9C00, s26  }
0x15: {  	s18 =	sadd.s32 $0xD000, s26;
	s25 =	sshrl.u32 s19, $0x3;
	[dreg:$0xc] =	wrdreg s17  }
0x16: {  	[dreg:$0xf] =	wrdreg s21;
	s22 =	sadd.s32 s0, s13;
	s23 =	sadd.s32 s0, s18  }
0x17: {  	s26 =	sadd.s32 s11, s25;
	s0 =	sshrl.u32 s0, $0x3;
	s25 =	smax.u32 s12, $0x1  }
0x18: {  	s12 =	simm.s32 $0x6900;
	s16 =	sshrl.u32 s22, $0x3;
	s24 =	sshrl.u32 s23, $0x3  }
0x19: {  	[dreg:$0xa] =	wrdreg s26;
	s0 =	sadd.s32 s11, s0;
	s19 =	sshrl.u32 s9, $0x2  }
0x1a: {  	s22 =	sadd.s32 s13, s1;
	s23 =	sadd.s32 s18, s1;
	[dreg:$0x14] =	wrdreg s25  }
0x1b: {  	s26 =	sadd.s32 $0xA000, s6;
	s9 =	simm.s32 $0x2800;
	[dreg:$0x10] =	wrdreg s22  }
0x1c: {  	s13 =	simm.s32 $0x1;
	s18 =	simm.s32 $0x3;
	[dreg:$0x11] =	wrdreg s23  }
0x1d: {  	s16 =	sadd.s32 s11, s16;
	s7 =	sadd.s32 s19, s1;
	[dreg:$0x15] =	wrdreg s26  }
0x1e: {  	s0 =	sadd.s32 $0x27000, s0;
	s26 =	smov.u32 s8;
	[dreg:$0x8] =	wrdreg s16  }
0x1f: {  	s8 =	simm.s32 $0x2900;
	s19 =	simm.s32 $0x4;
	[dreg:$0xd] =	wrdreg s7  }
0x20: {  	s16 =	sadd.s32 s11, s24;
	s24 =	sadd.s32 s10, s1;
	[dreg:$0x13] =	wrdreg s0  }
0x21: {  	s0 =	sadd.s32 $0x138000, s1;
	s7 =	simm.s32 $0x7;
	[dreg:$0x9] =	wrdreg s16  }
0x22: {  	s10 =	simm.s32 $0x80;
	s16 =	sadd.s32 $0x5000, s6;
	[dreg:$0x12] =	wrdreg s24  }
0x23: {  	v0 =	vimm.f32 $0.0e+00;
	s11 =	simm.s32 $0x2880;
	[dreg:$0xb] =	wrdreg s16;
	s16 =	simm.s32 $0x6  }
.LBB2_1:
0x24: {  	s17 =	rddreg [dreg:$0x3]  }
0x25: {  	[tilespmem:s2], [sflag:$0x7] =	stream.linear.gather [hbm4b:s17+s2], $0x2800, $0x38;
	[tilespmem:$0x1E900] =	vst v63  }
0x26: {  	_ =	swait.ge [sflag:s7], $0x2800  }
0x27: {  	[sflag:s7] =	ssyncset.done $0x0  }
0x28: {  	s21 =	simm.s32 $0x70;
	s22 =	simm.s32 $0x3C0;
	[sflag:s7] =	ssyncadd.s32 $0xFFFFD800  }
.LBB2_2:
0x29: {  	p1 =	sne.s32 s22, $0x9FC0;
	[tilespmem:s21+$0x2900] =	vst v0  }
0x2a: {  	[tilespmem:s21+$0x2890] =	vst v0  }
0x2b: {  	[tilespmem:s21+$0x28A0] =	vst v0  }
.Ltmp0:
0x2c: {  	[tilespmem:s21+$0x28B0] =	vst v0;
	(pc) =	sbr.rel @p1 .LBB2_2-.Ltmp0, $4  }
0x2d: {  	[tilespmem:s21+$0x28C0] =	vst v0  }
0x2e: {  	[tilespmem:s21+$0x28D0] =	vst v0  }
0x2f: {  	[tilespmem:s21+$0x28E0] =	vst v0  }
0x30: {  	[tilespmem:s21+$0x28F0] =	vst v0;
	s21 =	sshra.s32 s22, $0x2;
	s22 =	sadd.s32 $0x200, s22  }
0x31: {  	[tilespmem:s21+$0x2900] =	vst v0  }
0x32: {  	[tilespmem:s21+$0x2890] =	vst v0  }
0x33: {  	[tilespmem:s21+$0x28A0] =	vst v0  }
0x34: {  	[tilespmem:s21+$0x28B0] =	vst v0  }
0x35: {  	[tilespmem:s21+$0x28C0] =	vst v0  }
0x36: {  	[tilespmem:s21+$0x28D0] =	vst v0  }
0x37: {  	[tilespmem:s21+$0x28E0] =	vst v0  }
0x38: {  	[tilespmem:s21+$0x28F0] =	vst v0  }
0x39: {  	[spmem:s6] =	stream.linear.scatter [tilespmem:s8], [sflag:$0x7], $0x2800, $0x38;
	[tilespmem:$0x1E900] =	vst v63  }
0x3a: {  	_ =	swait.ge [sflag:s7], $0x2800  }
0x3b: {  	[sflag:s7] =	ssyncset.done $0x0  }
0x3c: {  	s17 =	rddreg [dreg:$0x4];
	[sflag:s7] =	ssyncadd.s32 $0xFFFFD800  }
0x3d: {  	[spmem:s17] =	stream.linear.scatter [tilespmem:s8], [sflag:$0x7], $0x2800, $0x38;
	[tilespmem:$0x1E900] =	vst v63  }
0x3e: {  	_ =	swait.ge [sflag:s7], $0x2800  }
0x3f: {  	[sflag:s7] =	ssyncset.done $0x0  }
0x40: {  	s22 =	rddreg [dreg:$0xb];
	[sflag:s7] =	ssyncadd.s32 $0xFFFFD800  }
0x41: {  	[spmem:s22] =	stream.linear.scatter [tilespmem:s8], [sflag:$0x7], $0x2800, $0x38;
	[tilespmem:$0x1E900] =	vst v63  }
0x42: {  	_ =	swait.ge [sflag:s7], $0x2800  }
0x43: {  	[sflag:s7] =	ssyncset.done $0x0  }
0x44: {  	s23 =	rddreg [dreg:$0xc];
	[sflag:s7] =	ssyncadd.s32 $0xFFFFD800  }
0x45: {  	[spmem:s23] =	stream.linear.scatter [tilespmem:s8], [sflag:$0x7], $0x2800, $0x38;
	[tilespmem:$0x1E900] =	vst v63  }
0x46: {  	_ =	swait.ge [sflag:s7], $0x2800  }
0x47: {  	[sflag:s7] =	ssyncset.done $0x0  }
0x48: {  	s24 =	rddreg [dreg:$0x15];
	[sflag:s7] =	ssyncadd.s32 $0xFFFFD800  }
0x49: {  	[spmem:s24] =	stream.linear.scatter [tilespmem:s8], [sflag:$0x7], $0x2800, $0x38;
	[tilespmem:$0x1E900] =	vst v63  }
0x4a: {  	_ =	swait.ge [sflag:s7], $0x2800  }
0x4b: {  	[sflag:s7] =	ssyncset.done $0x0  }
0x4c: {  	[sflag:s7] =	ssyncadd.s32 $0xFFFFD800  }
0x4d: {  	[spmem:s28] =	stream.linear.scatter [tilespmem:s8], [sflag:$0x7], $0x2800, $0x38;
	[tilespmem:$0x1E900] =	vst v63  }
0x4e: {  	_ =	swait.ge [sflag:s7], $0x2800  }
0x4f: {  	[sflag:s7] =	ssyncset.done $0x0  }
0x50: {  	[sflag:s7] =	ssyncadd.s32 $0xFFFFD800  }
0x51: {  	[spmem:s29] =	stream.linear.scatter [tilespmem:s8], [sflag:$0x7], $0x2800, $0x38;
	[tilespmem:$0x1E900] =	vst v63  }
0x52: {  	_ =	swait.ge [sflag:s7], $0x2800  }
0x53: {  	[sflag:s7] =	ssyncset.done $0x0  }
0x54: {  	[sflag:s7] =	ssyncadd.s32 $0xFFFFD800  }
0x55: {  	[spmem:s30] =	stream.linear.scatter [tilespmem:s8], [sflag:$0x7], $0x2800, $0x38;
	[tilespmem:$0x1E900] =	vst v63  }
0x56: {  	_ =	swait.ge [sflag:s7], $0x2800  }
0x57: {  	[sflag:s7] =	ssyncset.done $0x0  }
0x58: {  	[sflag:s7] =	ssyncadd.s32 $0xFFFFD800  }
0x59: {  	[bflag:$0x0] =	sbarrier.arrive $0xFFFF  }
0x5a: {  	[tilespmem:s9], [sflag:$0x5] =	stream.linear.gather [hbm4b:s26+s2], $0x80, $0x38;
	[tilespmem:$0x1E900] =	vst v63  }
0x5b: {  	_ = 	snop  }
0x5c: {  	[tilespmem:s8], [sflag:$0x1] =	stream.indirect.gather [hbm4b:s4+s10], $0x80, s2, s10, $0xb8;
	[tilespmem:$0x1E900] =	vst v63  }
0x5d: {  	_ = 	snop  }
0x5e: {  	[tilespmem:s11], [sflag:$0x6] =	stream.linear.gather [hbm4b:s31+s2], $0x80, $0x38;
	[tilespmem:$0x1E900] =	vst v63  }
0x5f: {  	_ = 	snop  }
0x60: {  	[tilespmem:s12], [sflag:$0x2] =	stream.indirect.gather [hbm4b:s4+s10], $0x80, s10, s10, $0xb8;
	[tilespmem:$0x1E900] =	vst v63  }
0x61: {  	_ =	swait.ge [sflag:s13], $0x4000  }
0x62: {  	[sflag:s13] =	ssyncset.done $0x0  }
0x63: {  	[sflag:s13] =	ssyncadd.s32 $0xFFFFC000  }
0x64: {  	_ =	swait.ge [sflag:s14], $0x80  }
0x65: {  	[sflag:s14] =	ssyncset.done $0x0  }
0x66: {  	[sflag:s14] =	ssyncadd.s32 $0xFFFFFF80  }
0x67: {  	[spmem:s1] =	stream.indirect.scatter.add.f32 [tilespmem:s8], [sflag:$0x3], $0x80, s9, s10, $0xb8;
	[tilespmem:$0x1E900] =	vst v63  }
0x68: {  	_ =	swait.ge [sflag:s15], $0x4000  }
0x69: {  	[sflag:s15] =	ssyncset.done $0x0  }
0x6a: {  	[sflag:s15] =	ssyncadd.s32 $0xFFFFC000  }
0x6b: {  	s25 =	simm.s32 $0x100;
	_ =	swait.ge [sflag:s16], $0x80  }
0x6c: {  	s22 =	sand.u32 $0x7C00, s25;
	[sflag:s16] =	ssyncset.done $0x0  }
0x6d: {  	s21 =	sand.u32 $0x300, s25;
	s22 =	sadd.s32 s3, s22;
	[sflag:s16] =	ssyncadd.s32 $0xFFFFFF80  }
0x6e: {  	[spmem:s1] =	stream.indirect.scatter.add.f32 [tilespmem:s12], [sflag:$0x4], $0x80, s11, s10, $0xb8;
	[tilespmem:$0x1E900] =	vst v63  }
0x6f: {  	s21 =	sor.u32 s21, s22;
	_ =	swait.ge [sflag:s18], $0x4000  }
0x70: {  	s17 =	simm.s32 $0x180;
	s21 =	sshrl.u32 s21, $0x3;
	[sflag:s18] =	ssyncset.done $0x0  }
0x71: {  	s21 =	sadd.s32 s5, s21;
	s23 =	sand.u32 $0x7C00, s17;
	[sflag:s18] =	ssyncadd.s32 $0xFFFFC000  }
0x72: {  	[tilespmem:s9], [sflag:$0x5] =	stream.linear.gather [hbm4b:s21+s2], $0x80, $0x38;
	[tilespmem:$0x1E900] =	vst v63  }
0x73: {  	s22 =	sand.u32 $0x380, s17;
	s23 =	sadd.s32 s3, s23;
	s24 =	simm.s32 $0x100  }
0x74: {  	[tilespmem:s8], [sflag:$0x1] =	stream.indirect.gather [hbm4b:s4+s10], $0x80, s24, s10, $0xb8;
	[tilespmem:$0x1E900] =	vst v63  }
0x75: {  	s25 =	sor.u32 s22, s23;
	_ =	swait.ge [sflag:s19], $0x4000  }
0x76: {  	s21 =	sshrl.u32 s25, $0x3;
	[sflag:s19] =	ssyncset.done $0x0  }
0x77: {  	s21 =	sadd.s32 s5, s21;
	[sflag:s19] =	ssyncadd.s32 $0xFFFFC000  }
0x78: {  	[tilespmem:s11], [sflag:$0x6] =	stream.linear.gather [hbm4b:s21+s2], $0x80, $0x38;
	[tilespmem:$0x1E900] =	vst v63  }
0x79: {  	s22 =	simm.s32 $0x180;
	s23 =	simm.s32 $0x200;
	s21 =	simm.s32 $0x280  }
.LBB2_4:
0x7a: {  	s24 =	sadd.s32 $0x80, s23  }
0x7b: {  	p1 =	sne.s32 s21, $0x2780;
	s25 =	smov.u32 s21;
	s21 =	sadd.s32 $0x100, s21  }
0x7c: {  	[tilespmem:s12], [sflag:$0x2] =	stream.indirect.gather [hbm4b:s4+s10], $0x80, s22, s10, $0xb8;
	[tilespmem:$0x1E900] =	vst v63  }
0x7d: {  	s22 =	smov.u32 s24;
	_ =	swait.ge [sflag:s13], $0x4000  }
0x7e: {  	[sflag:s13] =	ssyncset.done $0x0  }
0x7f: {  	[sflag:s13] =	ssyncadd.s32 $0xFFFFC000  }
0x80: {  	_ =	swait.ge [sflag:s14], $0x80  }
0x81: {  	[sflag:s14] =	ssyncset.done $0x0  }
0x82: {  	[sflag:s14] =	ssyncadd.s32 $0xFFFFFF80  }
0x83: {  	[spmem:s1] =	stream.indirect.scatter.add.f32 [tilespmem:s8], [sflag:$0x3], $0x80, s9, s10, $0xb8;
	[tilespmem:$0x1E900] =	vst v63  }
0x84: {  	_ =	swait.ge [sflag:s15], $0x4000  }
0x85: {  	[sflag:s15] =	ssyncset.done $0x0  }
0x86: {  	[sflag:s15] =	ssyncadd.s32 $0xFFFFC000  }
0x87: {  	_ =	swait.ge [sflag:s16], $0x80  }
0x88: {  	s24 =	sadd.s32 $0xFFFFFF80, s25;
	[sflag:s16] =	ssyncset.done $0x0  }
0x89: {  	s17 =	sand.u32 $0x7C00, s24;
	s24 =	sand.u32 $0x300, s24;
	[sflag:s16] =	ssyncadd.s32 $0xFFFFFF80  }
0x8a: {  	[spmem:s1] =	stream.indirect.scatter.add.f32 [tilespmem:s12], [sflag:$0x4], $0x80, s11, s10, $0xb8;
	[tilespmem:$0x1E900] =	vst v63  }
0x8b: {  	s17 =	sadd.s32 s3, s17;
	_ =	swait.ge [sflag:s18], $0x4000  }
0x8c: {  	s17 =	sor.u32 s24, s17;
	[sflag:s18] =	ssyncset.done $0x0  }
0x8d: {  	s17 =	sshrl.u32 s17, $0x3;
	[sflag:s18] =	ssyncadd.s32 $0xFFFFC000  }
0x8e: {  	s24 =	sand.u32 $0x7C00, s25;
	s17 =	sadd.s32 s5, s17  }
0x8f: {  	[tilespmem:s9], [sflag:$0x5] =	stream.linear.gather [hbm4b:s17+s2], $0x80, $0x38;
	[tilespmem:$0x1E900] =	vst v63  }
0x90: {  	s17 =	sadd.s32 s3, s24;
	s24 =	sand.u32 $0x380, s25  }
0x91: {  	[tilespmem:s8], [sflag:$0x1] =	stream.indirect.gather [hbm4b:s4+s10], $0x80, s23, s10, $0xb8;
	[tilespmem:$0x1E900] =	vst v63  }
.Ltmp1:
0x92: {  	_ = 	snop;
	(pc) =	sbr.rel @p1 .LBB2_4-.Ltmp1, $4  }
0x93: {  	s17 =	sor.u32 s24, s17;
	_ =	swait.ge [sflag:s19], $0x4000  }
0x94: {  	s17 =	sshrl.u32 s17, $0x3;
	[sflag:s19] =	ssyncset.done $0x0  }
0x95: {  	s23 =	sadd.s32 $0x100, s23;
	s17 =	sadd.s32 s5, s17;
	[sflag:s19] =	ssyncadd.s32 $0xFFFFC000  }
0x96: {  	[tilespmem:s11], [sflag:$0x6] =	stream.linear.gather [hbm4b:s17+s2], $0x80, $0x38;
	[tilespmem:$0x1E900] =	vst v63  }
0x97: {  	[tilespmem:s12], [sflag:$0x2] =	stream.indirect.gather [hbm4b:s4+s10], $0x80, s22, s10, $0xb8;
	[tilespmem:$0x1E900] =	vst v63  }
0x98: {  	_ =	swait.ge [sflag:s13], $0x4000  }
0x99: {  	[sflag:s13] =	ssyncset.done $0x0  }
0x9a: {  	[sflag:s13] =	ssyncadd.s32 $0xFFFFC000  }
0x9b: {  	_ =	swait.ge [sflag:s14], $0x80  }
0x9c: {  	[sflag:s14] =	ssyncset.done $0x0  }
0x9d: {  	[sflag:s14] =	ssyncadd.s32 $0xFFFFFF80  }
0x9e: {  	[spmem:s1] =	stream.indirect.scatter.add.f32 [tilespmem:s8], [sflag:$0x3], $0x80, s9, s10, $0xb8;
	[tilespmem:$0x1E900] =	vst v63  }
0x9f: {  	_ =	swait.ge [sflag:s15], $0x4000  }
0xa0: {  	[sflag:s15] =	ssyncset.done $0x0  }
0xa1: {  	[sflag:s15] =	ssyncadd.s32 $0xFFFFC000  }
0xa2: {  	_ =	swait.ge [sflag:s16], $0x80  }
0xa3: {  	[sflag:s16] =	ssyncset.done $0x0  }
0xa4: {  	[sflag:s16] =	ssyncadd.s32 $0xFFFFFF80  }
0xa5: {  	[spmem:s1] =	stream.indirect.scatter.add.f32 [tilespmem:s12], [sflag:$0x4], $0x80, s11, s10, $0xb8;
	[tilespmem:$0x1E900] =	vst v63  }
0xa6: {  	_ =	swait.ge [sflag:s18], $0x4000  }
0xa7: {  	[sflag:s18] =	ssyncset.done $0x0  }
0xa8: {  	[sflag:s18] =	ssyncadd.s32 $0xFFFFC000  }
0xa9: {  	_ =	swait.ge [sflag:s19], $0x4000  }
0xaa: {  	[sflag:s19] =	ssyncset.done $0x0  }
0xab: {  	[sflag:s19] =	ssyncadd.s32 $0xFFFFC000  }
0xac: {  	[bflag:$0x0] =	sbarrier.arrive $0xFFFF  }
0xad: {  	s17 =	rddreg [dreg:$0xd]  }
0xae: {  	[tilespmem:s8], [sflag:$0x7] =	stream.linear.gather [spmem:s17], $0x3400, $0x38;
	[tilespmem:$0x1E900] =	vst v63  }
0xaf: {  	_ =	swait.ge [sflag:s7], $0x3400  }
0xb0: {  	[sflag:s7] =	ssyncset.done $0x0  }
0xb1: {  	s24 =	rddreg [dreg:$0x5];
	[sflag:s7] =	ssyncadd.s32 $0xFFFFCC00  }
0xb2: {  	[hbm4b:s24+s2] =	stream.linear.scatter [tilespmem:s8], [sflag:$0x3], $0x3400, $0x38;
	[tilespmem:$0x1E900] =	vst v63  }
0xb3: {  	s25 =	rddreg [dreg:$0xe]  }
0xb4: {  	[tilespmem:s12], [sflag:$0x7] =	stream.linear.gather [spmem:s25], $0x3400, $0x38;
	[tilespmem:$0x1E900] =	vst v63  }
0xb5: {  	_ =	swait.ge [sflag:s7], $0x3400  }
0xb6: {  	[sflag:s7] =	ssyncset.done $0x0  }
0xb7: {  	s21 =	rddreg [dreg:$0x6];
	[sflag:s7] =	ssyncadd.s32 $0xFFFFCC00  }
0xb8: {  	[hbm4b:s21+s2] =	stream.linear.scatter [tilespmem:s12], [sflag:$0x4], $0x3400, $0x38;
	[tilespmem:$0x1E900] =	vst v63  }
0xb9: {  	_ =	swait.ge [sflag:s18], $0x3400  }
0xba: {  	[sflag:s18] =	ssyncset.done $0x0  }
0xbb: {  	s22 =	rddreg [dreg:$0xf];
	[sflag:s18] =	ssyncadd.s32 $0xFFFFCC00  }
0xbc: {  	[tilespmem:s8], [sflag:$0x7] =	stream.linear.gather [spmem:s22], $0x3400, $0x38;
	[tilespmem:$0x1E900] =	vst v63  }
0xbd: {  	_ =	swait.ge [sflag:s7], $0x3400  }
0xbe: {  	[sflag:s7] =	ssyncset.done $0x0  }
0xbf: {  	s23 =	rddreg [dreg:$0x7];
	[sflag:s7] =	ssyncadd.s32 $0xFFFFCC00  }
0xc0: {  	[hbm4b:s23+s2] =	stream.linear.scatter [tilespmem:s8], [sflag:$0x3], $0x3400, $0x38;
	[tilespmem:$0x1E900] =	vst v63  }
0xc1: {  	_ =	swait.ge [sflag:s19], $0x3400  }
0xc2: {  	[sflag:s19] =	ssyncset.done $0x0  }
0xc3: {  	s24 =	rddreg [dreg:$0x10];
	[sflag:s19] =	ssyncadd.s32 $0xFFFFCC00  }
0xc4: {  	[tilespmem:s12], [sflag:$0x7] =	stream.linear.gather [spmem:s24], $0x3400, $0x38;
	[tilespmem:$0x1E900] =	vst v63  }
0xc5: {  	_ =	swait.ge [sflag:s7], $0x3400  }
0xc6: {  	[sflag:s7] =	ssyncset.done $0x0  }
0xc7: {  	s25 =	rddreg [dreg:$0x8];
	[sflag:s7] =	ssyncadd.s32 $0xFFFFCC00  }
0xc8: {  	[hbm4b:s25+s2] =	stream.linear.scatter [tilespmem:s12], [sflag:$0x4], $0x3400, $0x38;
	[tilespmem:$0x1E900] =	vst v63  }
0xc9: {  	_ =	swait.ge [sflag:s18], $0x3400  }
0xca: {  	[sflag:s18] =	ssyncset.done $0x0  }
0xcb: {  	s21 =	rddreg [dreg:$0x11];
	[sflag:s18] =	ssyncadd.s32 $0xFFFFCC00  }
0xcc: {  	[tilespmem:s8], [sflag:$0x7] =	stream.linear.gather [spmem:s21], $0x3400, $0x38;
	[tilespmem:$0x1E900] =	vst v63  }
0xcd: {  	_ =	swait.ge [sflag:s7], $0x3400  }
0xce: {  	[sflag:s7] =	ssyncset.done $0x0  }
0xcf: {  	s22 =	rddreg [dreg:$0x9];
	[sflag:s7] =	ssyncadd.s32 $0xFFFFCC00  }
0xd0: {  	[hbm4b:s22+s2] =	stream.linear.scatter [tilespmem:s8], [sflag:$0x3], $0x3400, $0x38;
	[tilespmem:$0x1E900] =	vst v63  }
0xd1: {  	_ =	swait.ge [sflag:s19], $0x3400  }
0xd2: {  	[sflag:s19] =	ssyncset.done $0x0  }
0xd3: {  	s23 =	rddreg [dreg:$0x12];
	[sflag:s19] =	ssyncadd.s32 $0xFFFFCC00  }
0xd4: {  	[tilespmem:s12], [sflag:$0x7] =	stream.linear.gather [spmem:s23], $0x3400, $0x38;
	[tilespmem:$0x1E900] =	vst v63  }
0xd5: {  	_ =	swait.ge [sflag:s7], $0x3400  }
0xd6: {  	[sflag:s7] =	ssyncset.done $0x0  }
0xd7: {  	s24 =	rddreg [dreg:$0xa];
	[sflag:s7] =	ssyncadd.s32 $0xFFFFCC00  }
0xd8: {  	[hbm4b:s24+s2] =	stream.linear.scatter [tilespmem:s12], [sflag:$0x4], $0x3400, $0x38;
	[tilespmem:$0x1E900] =	vst v63  }
0xd9: {  	_ =	swait.ge [sflag:s18], $0x3400  }
0xda: {  	[sflag:s18] =	ssyncset.done $0x0  }
0xdb: {  	[sflag:s18] =	ssyncadd.s32 $0xFFFFCC00  }
0xdc: {  	_ =	swait.ge [sflag:s19], $0x3400  }
0xdd: {  	[sflag:s19] =	ssyncset.done $0x0  }
0xde: {  	s17 =	simm.s32 @!p0 $0x2900;
	s21 =	simm.s32 @!p0 $0x7;
	[sflag:s19] =	ssyncadd.s32 $0xFFFFCC00  }
0xdf: {  	[tilespmem:s17], [sflag:$0x7] =	stream.linear.gather @!p0 [spmem:s0], $0x800, $0x38;
	[tilespmem:$0x1E900] =	vst v63  }
0xe0: {  	_ =	swait.ge @!p0 [sflag:s21], $0x800  }
0xe1: {  	[sflag:s21] =	ssyncset.done @!p0 $0x0  }
0xe2: {  	s22 =	simm.s32 @!p0 $0x0;
	s23 =	rddreg [dreg:$0x13];
	[sflag:s21] =	ssyncadd.s32 @!p0 $0xFFFFF800  }
0xe3: {  	[hbm4b:s23+s22] =	stream.linear.scatter @!p0 [tilespmem:s17], [sflag:$0x7], $0x800, $0x38;
	[tilespmem:$0x1E900] =	vst v63  }
0xe4: {  	_ =	swait.ge @!p0 [sflag:s21], $0x800  }
0xe5: {  	s20 =	sadd.s32 $0x1, s20;
	s25 =	rddreg [dreg:$0x14]  }
0xe6: {  	p1 =	sne.s32 s20, s25  }
.Ltmp2:
0xe7: {  	_ = 	snop;
	(pc) =	sbr.rel @p1 .LBB2_1-.Ltmp2, $3  }
0xe8: {  	_ =	sdelay $0x1  }
0xe9: {  	[sflag:s21] =	ssyncset.done @!p0 $0x0  }
0xea: {  	[sflag:s21] =	ssyncadd.s32 @!p0 $0xFFFFF800  }
0xeb: {  	_ =	sfence.sel $0x180000  }
0xec: {  	[bflag:$0x0] =	sbarrier.arrive $0xFFFF  }
0xed: {  	_ =	strace $0x9000004A  }
0xee: {  	[bflag:$0x2] =	sbarrier.arrive $0xFFFF  }
0xef: {  	s0 =	rddreg [dreg:$0x2]  }
0xf0: {  	s0 =	sadd.s32 @!p0 $0x100000, s0  }
0xf1: {  	[sflag:s0] =	ssyncadd.tile.s32 @!p0 $0x1;
	_ =	shalt  }
.Lfunc_end2:
_tile_overlayer_lowered:
.L_overlay_start_2:
0xf2: {  	(tag) =	ssettag $0x2  }
0xf3: {  	s0 =	rddreg [dreg:$0x0];
	s2 =	stileid.u32  }
0xf4: {  	s1 =	rddreg [dreg:$0x1];
	p0 =	sne.s32 s2, $0x0  }
0xf5: {  	s3 =	rddreg [dreg:$0x2];
	[bflag:$0x3] =	sbarrier.arrive $0xFFFF;
	s2 =	simm.s32 @!p0 $0x1C07  }
0xf6: {  	[timem:s3], [sflag:s2] =	dma.local @!p0 [hbm:s0], s1  }
0xf7: {  	s0 =	simm.s32 @!p0 $0x7  }
0xf8: {  	_ =	swait.ge @!p0 [sflag:s0], s1  }
0xf9: {  	s1 =	ssub.s32 @!p0 $0x0, s1;
	[sflag:s0] =	ssyncset.done @!p0 $0x0  }
0xfa: {  	[sflag:s0] =	ssyncadd.s32 @!p0 s1  }
0xfb: {  	[bflag:$0x3] =	sbarrier.arrive $0xFFFF  }
0xfc: {  	_ =	shalt  }

// kernel: kernel.7.cloned.1.call-start
scs
__scs_entry_jumppad:
0x0: {  	(pc) =	sbr.rel $0x88, $3  }
0x1: {  	(tag) =	ssettag $0x0;
	lr =	simm.s32 $0x1  }
0x2: {  	[smem:$0x3F8E] =	sst lr;
	_ =	strace $0xD0000000  }
0x3: {  	_ = 	snop  }
0x4: {  	_ = 	snop  }
0x5: {  	_ = 	snop  }
0x6: {  	_ = 	snop  }
0x7: {  	_ = 	snop  }
__scs_overlays_trampoline_lowered:
0x8: {  	[smem:$0x3F9D] =	sst s0  }
0x9: {  	[smem:$0x3F9E] =	sst s1  }
0xa: {  	[smem:$0x3F9F] =	sst s2  }
0xb: {  	[smem:$0x3FA0] =	sst s3  }
0xc: {  	[smem:$0x3FA1] =	sst s4  }
0xd: {  	[smem:$0x3FA2] =	sst s5  }
0xe: {  	[smem:$0x3FA3] =	sst s6  }
0xf: {  	[smem:$0x3FA4] =	sst s7  }
0x10: {  	[smem:$0x3FA5] =	sst s8  }
0x11: {  	[smem:$0x3FA6] =	sst s9;
	s0 =	simm.s32 @!p0 $0x0  }
0x12: {  	s1 =	sld [smem:$0x3F8C];
	s0 =	simm.s32 @p0 $0x1  }
0x13: {  	[smem:$0x3FA7] =	sst s0;
	s0 =	simm.s32 @!p1 $0x0  }
0x14: {  	s2 =	sld [smem:$0x3F8B];
	s0 =	simm.s32 @p1 $0x1  }
0x15: {  	[smem:$0x3FA8] =	sst s0;
	s0 =	simm.s32 @!p2 $0x0  }
0x16: {  	s3 =	sld [smem:$0x3FDB];
	s0 =	simm.s32 @p2 $0x1  }
0x17: {  	s4 =	simm.s32 $0x1BF5;
	[smem:$0x3FAA] =	sst s0  }
0x18: {  	s0 =	sld [smem:$0x3F8D];
	_ =	swait.ge [sflag:s4], $0x0  }
0x19: {  	s7 =	sld [smem:$0x3F8E]  }
0x1a: {  	s8 =	sadd.s32 $0xFFFFE003, lr  }
0x1b: {  	s9 =	sadd.s32 $0xFFFFFEF7, lr;
	s5 =	simm.s32 $0xFFFFFFFF;
	p2 =	slt.u32 s8, $0xFFFFF086  }
0x1c: {  	p1 =	slt.u32 s9, $0xF7A;
	s5 =	simm.s32 @!p2 $0x0  }
0x1d: {  	s5 =	simm.s32 @p1 $0x1;
	p0 =	seq.s32 s7, s2  }
0x1e: {  	s7 =	smul.u32 @!p0 $0xF7A, s2;
	p2 =	seq.s32 @!p0 s5, $0x0  }
0x1f: {  	s9 =	smul.u32 $0xF7A, s1;
	s8 =	simm.s32 @!p0 $0x1BF5;
	p2 =	por !p2, p0  }
0x20: {  	[sflag:s8] =	ssyncset.s32 @!p0 $0xFFFFF086;
	s6 =	sadd.s32 @!p0 s3, s7;
	s7 =	simm.s32 @!p0 $0x108  }
0x21: {  	s3 =	sadd.s32 s3, s9;
	s6 =	sadd.s32 @!p0 $0x88, s6;
	s7 =	simm.s32 @p2 $0x1082  }
0x22: {  	[simem:s7], [sflag:s8] =	dma.local @!p0 [hbm:s6], $0xF7A  }
0x23: {  	s9 =	sor.u32 $0xD0000000, s2;
	s6 =	simm.s32 $0x108;
	_ =	swait.ge @!p0 [sflag:s8], $0x0  }
0x24: {  	s3 =	sadd.s32 $0x88, s3;
	s6 =	simm.s32 @!p1 $0x1082;
	[sflag:s4] =	ssyncset.s32 $0xFFFFF086  }
0x25: {  	[simem:s6], [sflag:s4] =	dma.local [hbm:s3], $0xF7A  }
0x26: {  	[smem:$0x3F8E] =	sst s1;
	(tag) =	ssettag s2;
	_ =	strace s9  }
0x27: {  	s1 =	sld [smem:$0x3F9E]  }
0x28: {  	s2 =	sld [smem:$0x3F9F]  }
0x29: {  	s4 =	sld [smem:$0x3FA1]  }
0x2a: {  	p0 =	seq.s32 s5, $0x0;
	s5 =	sld [smem:$0x3FA2]  }
0x2b: {  	s6 =	sld [smem:$0x3FA3]  }
0x2c: {  	s7 =	sld [smem:$0x3FA4]  }
0x2d: {  	s3 =	simm.s32 $0x108;
	s8 =	sld [smem:$0x3FA5]  }
0x2e: {  	s3 =	simm.s32 @!p0 $0x1082;
	s9 =	sld [smem:$0x3FA6]  }
0x2f: {  	lr =	sadd.s32 s0, s3;
	s0 =	sld [smem:$0x3F9D]  }
0x30: {  	s3 =	sld [smem:$0x3FA0]  }
0x31: {  	[smem:$0x3FA9] =	sst s10  }
0x32: {  	s10 =	sld [smem:$0x3FA7];
	_ =	sdelay $0x3  }
0x33: {  	p0 =	seq.s32 s10, $0x1;
	s10 =	sld [smem:$0x3FA9];
	_ =	sdelay $0x3  }
0x34: {  	[smem:$0x3FA9] =	sst s10  }
0x35: {  	s10 =	sld [smem:$0x3FA8];
	_ =	sdelay $0x3  }
0x36: {  	p1 =	seq.s32 s10, $0x1;
	s10 =	sld [smem:$0x3FA9];
	_ =	sdelay $0x3  }
0x37: {  	[smem:$0x3FA9] =	sst s10  }
0x38: {  	s10 =	sld [smem:$0x3FAA]  }
0x39: {  	_ = 	snop;
	(pc) =	sbr.ind lr, $3  }
0x3a: {  	_ = 	snop  }
0x3b: {  	_ = 	snop  }
0x3c: {  	p2 =	seq.s32 s10, $0x1;
	s10 =	sld [smem:$0x3FA9]  }
0x3d: {  	_ =	shalt  }
0x3e: {  	_ =	shalt  }
0x3f: {  	_ =	shalt  }
0x40: {  	_ =	shalt  }
0x41: {  	_ =	shalt  }
0x42: {  	_ =	shalt  }
0x43: {  	_ =	shalt  }
0x44: {  	_ =	shalt  }
0x45: {  	_ =	shalt  }
0x46: {  	_ =	shalt  }
0x47: {  	_ =	shalt  }
0x48: {  	_ =	shalt  }
0x49: {  	_ =	shalt  }
0x4a: {  	_ =	shalt  }
0x4b: {  	_ =	shalt  }
0x4c: {  	_ =	shalt  }
0x4d: {  	_ =	shalt  }
0x4e: {  	_ =	shalt  }
0x4f: {  	_ =	shalt  }
0x50: {  	_ =	shalt  }
0x51: {  	_ =	shalt  }
0x52: {  	_ =	shalt  }
0x53: {  	_ =	shalt  }
0x54: {  	_ =	shalt  }
0x55: {  	_ =	shalt  }
0x56: {  	_ =	shalt  }
0x57: {  	_ =	shalt  }
0x58: {  	_ =	shalt  }
0x59: {  	_ =	shalt  }
0x5a: {  	_ =	shalt  }
0x5b: {  	_ =	shalt  }
0x5c: {  	_ =	shalt  }
0x5d: {  	_ =	shalt  }
0x5e: {  	_ =	shalt  }
0x5f: {  	_ =	shalt  }
0x60: {  	_ =	shalt  }
0x61: {  	_ =	shalt  }
0x62: {  	_ =	shalt  }
0x63: {  	_ =	shalt  }
0x64: {  	_ =	shalt  }
0x65: {  	_ =	shalt  }
0x66: {  	_ =	shalt  }
0x67: {  	_ =	shalt  }
0x68: {  	_ =	shalt  }
0x69: {  	_ =	shalt  }
0x6a: {  	_ =	shalt  }
0x6b: {  	_ =	shalt  }
0x6c: {  	_ =	shalt  }
0x6d: {  	_ =	shalt  }
0x6e: {  	_ =	shalt  }
0x6f: {  	_ =	shalt  }
0x70: {  	_ =	shalt  }
0x71: {  	_ =	shalt  }
0x72: {  	_ =	shalt  }
0x73: {  	_ =	shalt  }
0x74: {  	_ =	shalt  }
0x75: {  	_ =	shalt  }
0x76: {  	_ =	shalt  }
0x77: {  	_ =	shalt  }
0x78: {  	_ =	shalt  }
0x79: {  	_ =	shalt  }
0x7a: {  	_ =	shalt  }
0x7b: {  	_ =	shalt  }
0x7c: {  	_ =	shalt  }
0x7d: {  	_ =	shalt  }
0x7e: {  	_ =	shalt  }
0x7f: {  	_ =	shalt  }
0x80: {  	_ =	shalt  }
0x81: {  	_ =	shalt  }
0x82: {  	_ =	shalt  }
0x83: {  	_ =	shalt  }
0x84: {  	_ =	shalt  }
0x85: {  	_ =	shalt  }
0x86: {  	_ =	shalt  }
0x87: {  	_ =	shalt  }
.Lfunc_end0:
.L_simem_size_0:
called_computation_lowered:
.L_overlay_start_0:
0x88: {  	s2 =	sld [smem:$0x3FD9]  }
0x89: {  	s3 =	sld [smem:$0x3FFE];
	_ =	sdelay $0x1  }
0x8a: {  	s1 =	srdreg.scid  }
0x8b: {  	s0 =	sand.u32 $0x1, s1  }
0x8c: {  	s17 =	sshll.u32 s0, $0xA;
	s2 =	sadd.s32 s3, s2  }
0x8d: {  	s2 =	sadd.s32 s2, s17  }
0x8e: {  	[smem:$0x3FB5] =	sst s2  }
0x8f: {  	_ = 	snop  }
0x90: {  	s2 =	sld [smem:$0x3FC9];
	(tm) =	ssettm $0x1  }
0x91: {  	s18 =	sld [smem:$0x3FFB];
	_ =	sdelay $0x3  }
0x92: {  	_ =	strace s18  }
0x93: {  	s3 =	sld [smem:$0x3FFC];
	_ =	sdelay $0x3  }
0x94: {  	_ =	strace s3  }
0x95: {  	s3 =	sld [smem:$0x3FFD];
	_ =	sdelay $0x3  }
0x96: {  	_ =	strace s3  }
0x97: {  	_ =	strace $0x8FFFFFFF  }
0x98: {  	s19 =	sld [smem:$0x3FDB];
	_ =	sdelay $0x1  }
0x99: {  	s4 =	simm.s32 $_scs_section_size  }
0x9a: {  	s5 =	simm.s32 $_size__tile_overlayer_lowered;
	s6 =	simm.s32 $_tile_overlayer_lowered  }
0x9b: {  	s22 =	simm.s32 $0x1BFF;
	s21 =	sshll.u32 s6, $0x1;
	s3 =	sadd.s32 s4, s19  }
0x9c: {  	s7 =	simm.s32 $0x0;
	s20 =	sshll.u32 s5, $0x1;
	s5 =	sadd.s32 s21, s3  }
0x9d: {  	[timem:s7], [sflag:s22] =	dma.local [hbm:s5], s20  }
0x9e: {  	_ =	swait.ge [sflag:s22], s20  }
0x9f: {  	s4 =	ssub.s32 $0x0, s20;
	[sflag:s22] =	ssyncset.done $0x0  }
0xa0: {  	[sflag:s22] =	ssyncadd.s32 s4;
	_ =	sdelay $0x1  }
0xa1: {  	s23 =	simm.s32 $0x1B8B  }
0xa2: {  	_ =	swait.ge [sflag:s23], $0x1  }
0xa3: {  	[sflag:s23] =	ssyncset.done $0x0  }
0xa4: {  	s25 =	simm.s32 $0x1B8E;
	s24 =	sld [smem:$0x3FFE];
	[sflag:s23] =	ssyncadd.s32 $0xFFFFFFFF  }
0xa5: {  	s26 =	simm.s32 $execute0_lowered;
	[smem:$0x3FD2] =	sst s25  }
0xa6: {  	s5 =	sshll.u32 s26, $0x1;
	_ =	strace $0x80000046;
	[dreg:$0x1] =	wrdreg $0xFFFFFFFF  }
0xa7: {  	s28 =	simm.s32 $_size_execute0_lowered;
	s3 =	sadd.s32 s3, s5;
	[dreg:$0x0] =	wrdreg $0x0  }
0xa8: {  	s5 =	sshll.u32 s28, $0x1;
	[dreg:$0x2] =	wrdreg s3  }
0xa9: {  	[dreg:$0x3] =	wrdreg s5  }
0xaa: {  	[dreg:$0x4] =	wrdreg $0xC0  }
0xab: {  	_ =	task [dreg:s7], $0x5FFFF  }
0xac: {  	[dreg:$0x1] =	wrdreg $0xFFFFFFFF  }
0xad: {  	[dreg:$0x0] =	wrdreg $0x60  }
0xae: {  	[dreg:$0x2] =	wrdreg s2  }
0xaf: {  	[dreg:$0x3] =	wrdreg s24  }
0xb0: {  	[dreg:$0x4] =	wrdreg $0xA9000  }
0xb1: {  	[dreg:$0x5] =	wrdreg $0x9  }
0xb2: {  	_ =	task.clear_ibuf [dreg:s7], $0x6FFFF;
	_ =	strace $0x90000046  }
0xb3: {  	s29 =	simm.s32 $0x9;
	_ =	strace $0x80000048  }
0xb4: {  	_ =	swait.ge [sflag:s29], $0x1  }
0xb5: {  	[sflag:s29] =	ssyncadd.s32 $0xFFFFFFFF  }
0xb6: {  	_ =	strace $0x90000048  }
0xb7: {  	_ =	sfence  }
0xb8: {  	s30 =	sld [smem:$0x0];
	_ =	sdelay $0x2  }
0xb9: {  	s31 =	sshll.u32 s1, $0xD;
	s1 =	sshrl.u32 s1, $0x2  }
0xba: {  	s3 =	sand.u32 $0x4000, s31;
	s1 =	sadd.s32 s1, s30  }
0xbb: {  	s0 =	sor.u32 s3, s0;
	s1 =	sshll.u32 s1, $0x11  }
0xbc: {  	s0 =	sor.u32 s1, s0  }
0xbd: {  	s0 =	sadd.s32 $0x8F2B, s0  }
0xbe: {  	[sflag:s0] =	ssyncadd.remote.s32 $0x1  }
0xbf: {  	_ =	sfence.sel $0xFFFF  }
0xc0: {  	[dreg:$0x0] =	wrdreg $0xFFFFFFFF;
	(pc) =	sbr.abs _section_cstart, $3  }
0xc1: {  	[dreg:$0x1] =	wrdreg $0xFFFFFFFF  }
0xc2: {  	_ =	task.clear_ibuf [dreg:s7], $0x2FFFF;
	_ =	strace $0x9FFFFFFF  }
0xc3: {  	(tm) =	ssettm $0x7FFFFFFF  }
tec
execute0_lowered:
.L_overlay_start_1:
0x0: {  	(tag) =	ssettag $0x1  }
0x1: {  	s1 =	srdreg.scid;
	s0 =	rddreg [dreg:$0x0]  }
0x2: {  	s7 =	stileid.u32;
	s6 =	rddreg [dreg:$0x1];
	s4 =	simm.s32 $0x0  }
0x3: {  	s1 =	sand.u32 $0x1, s1;
	s2 =	sshll.u32 s7, $0x1;
	[smem:$0x7FF] =	sst s4  }
0x4: {  	s10 =	smul.u32 $0x50000, s7;
	s5 =	sadd.s32 $0xD200, s6;
	s11 =	sadd.s32 $0x17200, s6  }
0x5: {  	s26 =	smul.u32 $0x13800, s7;
	p0 =	sne.s32 s7, $0x0;
	s3 =	sor.u32 s1, s2  }
0x6: {  	s2 =	rddreg [dreg:$0x2];
	s25 =	ssub.s32 $0x2, s1;
	s1 =	smul.u32 $0x138800, s1  }
0x7: {  	_ =	strace $0x80000047;
	s3 =	smul.u32 $0x2800, s3;
	s12 =	sshrl.u32 s25, $0x1  }
0x8: {  	s10 =	sshrl.u32 s10, $0x2;
	s14 =	sadd.s32 $0x3400, s26;
	s15 =	sadd.s32 $0x6800, s26  }
0x9: {  	s12 =	ssub.s32 s25, s12;
	s13 =	sadd.s32 s26, s1;
	s16 =	sadd.s32 s1, s14  }
0xa: {  	s17 =	sadd.s32 s1, s15;
	s8 =	sshrl.u32 s3, $0x3;
	s13 =	sshrl.u32 s13, $0x3  }
0xb: {  	s19 =	sshrl.u32 s16, $0x3;
	s20 =	sshrl.u32 s17, $0x3;
	s9 =	sadd.s32 s8, s6  }
0xc: {  	s6 =	sadd.s32 s10, s2;
	s13 =	sadd.s32 s11, s13;
	s21 =	sadd.s32 s11, s20  }
0xd: {  	s10 =	sadd.s32 $0x10400, s26;
	s8 =	sadd.s32 s5, s8;
	s20 =	sadd.s32 s14, s2  }
0xe: {  	s14 =	simm.s32 $0x5;
	s9 =	sadd.s32 $0x3200, s9;
	[dreg:$0x6] =	wrdreg s13  }
0xf: {  	s18 =	sadd.s32 $0x2800, s6;
	s13 =	sadd.s32 s11, s19;
	[dreg:$0x8] =	wrdreg s21  }
0x10: {  	s19 =	sadd.s32 s1, s10;
	s17 =	sadd.s32 $0x7800, s6;
	[dreg:$0xf] =	wrdreg s20  }
0x11: {  	s21 =	sadd.s32 s15, s2;
	s28 =	sadd.s32 $0xC800, s6;
	s29 =	sadd.s32 $0xF000, s6  }
0x12: {  	s30 =	sadd.s32 $0x11800, s6;
	s31 =	sadd.s32 $0x10, s8;
	[dreg:$0x4] =	wrdreg s9  }
0x13: {  	s15 =	simm.s32 $0x2;
	s20 =	simm.s32 $0x0;
	[dreg:$0x5] =	wrdreg s18  }
0x14: {  	s9 =	smul.u32 $0x4E000, s7;
	[dreg:$0x7] =	wrdreg s13;
	s13 =	sadd.s32 $0x9C00, s26  }
0x15: {  	s18 =	sadd.s32 $0xD000, s26;
	s25 =	sshrl.u32 s19, $0x3;
	[dreg:$0xd] =	wrdreg s17  }
0x16: {  	[dreg:$0x10] =	wrdreg s21;
	s22 =	sadd.s32 s1, s13;
	s23 =	sadd.s32 s1, s18  }
0x17: {  	s26 =	sadd.s32 s11, s25;
	s1 =	sshrl.u32 s1, $0x3;
	s25 =	smax.u32 s12, $0x1  }
0x18: {  	s12 =	simm.s32 $0x6900;
	s16 =	sshrl.u32 s22, $0x3;
	s24 =	sshrl.u32 s23, $0x3  }
0x19: {  	[dreg:$0xb] =	wrdreg s26;
	s1 =	sadd.s32 s11, s1;
	s19 =	sshrl.u32 s9, $0x2  }
0x1a: {  	s22 =	sadd.s32 s13, s2;
	s23 =	sadd.s32 s18, s2;
	[dreg:$0x15] =	wrdreg s25  }
0x1b: {  	s26 =	sadd.s32 $0xA000, s6;
	s9 =	simm.s32 $0x2800;
	[dreg:$0x11] =	wrdreg s22  }
0x1c: {  	s13 =	simm.s32 $0x1;
	s18 =	simm.s32 $0x3;
	[dreg:$0x12] =	wrdreg s23  }
0x1d: {  	s16 =	sadd.s32 s11, s16;
	s7 =	sadd.s32 s19, s2;
	[dreg:$0x16] =	wrdreg s26  }
0x1e: {  	s1 =	sadd.s32 $0x27000, s1;
	s26 =	smov.u32 s8;
	[dreg:$0x9] =	wrdreg s16  }
0x1f: {  	s8 =	simm.s32 $0x2900;
	s19 =	simm.s32 $0x4;
	[dreg:$0xe] =	wrdreg s7  }
0x20: {  	s16 =	sadd.s32 s11, s24;
	s24 =	sadd.s32 s10, s2;
	[dreg:$0x14] =	wrdreg s1  }
0x21: {  	s1 =	sadd.s32 $0x138000, s2;
	s7 =	simm.s32 $0x7;
	[dreg:$0xa] =	wrdreg s16  }
0x22: {  	s10 =	simm.s32 $0x80;
	s16 =	sadd.s32 $0x5000, s6;
	[dreg:$0x13] =	wrdreg s24  }
0x23: {  	v0 =	vimm.f32 $0.0e+00;
	s11 =	simm.s32 $0x2880;
	[dreg:$0xc] =	wrdreg s16;
	s16 =	simm.s32 $0x6  }
.LBB2_1:
0x24: {  	s17 =	rddreg [dreg:$0x4]  }
0x25: {  	[tilespmem:s4], [sflag:$0x7] =	stream.linear.gather [hbm4b:s17+s4], $0x2800, $0x38;
	[tilespmem:$0x1E900] =	vst v63  }
0x26: {  	_ =	swait.ge [sflag:s7], $0x2800  }
0x27: {  	[sflag:s7] =	ssyncset.done $0x0  }
0x28: {  	s21 =	simm.s32 $0x70;
	s22 =	simm.s32 $0x3C0;
	[sflag:s7] =	ssyncadd.s32 $0xFFFFD800  }
.LBB2_2:
0x29: {  	p1 =	sne.s32 s22, $0x9FC0;
	[tilespmem:s21+$0x2900] =	vst v0  }
0x2a: {  	[tilespmem:s21+$0x2890] =	vst v0  }
0x2b: {  	[tilespmem:s21+$0x28A0] =	vst v0  }
.Ltmp0:
0x2c: {  	[tilespmem:s21+$0x28B0] =	vst v0;
	(pc) =	sbr.rel @p1 .LBB2_2-.Ltmp0, $4  }
0x2d: {  	[tilespmem:s21+$0x28C0] =	vst v0  }
0x2e: {  	[tilespmem:s21+$0x28D0] =	vst v0  }
0x2f: {  	[tilespmem:s21+$0x28E0] =	vst v0  }
0x30: {  	[tilespmem:s21+$0x28F0] =	vst v0;
	s21 =	sshra.s32 s22, $0x2;
	s22 =	sadd.s32 $0x200, s22  }
0x31: {  	[tilespmem:s21+$0x2900] =	vst v0  }
0x32: {  	[tilespmem:s21+$0x2890] =	vst v0  }
0x33: {  	[tilespmem:s21+$0x28A0] =	vst v0  }
0x34: {  	[tilespmem:s21+$0x28B0] =	vst v0  }
0x35: {  	[tilespmem:s21+$0x28C0] =	vst v0  }
0x36: {  	[tilespmem:s21+$0x28D0] =	vst v0  }
0x37: {  	[tilespmem:s21+$0x28E0] =	vst v0  }
0x38: {  	[tilespmem:s21+$0x28F0] =	vst v0  }
0x39: {  	[spmem:s6] =	stream.linear.scatter [tilespmem:s8], [sflag:$0x7], $0x2800, $0x38;
	[tilespmem:$0x1E900] =	vst v63  }
0x3a: {  	_ =	swait.ge [sflag:s7], $0x2800  }
0x3b: {  	[sflag:s7] =	ssyncset.done $0x0  }
0x3c: {  	s17 =	rddreg [dreg:$0x5];
	[sflag:s7] =	ssyncadd.s32 $0xFFFFD800  }
0x3d: {  	[spmem:s17] =	stream.linear.scatter [tilespmem:s8], [sflag:$0x7], $0x2800, $0x38;
	[tilespmem:$0x1E900] =	vst v63  }
0x3e: {  	_ =	swait.ge [sflag:s7], $0x2800  }
0x3f: {  	[sflag:s7] =	ssyncset.done $0x0  }
0x40: {  	s22 =	rddreg [dreg:$0xc];
	[sflag:s7] =	ssyncadd.s32 $0xFFFFD800  }
0x41: {  	[spmem:s22] =	stream.linear.scatter [tilespmem:s8], [sflag:$0x7], $0x2800, $0x38;
	[tilespmem:$0x1E900] =	vst v63  }
0x42: {  	_ =	swait.ge [sflag:s7], $0x2800  }
0x43: {  	[sflag:s7] =	ssyncset.done $0x0  }
0x44: {  	s23 =	rddreg [dreg:$0xd];
	[sflag:s7] =	ssyncadd.s32 $0xFFFFD800  }
0x45: {  	[spmem:s23] =	stream.linear.scatter [tilespmem:s8], [sflag:$0x7], $0x2800, $0x38;
	[tilespmem:$0x1E900] =	vst v63  }
0x46: {  	_ =	swait.ge [sflag:s7], $0x2800  }
0x47: {  	[sflag:s7] =	ssyncset.done $0x0  }
0x48: {  	s24 =	rddreg [dreg:$0x16];
	[sflag:s7] =	ssyncadd.s32 $0xFFFFD800  }
0x49: {  	[spmem:s24] =	stream.linear.scatter [tilespmem:s8], [sflag:$0x7], $0x2800, $0x38;
	[tilespmem:$0x1E900] =	vst v63  }
0x4a: {  	_ =	swait.ge [sflag:s7], $0x2800  }
0x4b: {  	[sflag:s7] =	ssyncset.done $0x0  }
0x4c: {  	[sflag:s7] =	ssyncadd.s32 $0xFFFFD800  }
0x4d: {  	[spmem:s28] =	stream.linear.scatter [tilespmem:s8], [sflag:$0x7], $0x2800, $0x38;
	[tilespmem:$0x1E900] =	vst v63  }
0x4e: {  	_ =	swait.ge [sflag:s7], $0x2800  }
0x4f: {  	[sflag:s7] =	ssyncset.done $0x0  }
0x50: {  	[sflag:s7] =	ssyncadd.s32 $0xFFFFD800  }
0x51: {  	[spmem:s29] =	stream.linear.scatter [tilespmem:s8], [sflag:$0x7], $0x2800, $0x38;
	[tilespmem:$0x1E900] =	vst v63  }
0x52: {  	_ =	swait.ge [sflag:s7], $0x2800  }
0x53: {  	[sflag:s7] =	ssyncset.done $0x0  }
0x54: {  	[sflag:s7] =	ssyncadd.s32 $0xFFFFD800  }
0x55: {  	[spmem:s30] =	stream.linear.scatter [tilespmem:s8], [sflag:$0x7], $0x2800, $0x38;
	[tilespmem:$0x1E900] =	vst v63  }
0x56: {  	_ =	swait.ge [sflag:s7], $0x2800  }
0x57: {  	[sflag:s7] =	ssyncset.done $0x0  }
0x58: {  	[sflag:s7] =	ssyncadd.s32 $0xFFFFD800  }
0x59: {  	[bflag:$0x0] =	sbarrier.arrive $0xFFFF  }
0x5a: {  	[tilespmem:s9], [sflag:$0x5] =	stream.linear.gather [hbm4b:s26+s4], $0x80, $0x38;
	[tilespmem:$0x1E900] =	vst v63  }
0x5b: {  	_ = 	snop  }
0x5c: {  	[tilespmem:s8], [sflag:$0x1] =	stream.indirect.gather [hbm4b:s0+s10], $0x80, s4, s10, $0xb8;
	[tilespmem:$0x1E900] =	vst v63  }
0x5d: {  	_ = 	snop  }
0x5e: {  	[tilespmem:s11], [sflag:$0x6] =	stream.linear.gather [hbm4b:s31+s4], $0x80, $0x38;
	[tilespmem:$0x1E900] =	vst v63  }
0x5f: {  	_ = 	snop  }
0x60: {  	[tilespmem:s12], [sflag:$0x2] =	stream.indirect.gather [hbm4b:s0+s10], $0x80, s10, s10, $0xb8;
	[tilespmem:$0x1E900] =	vst v63  }
0x61: {  	_ =	swait.ge [sflag:s13], $0x4000  }
0x62: {  	[sflag:s13] =	ssyncset.done $0x0  }
0x63: {  	[sflag:s13] =	ssyncadd.s32 $0xFFFFC000  }
0x64: {  	_ =	swait.ge [sflag:s14], $0x80  }
0x65: {  	[sflag:s14] =	ssyncset.done $0x0  }
0x66: {  	[sflag:s14] =	ssyncadd.s32 $0xFFFFFF80  }
0x67: {  	[spmem:s2] =	stream.indirect.scatter.add.f32 [tilespmem:s8], [sflag:$0x3], $0x80, s9, s10, $0xb8;
	[tilespmem:$0x1E900] =	vst v63  }
0x68: {  	_ =	swait.ge [sflag:s15], $0x4000  }
0x69: {  	[sflag:s15] =	ssyncset.done $0x0  }
0x6a: {  	[sflag:s15] =	ssyncadd.s32 $0xFFFFC000  }
0x6b: {  	s25 =	simm.s32 $0x100;
	_ =	swait.ge [sflag:s16], $0x80  }
0x6c: {  	s22 =	sand.u32 $0x7C00, s25;
	[sflag:s16] =	ssyncset.done $0x0  }
0x6d: {  	s21 =	sand.u32 $0x300, s25;
	s22 =	sadd.s32 s3, s22;
	[sflag:s16] =	ssyncadd.s32 $0xFFFFFF80  }
0x6e: {  	[spmem:s2] =	stream.indirect.scatter.add.f32 [tilespmem:s12], [sflag:$0x4], $0x80, s11, s10, $0xb8;
	[tilespmem:$0x1E900] =	vst v63  }
0x6f: {  	s21 =	sor.u32 s21, s22;
	_ =	swait.ge [sflag:s18], $0x4000  }
0x70: {  	s17 =	simm.s32 $0x180;
	s21 =	sshrl.u32 s21, $0x3;
	[sflag:s18] =	ssyncset.done $0x0  }
0x71: {  	s21 =	sadd.s32 s5, s21;
	s23 =	sand.u32 $0x7C00, s17;
	[sflag:s18] =	ssyncadd.s32 $0xFFFFC000  }
0x72: {  	[tilespmem:s9], [sflag:$0x5] =	stream.linear.gather [hbm4b:s21+s4], $0x80, $0x38;
	[tilespmem:$0x1E900] =	vst v63  }
0x73: {  	s22 =	sand.u32 $0x380, s17;
	s23 =	sadd.s32 s3, s23;
	s24 =	simm.s32 $0x100  }
0x74: {  	[tilespmem:s8], [sflag:$0x1] =	stream.indirect.gather [hbm4b:s0+s10], $0x80, s24, s10, $0xb8;
	[tilespmem:$0x1E900] =	vst v63  }
0x75: {  	s25 =	sor.u32 s22, s23;
	_ =	swait.ge [sflag:s19], $0x4000  }
0x76: {  	s21 =	sshrl.u32 s25, $0x3;
	[sflag:s19] =	ssyncset.done $0x0  }
0x77: {  	s21 =	sadd.s32 s5, s21;
	[sflag:s19] =	ssyncadd.s32 $0xFFFFC000  }
0x78: {  	[tilespmem:s11], [sflag:$0x6] =	stream.linear.gather [hbm4b:s21+s4], $0x80, $0x38;
	[tilespmem:$0x1E900] =	vst v63  }
0x79: {  	s22 =	simm.s32 $0x180;
	s23 =	simm.s32 $0x200;
	s21 =	simm.s32 $0x280  }
.LBB2_4:
0x7a: {  	s24 =	sadd.s32 $0x80, s23  }
0x7b: {  	p1 =	sne.s32 s21, $0x2780;
	s25 =	smov.u32 s21;
	s21 =	sadd.s32 $0x100, s21  }
0x7c: {  	[tilespmem:s12], [sflag:$0x2] =	stream.indirect.gather [hbm4b:s0+s10], $0x80, s22, s10, $0xb8;
	[tilespmem:$0x1E900] =	vst v63  }
0x7d: {  	s22 =	smov.u32 s24;
	_ =	swait.ge [sflag:s13], $0x4000  }
0x7e: {  	[sflag:s13] =	ssyncset.done $0x0  }
0x7f: {  	[sflag:s13] =	ssyncadd.s32 $0xFFFFC000  }
0x80: {  	_ =	swait.ge [sflag:s14], $0x80  }
0x81: {  	[sflag:s14] =	ssyncset.done $0x0  }
0x82: {  	[sflag:s14] =	ssyncadd.s32 $0xFFFFFF80  }
0x83: {  	[spmem:s2] =	stream.indirect.scatter.add.f32 [tilespmem:s8], [sflag:$0x3], $0x80, s9, s10, $0xb8;
	[tilespmem:$0x1E900] =	vst v63  }
0x84: {  	_ =	swait.ge [sflag:s15], $0x4000  }
0x85: {  	[sflag:s15] =	ssyncset.done $0x0  }
0x86: {  	[sflag:s15] =	ssyncadd.s32 $0xFFFFC000  }
0x87: {  	_ =	swait.ge [sflag:s16], $0x80  }
0x88: {  	s24 =	sadd.s32 $0xFFFFFF80, s25;
	[sflag:s16] =	ssyncset.done $0x0  }
0x89: {  	s17 =	sand.u32 $0x7C00, s24;
	s24 =	sand.u32 $0x300, s24;
	[sflag:s16] =	ssyncadd.s32 $0xFFFFFF80  }
0x8a: {  	[spmem:s2] =	stream.indirect.scatter.add.f32 [tilespmem:s12], [sflag:$0x4], $0x80, s11, s10, $0xb8;
	[tilespmem:$0x1E900] =	vst v63  }
0x8b: {  	s17 =	sadd.s32 s3, s17;
	_ =	swait.ge [sflag:s18], $0x4000  }
0x8c: {  	s17 =	sor.u32 s24, s17;
	[sflag:s18] =	ssyncset.done $0x0  }
0x8d: {  	s17 =	sshrl.u32 s17, $0x3;
	[sflag:s18] =	ssyncadd.s32 $0xFFFFC000  }
0x8e: {  	s24 =	sand.u32 $0x7C00, s25;
	s17 =	sadd.s32 s5, s17  }
0x8f: {  	[tilespmem:s9], [sflag:$0x5] =	stream.linear.gather [hbm4b:s17+s4], $0x80, $0x38;
	[tilespmem:$0x1E900] =	vst v63  }
0x90: {  	s17 =	sadd.s32 s3, s24;
	s24 =	sand.u32 $0x380, s25  }
0x91: {  	[tilespmem:s8], [sflag:$0x1] =	stream.indirect.gather [hbm4b:s0+s10], $0x80, s23, s10, $0xb8;
	[tilespmem:$0x1E900] =	vst v63  }
.Ltmp1:
0x92: {  	_ = 	snop;
	(pc) =	sbr.rel @p1 .LBB2_4-.Ltmp1, $4  }
0x93: {  	s17 =	sor.u32 s24, s17;
	_ =	swait.ge [sflag:s19], $0x4000  }
0x94: {  	s17 =	sshrl.u32 s17, $0x3;
	[sflag:s19] =	ssyncset.done $0x0  }
0x95: {  	s23 =	sadd.s32 $0x100, s23;
	s17 =	sadd.s32 s5, s17;
	[sflag:s19] =	ssyncadd.s32 $0xFFFFC000  }
0x96: {  	[tilespmem:s11], [sflag:$0x6] =	stream.linear.gather [hbm4b:s17+s4], $0x80, $0x38;
	[tilespmem:$0x1E900] =	vst v63  }
0x97: {  	[tilespmem:s12], [sflag:$0x2] =	stream.indirect.gather [hbm4b:s0+s10], $0x80, s22, s10, $0xb8;
	[tilespmem:$0x1E900] =	vst v63  }
0x98: {  	_ =	swait.ge [sflag:s13], $0x4000  }
0x99: {  	[sflag:s13] =	ssyncset.done $0x0  }
0x9a: {  	[sflag:s13] =	ssyncadd.s32 $0xFFFFC000  }
0x9b: {  	_ =	swait.ge [sflag:s14], $0x80  }
0x9c: {  	[sflag:s14] =	ssyncset.done $0x0  }
0x9d: {  	[sflag:s14] =	ssyncadd.s32 $0xFFFFFF80  }
0x9e: {  	[spmem:s2] =	stream.indirect.scatter.add.f32 [tilespmem:s8], [sflag:$0x3], $0x80, s9, s10, $0xb8;
	[tilespmem:$0x1E900] =	vst v63  }
0x9f: {  	_ =	swait.ge [sflag:s15], $0x4000  }
0xa0: {  	[sflag:s15] =	ssyncset.done $0x0  }
0xa1: {  	[sflag:s15] =	ssyncadd.s32 $0xFFFFC000  }
0xa2: {  	_ =	swait.ge [sflag:s16], $0x80  }
0xa3: {  	[sflag:s16] =	ssyncset.done $0x0  }
0xa4: {  	[sflag:s16] =	ssyncadd.s32 $0xFFFFFF80  }
0xa5: {  	[spmem:s2] =	stream.indirect.scatter.add.f32 [tilespmem:s12], [sflag:$0x4], $0x80, s11, s10, $0xb8;
	[tilespmem:$0x1E900] =	vst v63  }
0xa6: {  	_ =	swait.ge [sflag:s18], $0x4000  }
0xa7: {  	[sflag:s18] =	ssyncset.done $0x0  }
0xa8: {  	[sflag:s18] =	ssyncadd.s32 $0xFFFFC000  }
0xa9: {  	_ =	swait.ge [sflag:s19], $0x4000  }
0xaa: {  	[sflag:s19] =	ssyncset.done $0x0  }
0xab: {  	[sflag:s19] =	ssyncadd.s32 $0xFFFFC000  }
0xac: {  	[bflag:$0x0] =	sbarrier.arrive $0xFFFF  }
0xad: {  	s17 =	rddreg [dreg:$0xe]  }
0xae: {  	[tilespmem:s8], [sflag:$0x7] =	stream.linear.gather [spmem:s17], $0x3400, $0x38;
	[tilespmem:$0x1E900] =	vst v63  }
0xaf: {  	_ =	swait.ge [sflag:s7], $0x3400  }
0xb0: {  	[sflag:s7] =	ssyncset.done $0x0  }
0xb1: {  	s24 =	rddreg [dreg:$0x6];
	[sflag:s7] =	ssyncadd.s32 $0xFFFFCC00  }
0xb2: {  	[hbm4b:s24+s4] =	stream.linear.scatter [tilespmem:s8], [sflag:$0x3], $0x3400, $0x38;
	[tilespmem:$0x1E900] =	vst v63  }
0xb3: {  	s25 =	rddreg [dreg:$0xf]  }
0xb4: {  	[tilespmem:s12], [sflag:$0x7] =	stream.linear.gather [spmem:s25], $0x3400, $0x38;
	[tilespmem:$0x1E900] =	vst v63  }
0xb5: {  	_ =	swait.ge [sflag:s7], $0x3400  }
0xb6: {  	[sflag:s7] =	ssyncset.done $0x0  }
0xb7: {  	s21 =	rddreg [dreg:$0x7];
	[sflag:s7] =	ssyncadd.s32 $0xFFFFCC00  }
0xb8: {  	[hbm4b:s21+s4] =	stream.linear.scatter [tilespmem:s12], [sflag:$0x4], $0x3400, $0x38;
	[tilespmem:$0x1E900] =	vst v63  }
0xb9: {  	_ =	swait.ge [sflag:s18], $0x3400  }
0xba: {  	[sflag:s18] =	ssyncset.done $0x0  }
0xbb: {  	s22 =	rddreg [dreg:$0x10];
	[sflag:s18] =	ssyncadd.s32 $0xFFFFCC00  }
0xbc: {  	[tilespmem:s8], [sflag:$0x7] =	stream.linear.gather [spmem:s22], $0x3400, $0x38;
	[tilespmem:$0x1E900] =	vst v63  }
0xbd: {  	_ =	swait.ge [sflag:s7], $0x3400  }
0xbe: {  	[sflag:s7] =	ssyncset.done $0x0  }
0xbf: {  	s23 =	rddreg [dreg:$0x8];
	[sflag:s7] =	ssyncadd.s32 $0xFFFFCC00  }
0xc0: {  	[hbm4b:s23+s4] =	stream.linear.scatter [tilespmem:s8], [sflag:$0x3], $0x3400, $0x38;
	[tilespmem:$0x1E900] =	vst v63  }
0xc1: {  	_ =	swait.ge [sflag:s19], $0x3400  }
0xc2: {  	[sflag:s19] =	ssyncset.done $0x0  }
0xc3: {  	s24 =	rddreg [dreg:$0x11];
	[sflag:s19] =	ssyncadd.s32 $0xFFFFCC00  }
0xc4: {  	[tilespmem:s12], [sflag:$0x7] =	stream.linear.gather [spmem:s24], $0x3400, $0x38;
	[tilespmem:$0x1E900] =	vst v63  }
0xc5: {  	_ =	swait.ge [sflag:s7], $0x3400  }
0xc6: {  	[sflag:s7] =	ssyncset.done $0x0  }
0xc7: {  	s25 =	rddreg [dreg:$0x9];
	[sflag:s7] =	ssyncadd.s32 $0xFFFFCC00  }
0xc8: {  	[hbm4b:s25+s4] =	stream.linear.scatter [tilespmem:s12], [sflag:$0x4], $0x3400, $0x38;
	[tilespmem:$0x1E900] =	vst v63  }
0xc9: {  	_ =	swait.ge [sflag:s18], $0x3400  }
0xca: {  	[sflag:s18] =	ssyncset.done $0x0  }
0xcb: {  	s21 =	rddreg [dreg:$0x12];
	[sflag:s18] =	ssyncadd.s32 $0xFFFFCC00  }
0xcc: {  	[tilespmem:s8], [sflag:$0x7] =	stream.linear.gather [spmem:s21], $0x3400, $0x38;
	[tilespmem:$0x1E900] =	vst v63  }
0xcd: {  	_ =	swait.ge [sflag:s7], $0x3400  }
0xce: {  	[sflag:s7] =	ssyncset.done $0x0  }
0xcf: {  	s22 =	rddreg [dreg:$0xa];
	[sflag:s7] =	ssyncadd.s32 $0xFFFFCC00  }
0xd0: {  	[hbm4b:s22+s4] =	stream.linear.scatter [tilespmem:s8], [sflag:$0x3], $0x3400, $0x38;
	[tilespmem:$0x1E900] =	vst v63  }
0xd1: {  	_ =	swait.ge [sflag:s19], $0x3400  }
0xd2: {  	[sflag:s19] =	ssyncset.done $0x0  }
0xd3: {  	s23 =	rddreg [dreg:$0x13];
	[sflag:s19] =	ssyncadd.s32 $0xFFFFCC00  }
0xd4: {  	[tilespmem:s12], [sflag:$0x7] =	stream.linear.gather [spmem:s23], $0x3400, $0x38;
	[tilespmem:$0x1E900] =	vst v63  }
0xd5: {  	_ =	swait.ge [sflag:s7], $0x3400  }
0xd6: {  	[sflag:s7] =	ssyncset.done $0x0  }
0xd7: {  	s24 =	rddreg [dreg:$0xb];
	[sflag:s7] =	ssyncadd.s32 $0xFFFFCC00  }
0xd8: {  	[hbm4b:s24+s4] =	stream.linear.scatter [tilespmem:s12], [sflag:$0x4], $0x3400, $0x38;
	[tilespmem:$0x1E900] =	vst v63  }
0xd9: {  	_ =	swait.ge [sflag:s18], $0x3400  }
0xda: {  	[sflag:s18] =	ssyncset.done $0x0  }
0xdb: {  	[sflag:s18] =	ssyncadd.s32 $0xFFFFCC00  }
0xdc: {  	_ =	swait.ge [sflag:s19], $0x3400  }
0xdd: {  	[sflag:s19] =	ssyncset.done $0x0  }
0xde: {  	s17 =	simm.s32 @!p0 $0x2900;
	s21 =	simm.s32 @!p0 $0x7;
	[sflag:s19] =	ssyncadd.s32 $0xFFFFCC00  }
0xdf: {  	[tilespmem:s17], [sflag:$0x7] =	stream.linear.gather @!p0 [spmem:s1], $0x800, $0x38;
	[tilespmem:$0x1E900] =	vst v63  }
0xe0: {  	_ =	swait.ge @!p0 [sflag:s21], $0x800  }
0xe1: {  	[sflag:s21] =	ssyncset.done @!p0 $0x0  }
0xe2: {  	s22 =	simm.s32 @!p0 $0x0;
	s23 =	rddreg [dreg:$0x14];
	[sflag:s21] =	ssyncadd.s32 @!p0 $0xFFFFF800  }
0xe3: {  	[hbm4b:s23+s22] =	stream.linear.scatter @!p0 [tilespmem:s17], [sflag:$0x7], $0x800, $0x38;
	[tilespmem:$0x1E900] =	vst v63  }
0xe4: {  	_ =	swait.ge @!p0 [sflag:s21], $0x800  }
0xe5: {  	s20 =	sadd.s32 $0x1, s20;
	s25 =	rddreg [dreg:$0x15]  }
0xe6: {  	p1 =	sne.s32 s20, s25  }
.Ltmp2:
0xe7: {  	_ = 	snop;
	(pc) =	sbr.rel @p1 .LBB2_1-.Ltmp2, $3  }
0xe8: {  	_ =	sdelay $0x1  }
0xe9: {  	[sflag:s21] =	ssyncset.done @!p0 $0x0  }
0xea: {  	[sflag:s21] =	ssyncadd.s32 @!p0 $0xFFFFF800  }
0xeb: {  	_ =	sfence.sel $0x180000  }
0xec: {  	[bflag:$0x0] =	sbarrier.arrive $0xFFFF  }
0xed: {  	_ =	strace $0x90000047  }
0xee: {  	[bflag:$0x2] =	sbarrier.arrive $0xFFFF  }
0xef: {  	s0 =	rddreg [dreg:$0x3]  }
0xf0: {  	s0 =	sadd.s32 @!p0 $0x100000, s0  }
0xf1: {  	[sflag:s0] =	ssyncadd.tile.s32 @!p0 $0x1;
	_ =	shalt  }
.Lfunc_end2:
_tile_overlayer_lowered:
.L_overlay_start_2:
0xf2: {  	(tag) =	ssettag $0x2  }
0xf3: {  	s0 =	rddreg [dreg:$0x0];
	s2 =	stileid.u32  }
0xf4: {  	s1 =	rddreg [dreg:$0x1];
	p0 =	sne.s32 s2, $0x0  }
0xf5: {  	s3 =	rddreg [dreg:$0x2];
	[bflag:$0x3] =	sbarrier.arrive $0xFFFF;
	s2 =	simm.s32 @!p0 $0x1C07  }
0xf6: {  	[timem:s3], [sflag:s2] =	dma.local @!p0 [hbm:s0], s1  }
0xf7: {  	s0 =	simm.s32 @!p0 $0x7  }
0xf8: {  	_ =	swait.ge @!p0 [sflag:s0], s1  }
0xf9: {  	s1 =	ssub.s32 @!p0 $0x0, s1;
	[sflag:s0] =	ssyncset.done @!p0 $0x0  }
0xfa: {  	[sflag:s0] =	ssyncadd.s32 @!p0 s1  }
0xfb: {  	[bflag:$0x3] =	sbarrier.arrive $0xFFFF  }
0xfc: {  	_ =	shalt  }

</sc_bundles>
